<compile_context>
chip_gen: v7x
topology: tpu7x:2x2x1
jax: 0.10.2.dev20260603
libtpu: 0.0.44.dev20260713+nightly
codegen_flags: <defaults>
</compile_context>

<pallas_src>
import jax
import jax.numpy as jnp
from jax import lax
from jax.experimental import pallas as pl
from jax.experimental.pallas import tpu as pltpu
from jax.experimental.pallas import tpu_sc as plsc

_NC = 2
_NS = 16
_NW = _NC * _NS
_B = 128
_GB = 80

_MESH = plsc.VectorSubcoreMesh(core_axis_name="c", subcore_axis_name="s")


def _wid():
    return lax.axis_index("s") * _NC + lax.axis_index("c")



def _sc_embed_deg(emb, ids_p, col3d, zeros_n):
    V, D = emb.shape
    Np = ids_p.shape[0]
    nb_e = col3d.shape[1]
    rows_w = Np // _NW
    rpt = Np // _NS

    def body(emb_h, ids_h, col_h, zn_h, h_out, pdeg0_out, pdeg1_out,
             idx_v, rows_v, cidx_v, ones_v, dacc, sem):
        c = lax.axis_index("c")
        s = lax.axis_index("s")
        w = _wid()
        for k in range(rows_w // _GB):
            base = w * rows_w + k * _GB
            pltpu.sync_copy(ids_h.at[pl.ds(base, _GB)], idx_v)
            pltpu.async_copy(emb_h.at[idx_v], rows_v, sem).wait()
            pltpu.sync_copy(rows_v, h_out.at[pl.ds(base, _GB)])
        t0 = s * rpt
        pltpu.sync_copy(zn_h.at[pl.ds(t0, rpt)], dacc.at[pl.ds(t0, rpt)])
        for j in range(_B // 16):
            ones_v[pl.ds(16 * j, 16)] = jnp.ones((16,), jnp.float32)
        pltpu.sync_copy(col_h.at[w], cidx_v)
        plsc.subcore_barrier()

        def step(j, carry):
            pltpu.sync_copy(ones_v, dacc.at[cidx_v.at[j]], add=True)
            return carry

        lax.fori_loop(0, nb_e, step, 0)
        plsc.subcore_barrier()

        @pl.when(c == 0)
        def _():
            pltpu.sync_copy(dacc.at[pl.ds(t0, rpt)],
                            pdeg0_out.at[pl.ds(t0, rpt)])

        @pl.when(c != 0)
        def _():
            pltpu.sync_copy(dacc.at[pl.ds(t0, rpt)],
                            pdeg1_out.at[pl.ds(t0, rpt)])

    f = pl.kernel(
        body,
        out_type=(jax.ShapeDtypeStruct((Np, D), jnp.float32),
                  jax.ShapeDtypeStruct((Np,), jnp.float32),
                  jax.ShapeDtypeStruct((Np,), jnp.float32)),
        mesh=_MESH,
        scratch_types=[
            pltpu.VMEM((_GB,), jnp.int32),
            pltpu.VMEM((_GB, D), jnp.float32),
            pltpu.VMEM((nb_e, _B), jnp.int32),
            pltpu.VMEM((_B,), jnp.float32),
            pltpu.VMEM_SHARED((Np,), jnp.float32),
            pltpu.SemaphoreType.DMA,
        ],
    )
    return f(emb, ids_p, col3d, zeros_n)


def _sc_edge_agg(zt, row3d, col3d, zeros_nd):
    Np, D = zt.shape
    nb = row3d.shape[1]
    rpt = Np // _NS

    def body(zt_h, row_h, col_h, zn_h, p_out,
             ridx, cidx, rows_v, acc, sem):
        c = lax.axis_index("c")
        s = lax.axis_index("s")
        w = _wid()
        t0 = s * rpt

        @pl.when(c == 0)
        def _():
            pltpu.sync_copy(zt_h.at[pl.ds(t0, rpt)], acc.at[pl.ds(t0, rpt)])

        @pl.when(c != 0)
        def _():
            pltpu.sync_copy(zn_h.at[pl.ds(t0, rpt)], acc.at[pl.ds(t0, rpt)])

        pltpu.sync_copy(row_h.at[w], ridx)
        pltpu.sync_copy(col_h.at[w], cidx)
        plsc.subcore_barrier()

        def step(j, carry):
            pltpu.async_copy(zt_h.at[ridx.at[j]], rows_v, sem).wait()
            pltpu.sync_copy(rows_v, acc.at[cidx.at[j]], add=True)
            return carry

        lax.fori_loop(0, nb, step, 0)
        plsc.subcore_barrier()
        pltpu.sync_copy(acc.at[pl.ds(t0, rpt)], p_out.at[c, pl.ds(t0, rpt)])

    f = pl.kernel(
        body,
        out_type=jax.ShapeDtypeStruct((_NC, Np, D), jnp.float32),
        mesh=_MESH,
        scratch_types=[
            pltpu.VMEM((nb, _B), jnp.int32),
            pltpu.VMEM((nb, _B), jnp.int32),
            pltpu.VMEM((_B, D), jnp.float32),
            pltpu.VMEM_SHARED((Np, D), jnp.float32),
            pltpu.SemaphoreType.DMA,
        ],
    )
    return f(zt, row3d, col3d, zeros_nd)


def _sc_take(h, tgt):
    Np, D = h.shape
    T = tgt.shape[0]
    rw = T // _NW

    def body(h_h, t_h, o_h, idx_v, rows_v, sem):
        base = _wid() * rw
        pltpu.sync_copy(t_h.at[pl.ds(base, rw)], idx_v)
        pltpu.async_copy(h_h.at[idx_v], rows_v, sem).wait()
        pltpu.sync_copy(rows_v, o_h.at[pl.ds(base, rw)])

    f = pl.kernel(
        body,
        out_type=jax.ShapeDtypeStruct((T, D), jnp.float32),
        mesh=_MESH,
        scratch_types=[
            pltpu.VMEM((rw,), jnp.int32),
            pltpu.VMEM((rw, D), jnp.float32),
            pltpu.SemaphoreType.DMA,
        ],
    )
    return f(h, tgt)



_BLK = 1024


def _dinv_blk(d0_ref, d1_ref):
    deg = d0_ref[...] + d1_ref[...] + 1.0
    return lax.rsqrt(deg)


def _mm_scale_body(h_ref, w_ref, d0_ref, d1_ref, o_ref):
    dinv = _dinv_blk(d0_ref, d1_ref)
    z = jnp.dot(h_ref[...], w_ref[...], preferred_element_type=jnp.float32)
    o_ref[...] = z * dinv


def _ln_relu(t, g, b):
    m = jnp.mean(t, axis=-1, keepdims=True)
    cdev = t - m
    v = jnp.mean(cdev * cdev, axis=-1, keepdims=True)
    return jnp.maximum(cdev * lax.rsqrt(v + 1e-5) * g + b, 0.0)


def _agg_ln_mm_body(p_ref, d0_ref, d1_ref, b_ref, g_ref, bb_ref, w_ref,
                    o_ref):
    dinv = _dinv_blk(d0_ref, d1_ref)
    t = (p_ref[0] + p_ref[1]) * dinv + b_ref[...]
    hr = _ln_relu(t, g_ref[...], bb_ref[...])
    o_ref[...] = jnp.dot(hr, w_ref[...],
                         preferred_element_type=jnp.float32) * dinv


def _agg_ln_body(p_ref, d0_ref, d1_ref, b_ref, g_ref, bb_ref, o_ref):
    dinv = _dinv_blk(d0_ref, d1_ref)
    t = (p_ref[0] + p_ref[1]) * dinv + b_ref[...]
    o_ref[...] = _ln_relu(t, g_ref[...], bb_ref[...])


def _mlp_body(t_ref, w0, b0, g0, bb0, w1, b1, g1, bb1, wo, bo, o_ref):
    t = t_ref[...]
    for w, b, g, bb in ((w0, b0, g0, bb0), (w1, b1, g1, bb1)):
        z = jnp.dot(t, w[...], preferred_element_type=jnp.float32) + b[...]
        t = _ln_relu(z, g[...], bb[...])
    o_ref[...] = jnp.dot(t, wo[...], preferred_element_type=jnp.float32) \
        + bo[...]


def _row_spec(d):
    return pl.BlockSpec((_BLK, d), lambda i: (i, 0))


def _full_spec(shape):
    nd = len(shape)
    return pl.BlockSpec(shape, lambda i, _n=nd: (0,) * _n)


def _tc_mm_scale(h, w, d0, d1):
    Np, D = h.shape
    return pl.pallas_call(
        _mm_scale_body,
        grid=(Np // _BLK,),
        in_specs=[_row_spec(D), _full_spec((D, D)),
                  _row_spec(1), _row_spec(1)],
        out_specs=_row_spec(D),
        out_shape=jax.ShapeDtypeStruct((Np, D), jnp.float32),
    )(h, w, d0, d1)


def _tc_agg_ln_mm(p, d0, d1, b, g, bb, w_next):
    _, Np, D = p.shape
    return pl.pallas_call(
        _agg_ln_mm_body,
        grid=(Np // _BLK,),
        in_specs=[pl.BlockSpec((_NC, _BLK, D), lambda i: (0, i, 0)),
                  _row_spec(1), _row_spec(1),
                  _full_spec((1, D)), _full_spec((1, D)), _full_spec((1, D)),
                  _full_spec((D, D))],
        out_specs=_row_spec(D),
        out_shape=jax.ShapeDtypeStruct((Np, D), jnp.float32),
    )(p, d0, d1, b, g, bb, w_next)


def _tc_agg_ln(p, d0, d1, b, g, bb):
    _, Np, D = p.shape
    return pl.pallas_call(
        _agg_ln_body,
        grid=(Np // _BLK,),
        in_specs=[pl.BlockSpec((_NC, _BLK, D), lambda i: (0, i, 0)),
                  _row_spec(1), _row_spec(1),
                  _full_spec((1, D)), _full_spec((1, D)), _full_spec((1, D))],
        out_specs=_row_spec(D),
        out_shape=jax.ShapeDtypeStruct((Np, D), jnp.float32),
    )(p, d0, d1, b, g, bb)


def _tc_mlp(ht, lin_W, lin_b, lin_g, lin_beta, out_W, out_b):
    T, D = ht.shape
    OUT = out_W.shape[1]
    args = [ht]
    specs = [_full_spec((T, D))]
    for i in range(2):
        args += [lin_W[i], lin_b[i].reshape(1, D), lin_g[i].reshape(1, D),
                 lin_beta[i].reshape(1, D)]
        specs += [_full_spec((D, D)), _full_spec((1, D)),
                  _full_spec((1, D)), _full_spec((1, D))]
    args += [out_W, out_b.reshape(1, OUT)]
    specs += [_full_spec((D, OUT)), _full_spec((1, OUT))]
    return pl.pallas_call(
        _mlp_body,
        grid=(1,),
        in_specs=specs,
        out_specs=_full_spec((T, OUT)),
        out_shape=jax.ShapeDtypeStruct((T, OUT), jnp.float32),
    )(*args)



def kernel(x, edge_index, target_indices, emb, conv_W, conv_b, conv_g,
           conv_beta, lin_W, lin_b, lin_g, lin_beta, out_W, out_b):
    N = x.shape[0]
    E = edge_index.shape[1]
    V, D = emb.shape
    L_GNN = conv_W.shape[0]

    Np = -(-N // (_NW * _GB)) * (_NW * _GB)
    Ep = -(-E // (_NW * _B)) * (_NW * _B)

    ids_p = jnp.pad(jnp.ravel(x).astype(jnp.int32), (0, Np - N))
    row_p = jnp.pad(edge_index[0].astype(jnp.int32), (0, Ep - E),
                    constant_values=N)
    col_p = jnp.pad(edge_index[1].astype(jnp.int32), (0, Ep - E),
                    constant_values=N)
    nb = Ep // (_NW * _B)
    row3d = row_p.reshape(_NW, nb, _B)
    col3d = col_p.reshape(_NW, nb, _B)
    tgt = target_indices.astype(jnp.int32)
    zeros_n = jnp.zeros((Np,), jnp.float32)
    zeros_nd = jnp.zeros((Np, D), jnp.float32)

    h, pdeg0, pdeg1 = _sc_embed_deg(emb, ids_p, col3d, zeros_n)
    d0 = pdeg0.reshape(Np, 1)
    d1 = pdeg1.reshape(Np, 1)

    zt = _tc_mm_scale(h, conv_W[0], d0, d1)
    h3 = None
    for i in range(L_GNN):
        p = _sc_edge_agg(zt, row3d, col3d, zeros_nd)
        b = conv_b[i].reshape(1, D)
        g = conv_g[i].reshape(1, D)
        bb = conv_beta[i].reshape(1, D)
        if i + 1 < L_GNN:
            zt = _tc_agg_ln_mm(p, d0, d1, b, g, bb, conv_W[i + 1])
        else:
            h3 = _tc_agg_ln(p, d0, d1, b, g, bb)

    ht = _sc_take(h3, tgt)
    return _tc_mlp(ht, lin_W, lin_b, lin_g, lin_beta, out_W, out_b)

# --- scband reference (transcript-rebuilt; emitter-appended) ---
"""Pipeline reference for scband-gnn-classification-82411832476335 (READ-ONLY COPY).

The authoritative reference and input builder live on the scoring server;
editing this copy changes nothing except your own understanding.
"""

import jax, jax.numpy as jnp
import numpy as np

N = 10000
E = 320000
D = 128
V = 10000
L_GNN = 3
L_LIN = 2
OUT = 10
T = 2048


def setup_inputs(seed: int = 0) -> dict:
    key = jax.random.key(seed)
    ks = jax.random.split(key, 12)
    x = jax.random.randint(ks[0], (N, 1), 0, V, dtype=jnp.int64 if jax.config.jax_enable_x64 else jnp.int32)
    edge_index = jax.random.randint(ks[1], (2, E), 0, N)
    target_indices = jax.random.randint(ks[2], (T,), 0, N)
    emb = jax.random.normal(ks[3], (V, D), jnp.float32) * 0.02
    conv_W = jax.random.normal(ks[4], (L_GNN, D, D), jnp.float32) * (1.0 / np.sqrt(D))
    conv_b = jnp.zeros((L_GNN, D), jnp.float32)
    conv_g = jnp.ones((L_GNN, D), jnp.float32)
    conv_beta = jnp.zeros((L_GNN, D), jnp.float32)
    lin_W = jax.random.normal(ks[5], (L_LIN, D, D), jnp.float32) * (1.0 / np.sqrt(D))
    lin_b = jnp.zeros((L_LIN, D), jnp.float32)
    lin_g = jnp.ones((L_LIN, D), jnp.float32)
    lin_beta = jnp.zeros((L_LIN, D), jnp.float32)
    out_W = jax.random.normal(ks[6], (D, OUT), jnp.float32) * (1.0 / np.sqrt(D))
    out_b = jnp.zeros((OUT,), jnp.float32)
    return {"x": x, "edge_index": edge_index, "target_indices": target_indices,
            "emb": emb, "conv_W": conv_W, "conv_b": conv_b, "conv_g": conv_g, "conv_beta": conv_beta,
            "lin_W": lin_W, "lin_b": lin_b, "lin_g": lin_g, "lin_beta": lin_beta,
            "out_W": out_W, "out_b": out_b}


def _ln(h, g, b):
    m = jnp.mean(h, axis=-1, keepdims=True)
    v = jnp.var(h, axis=-1, keepdims=True)
    return (h - m) / jnp.sqrt(v + 1e-5) * g + b


def reference(x, edge_index, target_indices, emb, conv_W, conv_b, conv_g, conv_beta, lin_W, lin_b, lin_g, lin_beta, out_W, out_b):
    # feature_size == 1 path: ravel ids then embedding lookup
    ids = jnp.ravel(x)
    h = jnp.take(emb, ids, axis=0)
    # GCNConv with self-loops and symmetric normalization (same graph each layer)
    loops = jnp.arange(N)
    row = jnp.concatenate([edge_index[0], loops])
    col = jnp.concatenate([edge_index[1], loops])
    deg = jnp.zeros((N,), jnp.float32).at[col].add(1.0)
    dinv = jnp.where(deg > 0, deg ** -0.5, 0.0)
    norm = dinv[row] * dinv[col]
    for i in range(L_GNN):
        z = h @ conv_W[i]
        msg = jnp.take(z, row, axis=0) * norm[:, None]
        z = jax.ops.segment_sum(msg, col, num_segments=N) + conv_b[i]
        z = _ln(z, conv_g[i], conv_beta[i])
        h = jax.nn.relu(z)
    h = jnp.take(h, jnp.ravel(target_indices), axis=0)
    for i in range(L_LIN):
        h = _ln(h @ lin_W[i] + lin_b[i], lin_g[i], lin_beta[i])
        h = jax.nn.relu(h)
    return h @ out_W + out_b

if __name__ == "__main__":
    import jax
    _d = setup_inputs()
    print(jax.jit(kernel)(*tuple(_d.values())))

</pallas_src>

<mosaic_0001>
#map = affine_map<(d0, d1) -> (0, 0)>
#map1 = affine_map<(d0, d1) -> (0, 0, 0)>
module attributes {stable_mosaic.version = 14 : i64} {
  func.func @body(%arg0: i32, %arg1: i32, %arg2: memref<10240x128xf32, #tpu.memory_space<hbm>>, %arg3: memref<32x79x128xi32, #tpu.memory_space<hbm>>, %arg4: memref<32x79x128xi32, #tpu.memory_space<hbm>>, %arg5: memref<10240x128xf32, #tpu.memory_space<hbm>>, %arg6: memref<2x10240x128xf32, #tpu.memory_space<hbm>>, %arg7: memref<79x128xi32, #tpu.memory_space<vmem>>, %arg8: memref<79x128xi32, #tpu.memory_space<vmem>>, %arg9: memref<128x128xf32, #tpu.memory_space<vmem>>, %arg10: memref<10240x128xf32, #tpu.memory_space<vmem_shared>>, %arg11: memref<!tpu.dma_semaphore, #tpu.memory_space<semaphore_mem>>) attributes {dimension_semantics = [#tpu.dimension_semantics<core_parallel>, #tpu.dimension_semantics<subcore_parallel>], iteration_bounds = array<i64: 2, 16>, scalar_prefetch = 0 : i64, scratch_operands = 5 : i64, tpu.core_type = #tpu.core_type<sc_vector_subcore>, window_params = [{transform_indices = #map}, {transform_indices = #map1}, {transform_indices = #map1}, {transform_indices = #map}, {transform_indices = #map1}]} {
    %mul3A = arith.constant 2 : i32
    %mul3A_0 = arith.muli %arg1, %mul3A : i32
    %add3A = arith.addi %mul3A_0, %arg0 : i32
    %mul3A_1 = arith.constant 640 : i32
    %mul3A_2 = arith.muli %arg1, %mul3A_1 : i32
    %eq3A = arith.constant 0 : i32
    %eq3A_3 = arith.cmpi eq, %arg0, %eq3A : i32
    %convert_element_type3A = arith.extui %eq3A_3 : i1 to i32
    %cond3A = arith.constant 0 : i32
    %cond3A_4 = arith.cmpi ne, %convert_element_type3A, %cond3A : i32
    scf.if %cond3A_4 {
      "tpu.region"() ({
        %run_scoped3A = tpu.sem_alloc : memref<!tpu.dma_semaphore, #tpu.memory_space<semaphore_mem>>
        %dma_start3A = arith.constant 0 : i32
        %dma_start3A_15 = tpu.memref_slice %arg10[%mul3A_2, %dma_start3A] : memref<10240x128xf32, #tpu.memory_space<vmem_shared>> -> memref<640x128xf32, #tpu.memory_space<vmem_shared>>
        %dma_start3A_16 = arith.constant 0 : i32
        %dma_start3A_17 = tpu.memref_slice %arg2[%mul3A_2, %dma_start3A_16] : memref<10240x128xf32, #tpu.memory_space<hbm>> -> memref<640x128xf32, #tpu.memory_space<hbm>>
        tpu.enqueue_dma source(%dma_start3A_17 : memref<640x128xf32, #tpu.memory_space<hbm>>) target(%dma_start3A_15 : memref<640x128xf32, #tpu.memory_space<vmem_shared>>) target_semaphore(%run_scoped3A : memref<!tpu.dma_semaphore, #tpu.memory_space<semaphore_mem>>)
        %dma_wait3A = arith.constant 0 : i32
        %dma_wait3A_18 = tpu.memref_slice %arg10[%mul3A_2, %dma_wait3A] : memref<10240x128xf32, #tpu.memory_space<vmem_shared>> -> memref<640x128xf32, #tpu.memory_space<vmem_shared>>
        %dma_wait3A_19 = arith.constant 0 : i32
        %dma_wait3A_20 = tpu.memref_slice %arg2[%mul3A_2, %dma_wait3A_19] : memref<10240x128xf32, #tpu.memory_space<hbm>> -> memref<640x128xf32, #tpu.memory_space<hbm>>
        tpu.wait_dma2 semaphore(%run_scoped3A : memref<!tpu.dma_semaphore, #tpu.memory_space<semaphore_mem>>) src(%dma_wait3A_20 : memref<640x128xf32, #tpu.memory_space<hbm>>) dst(%dma_wait3A_18 : memref<640x128xf32, #tpu.memory_space<vmem_shared>>)
        tpu.yield
      }) : () -> ()
    } else {
    }
    %ne3A = arith.constant 0 : i32
    %ne3A_5 = arith.cmpi ne, %arg0, %ne3A : i32
    %convert_element_type3A_6 = arith.extui %ne3A_5 : i1 to i32
    %cond3A_7 = arith.constant 0 : i32
    %cond3A_8 = arith.cmpi ne, %convert_element_type3A_6, %cond3A_7 : i32
    scf.if %cond3A_8 {
      "tpu.region"() ({
        %run_scoped3A = tpu.sem_alloc : memref<!tpu.dma_semaphore, #tpu.memory_space<semaphore_mem>>
        %dma_start3A = arith.constant 0 : i32
        %dma_start3A_15 = tpu.memref_slice %arg10[%mul3A_2, %dma_start3A] : memref<10240x128xf32, #tpu.memory_space<vmem_shared>> -> memref<640x128xf32, #tpu.memory_space<vmem_shared>>
        %dma_start3A_16 = arith.constant 0 : i32
        %dma_start3A_17 = tpu.memref_slice %arg5[%mul3A_2, %dma_start3A_16] : memref<10240x128xf32, #tpu.memory_space<hbm>> -> memref<640x128xf32, #tpu.memory_space<hbm>>
        tpu.enqueue_dma source(%dma_start3A_17 : memref<640x128xf32, #tpu.memory_space<hbm>>) target(%dma_start3A_15 : memref<640x128xf32, #tpu.memory_space<vmem_shared>>) target_semaphore(%run_scoped3A : memref<!tpu.dma_semaphore, #tpu.memory_space<semaphore_mem>>)
        %dma_wait3A = arith.constant 0 : i32
        %dma_wait3A_18 = tpu.memref_slice %arg10[%mul3A_2, %dma_wait3A] : memref<10240x128xf32, #tpu.memory_space<vmem_shared>> -> memref<640x128xf32, #tpu.memory_space<vmem_shared>>
        %dma_wait3A_19 = arith.constant 0 : i32
        %dma_wait3A_20 = tpu.memref_slice %arg5[%mul3A_2, %dma_wait3A_19] : memref<10240x128xf32, #tpu.memory_space<hbm>> -> memref<640x128xf32, #tpu.memory_space<hbm>>
        tpu.wait_dma2 semaphore(%run_scoped3A : memref<!tpu.dma_semaphore, #tpu.memory_space<semaphore_mem>>) src(%dma_wait3A_20 : memref<640x128xf32, #tpu.memory_space<hbm>>) dst(%dma_wait3A_18 : memref<640x128xf32, #tpu.memory_space<vmem_shared>>)
        tpu.yield
      }) : () -> ()
    } else {
    }
    "tpu.region"() ({
      %run_scoped3A = tpu.sem_alloc : memref<!tpu.dma_semaphore, #tpu.memory_space<semaphore_mem>>
      %dma_start3A = arith.constant 0 : i32
      %dma_start3A_15 = arith.constant 0 : i32
      %dma_start3A_16 = tpu.memref_slice %arg3[%add3A, %dma_start3A, %dma_start3A_15] : memref<32x79x128xi32, #tpu.memory_space<hbm>> -> memref<1x79x128xi32, #tpu.memory_space<hbm>>
      %dma_start3A_17 = tpu.memref_squeeze %dma_start3A_16 : memref<1x79x128xi32, #tpu.memory_space<hbm>> -> memref<79x128xi32, #tpu.memory_space<hbm>>
      %dma_start3A_18 = arith.constant 0 : i32
      %dma_start3A_19 = arith.constant 0 : i32
      %dma_start3A_20 = tpu.memref_slice %arg3[%add3A, %dma_start3A_18, %dma_start3A_19] : memref<32x79x128xi32, #tpu.memory_space<hbm>> -> memref<1x79x128xi32, #tpu.memory_space<hbm>>
      %dma_start3A_21 = tpu.memref_squeeze %dma_start3A_20 : memref<1x79x128xi32, #tpu.memory_space<hbm>> -> memref<79x128xi32, #tpu.memory_space<hbm>>
      tpu.enqueue_dma source(%dma_start3A_21 : memref<79x128xi32, #tpu.memory_space<hbm>>) target(%arg7 : memref<79x128xi32, #tpu.memory_space<vmem>>) target_semaphore(%run_scoped3A : memref<!tpu.dma_semaphore, #tpu.memory_space<semaphore_mem>>)
      %dma_wait3A = arith.constant 0 : i32
      %dma_wait3A_22 = arith.constant 0 : i32
      %dma_wait3A_23 = tpu.memref_slice %arg3[%add3A, %dma_wait3A, %dma_wait3A_22] : memref<32x79x128xi32, #tpu.memory_space<hbm>> -> memref<1x79x128xi32, #tpu.memory_space<hbm>>
      %dma_wait3A_24 = tpu.memref_squeeze %dma_wait3A_23 : memref<1x79x128xi32, #tpu.memory_space<hbm>> -> memref<79x128xi32, #tpu.memory_space<hbm>>
      %dma_wait3A_25 = arith.constant 0 : i32
      %dma_wait3A_26 = arith.constant 0 : i32
      %dma_wait3A_27 = tpu.memref_slice %arg3[%add3A, %dma_wait3A_25, %dma_wait3A_26] : memref<32x79x128xi32, #tpu.memory_space<hbm>> -> memref<1x79x128xi32, #tpu.memory_space<hbm>>
      %dma_wait3A_28 = tpu.memref_squeeze %dma_wait3A_27 : memref<1x79x128xi32, #tpu.memory_space<hbm>> -> memref<79x128xi32, #tpu.memory_space<hbm>>
      tpu.wait_dma2 semaphore(%run_scoped3A : memref<!tpu.dma_semaphore, #tpu.memory_space<semaphore_mem>>) src(%dma_wait3A_28 : memref<79x128xi32, #tpu.memory_space<hbm>>) dst(%arg7 : memref<79x128xi32, #tpu.memory_space<vmem>>)
      tpu.yield
    }) : () -> ()
    "tpu.region"() ({
      %run_scoped3A = tpu.sem_alloc : memref<!tpu.dma_semaphore, #tpu.memory_space<semaphore_mem>>
      %dma_start3A = arith.constant 0 : i32
      %dma_start3A_15 = arith.constant 0 : i32
      %dma_start3A_16 = tpu.memref_slice %arg4[%add3A, %dma_start3A, %dma_start3A_15] : memref<32x79x128xi32, #tpu.memory_space<hbm>> -> memref<1x79x128xi32, #tpu.memory_space<hbm>>
      %dma_start3A_17 = tpu.memref_squeeze %dma_start3A_16 : memref<1x79x128xi32, #tpu.memory_space<hbm>> -> memref<79x128xi32, #tpu.memory_space<hbm>>
      %dma_start3A_18 = arith.constant 0 : i32
      %dma_start3A_19 = arith.constant 0 : i32
      %dma_start3A_20 = tpu.memref_slice %arg4[%add3A, %dma_start3A_18, %dma_start3A_19] : memref<32x79x128xi32, #tpu.memory_space<hbm>> -> memref<1x79x128xi32, #tpu.memory_space<hbm>>
      %dma_start3A_21 = tpu.memref_squeeze %dma_start3A_20 : memref<1x79x128xi32, #tpu.memory_space<hbm>> -> memref<79x128xi32, #tpu.memory_space<hbm>>
      tpu.enqueue_dma source(%dma_start3A_21 : memref<79x128xi32, #tpu.memory_space<hbm>>) target(%arg8 : memref<79x128xi32, #tpu.memory_space<vmem>>) target_semaphore(%run_scoped3A : memref<!tpu.dma_semaphore, #tpu.memory_space<semaphore_mem>>)
      %dma_wait3A = arith.constant 0 : i32
      %dma_wait3A_22 = arith.constant 0 : i32
      %dma_wait3A_23 = tpu.memref_slice %arg4[%add3A, %dma_wait3A, %dma_wait3A_22] : memref<32x79x128xi32, #tpu.memory_space<hbm>> -> memref<1x79x128xi32, #tpu.memory_space<hbm>>
      %dma_wait3A_24 = tpu.memref_squeeze %dma_wait3A_23 : memref<1x79x128xi32, #tpu.memory_space<hbm>> -> memref<79x128xi32, #tpu.memory_space<hbm>>
      %dma_wait3A_25 = arith.constant 0 : i32
      %dma_wait3A_26 = arith.constant 0 : i32
      %dma_wait3A_27 = tpu.memref_slice %arg4[%add3A, %dma_wait3A_25, %dma_wait3A_26] : memref<32x79x128xi32, #tpu.memory_space<hbm>> -> memref<1x79x128xi32, #tpu.memory_space<hbm>>
      %dma_wait3A_28 = tpu.memref_squeeze %dma_wait3A_27 : memref<1x79x128xi32, #tpu.memory_space<hbm>> -> memref<79x128xi32, #tpu.memory_space<hbm>>
      tpu.wait_dma2 semaphore(%run_scoped3A : memref<!tpu.dma_semaphore, #tpu.memory_space<semaphore_mem>>) src(%dma_wait3A_28 : memref<79x128xi32, #tpu.memory_space<hbm>>) dst(%arg8 : memref<79x128xi32, #tpu.memory_space<vmem>>)
      tpu.yield
    }) : () -> ()
    %barrier3A = arith.constant 0 : index
    tpu.barrier barrier_id(%barrier3A)
    %scan3A = arith.constant 0 : i32
    %scan3A_9 = arith.constant 0 : i32
    %scan3A_10 = arith.constant 79 : i32
    %scan3A_11 = arith.addi %scan3A_9, %scan3A_10 : i32
    %scan3A_12 = arith.constant 1 : i32
    scf.for %scan3A_15 = %scan3A_9 to %scan3A_11 step %scan3A_12  : i32 {
      %dma_start3A = arith.constant 0 : i32
      %dma_start3A_16 = tpu.memref_slice %arg7[%scan3A_15, %dma_start3A] : memref<79x128xi32, #tpu.memory_space<vmem>> -> memref<1x128xi32, #tpu.memory_space<vmem>>
      %dma_start3A_17 = tpu.memref_squeeze %dma_start3A_16 : memref<1x128xi32, #tpu.memory_space<vmem>> -> memref<128xi32, #tpu.memory_space<vmem>>
      %dma_start3A_18 = arith.constant 0 : i32
      %dma_start3A_19 = arith.constant 0 : i32
      %dma_start3A_20 = tpu.memref_slice %arg2[%dma_start3A_18, %dma_start3A_19] : memref<10240x128xf32, #tpu.memory_space<hbm>> -> memref<10240x128xf32, #tpu.memory_space<hbm>>
      tpu.enqueue_indirect_dma source(%dma_start3A_20 : memref<10240x128xf32, #tpu.memory_space<hbm>>) target(%arg9 : memref<128x128xf32, #tpu.memory_space<vmem>>) offsets(%dma_start3A_17 : memref<128xi32, #tpu.memory_space<vmem>>) semaphore(%arg11 : memref<!tpu.dma_semaphore, #tpu.memory_space<semaphore_mem>>)
      %dma_wait3A = arith.constant 0 : i32
      %dma_wait3A_21 = tpu.memref_slice %arg7[%scan3A_15, %dma_wait3A] : memref<79x128xi32, #tpu.memory_space<vmem>> -> memref<1x128xi32, #tpu.memory_space<vmem>>
      %dma_wait3A_22 = tpu.memref_squeeze %dma_wait3A_21 : memref<1x128xi32, #tpu.memory_space<vmem>> -> memref<128xi32, #tpu.memory_space<vmem>>
      %dma_wait3A_23 = arith.constant 0 : i32
      %dma_wait3A_24 = arith.constant 0 : i32
      %dma_wait3A_25 = tpu.memref_slice %arg2[%dma_wait3A_23, %dma_wait3A_24] : memref<10240x128xf32, #tpu.memory_space<hbm>> -> memref<10240x128xf32, #tpu.memory_space<hbm>>
      tpu.wait_indirect_dma semaphore(%arg11 : memref<!tpu.dma_semaphore, #tpu.memory_space<semaphore_mem>>) src(%dma_wait3A_25 : memref<10240x128xf32, #tpu.memory_space<hbm>>) dst(%arg9 : memref<128x128xf32, #tpu.memory_space<vmem>>)
      "tpu.region"() ({
        %run_scoped3A = tpu.sem_alloc : memref<!tpu.dma_semaphore, #tpu.memory_space<semaphore_mem>>
        %dma_start3A_26 = arith.constant 0 : i32
        %dma_start3A_27 = tpu.memref_slice %arg8[%scan3A_15, %dma_start3A_26] : memref<79x128xi32, #tpu.memory_space<vmem>> -> memref<1x128xi32, #tpu.memory_space<vmem>>
        %dma_start3A_28 = tpu.memref_squeeze %dma_start3A_27 : memref<1x128xi32, #tpu.memory_space<vmem>> -> memref<128xi32, #tpu.memory_space<vmem>>
        %dma_start3A_29 = arith.constant 0 : i32
        %dma_start3A_30 = arith.constant 0 : i32
        %dma_start3A_31 = tpu.memref_slice %arg10[%dma_start3A_29, %dma_start3A_30] : memref<10240x128xf32, #tpu.memory_space<vmem_shared>> -> memref<10240x128xf32, #tpu.memory_space<vmem_shared>>
        tpu.enqueue_indirect_dma source(%arg9 : memref<128x128xf32, #tpu.memory_space<vmem>>) target(%dma_start3A_31 : memref<10240x128xf32, #tpu.memory_space<vmem_shared>>) offsets(%dma_start3A_28 : memref<128xi32, #tpu.memory_space<vmem>>) semaphore(%run_scoped3A : memref<!tpu.dma_semaphore, #tpu.memory_space<semaphore_mem>>) {add = true}
        %dma_wait3A_32 = arith.constant 0 : i32
        %dma_wait3A_33 = tpu.memref_slice %arg8[%scan3A_15, %dma_wait3A_32] : memref<79x128xi32, #tpu.memory_space<vmem>> -> memref<1x128xi32, #tpu.memory_space<vmem>>
        %dma_wait3A_34 = tpu.memref_squeeze %dma_wait3A_33 : memref<1x128xi32, #tpu.memory_space<vmem>> -> memref<128xi32, #tpu.memory_space<vmem>>
        %dma_wait3A_35 = arith.constant 0 : i32
        %dma_wait3A_36 = arith.constant 0 : i32
        %dma_wait3A_37 = tpu.memref_slice %arg10[%dma_wait3A_35, %dma_wait3A_36] : memref<10240x128xf32, #tpu.memory_space<vmem_shared>> -> memref<10240x128xf32, #tpu.memory_space<vmem_shared>>
        tpu.wait_indirect_dma semaphore(%run_scoped3A : memref<!tpu.dma_semaphore, #tpu.memory_space<semaphore_mem>>) src(%arg9 : memref<128x128xf32, #tpu.memory_space<vmem>>) dst(%dma_wait3A_37 : memref<10240x128xf32, #tpu.memory_space<vmem_shared>>)
        tpu.yield
      }) : () -> ()
    }
    %scan3A_13 = arith.constant 79 : i32
    %barrier3A_14 = arith.constant 0 : index
    tpu.barrier barrier_id(%barrier3A_14)
    "tpu.region"() ({
      %run_scoped3A = tpu.sem_alloc : memref<!tpu.dma_semaphore, #tpu.memory_space<semaphore_mem>>
      %dma_start3A = arith.constant 0 : i32
      %dma_start3A_15 = tpu.memref_slice %arg6[%arg0, %mul3A_2, %dma_start3A] : memref<2x10240x128xf32, #tpu.memory_space<hbm>> -> memref<1x640x128xf32, #tpu.memory_space<hbm>>
      %dma_start3A_16 = tpu.memref_squeeze %dma_start3A_15 : memref<1x640x128xf32, #tpu.memory_space<hbm>> -> memref<640x128xf32, #tpu.memory_space<hbm>>
      %dma_start3A_17 = arith.constant 0 : i32
      %dma_start3A_18 = tpu.memref_slice %arg10[%mul3A_2, %dma_start3A_17] : memref<10240x128xf32, #tpu.memory_space<vmem_shared>> -> memref<640x128xf32, #tpu.memory_space<vmem_shared>>
      tpu.enqueue_dma source(%dma_start3A_18 : memref<640x128xf32, #tpu.memory_space<vmem_shared>>) target(%dma_start3A_16 : memref<640x128xf32, #tpu.memory_space<hbm>>) target_semaphore(%run_scoped3A : memref<!tpu.dma_semaphore, #tpu.memory_space<semaphore_mem>>)
      %dma_wait3A = arith.constant 0 : i32
      %dma_wait3A_19 = tpu.memref_slice %arg6[%arg0, %mul3A_2, %dma_wait3A] : memref<2x10240x128xf32, #tpu.memory_space<hbm>> -> memref<1x640x128xf32, #tpu.memory_space<hbm>>
      %dma_wait3A_20 = tpu.memref_squeeze %dma_wait3A_19 : memref<1x640x128xf32, #tpu.memory_space<hbm>> -> memref<640x128xf32, #tpu.memory_space<hbm>>
      %dma_wait3A_21 = arith.constant 0 : i32
      %dma_wait3A_22 = tpu.memref_slice %arg10[%mul3A_2, %dma_wait3A_21] : memref<10240x128xf32, #tpu.memory_space<vmem_shared>> -> memref<640x128xf32, #tpu.memory_space<vmem_shared>>
      tpu.wait_dma2 semaphore(%run_scoped3A : memref<!tpu.dma_semaphore, #tpu.memory_space<semaphore_mem>>) src(%dma_wait3A_22 : memref<640x128xf32, #tpu.memory_space<vmem_shared>>) dst(%dma_wait3A_20 : memref<640x128xf32, #tpu.memory_space<hbm>>)
      tpu.yield
    }) : () -> ()
    return
  }
}

#map = affine_map<(d0, d1) -> (0, 0)>
#map1 = affine_map<(d0, d1) -> (0)>
#map2 = affine_map<(d0, d1) -> (0, 0, 0)>
module attributes {stable_mosaic.version = 14 : i64} {
  func.func @body(%arg0: i32, %arg1: i32, %arg2: memref<10000x128xf32, #tpu.memory_space<hbm>>, %arg3: memref<10240xi32, #tpu.memory_space<hbm>>, %arg4: memref<32x79x128xi32, #tpu.memory_space<hbm>>, %arg5: memref<10240xf32, #tpu.memory_space<hbm>>, %arg6: memref<10240x128xf32, #tpu.memory_space<hbm>>, %arg7: memref<10240xf32, #tpu.memory_space<hbm>>, %arg8: memref<10240xf32, #tpu.memory_space<hbm>>, %arg9: memref<80xi32, #tpu.memory_space<vmem>>, %arg10: memref<80x128xf32, #tpu.memory_space<vmem>>, %arg11: memref<79x128xi32, #tpu.memory_space<vmem>>, %arg12: memref<128xf32, #tpu.memory_space<vmem>>, %arg13: memref<10240xf32, #tpu.memory_space<vmem_shared>>, %arg14: memref<!tpu.dma_semaphore, #tpu.memory_space<semaphore_mem>>) attributes {dimension_semantics = [#tpu.dimension_semantics<core_parallel>, #tpu.dimension_semantics<subcore_parallel>], iteration_bounds = array<i64: 2, 16>, scalar_prefetch = 0 : i64, scratch_operands = 6 : i64, tpu.core_type = #tpu.core_type<sc_vector_subcore>, window_params = [{transform_indices = #map}, {transform_indices = #map1}, {transform_indices = #map2}, {transform_indices = #map1}, {transform_indices = #map}, {transform_indices = #map1}, {transform_indices = #map1}]} {
    %mul3A = arith.constant 2 : i32
    %mul3A_0 = arith.muli %arg1, %mul3A : i32
    %add3A = arith.addi %mul3A_0, %arg0 : i32
    %mul3A_1 = arith.constant 320 : i32
    %mul3A_2 = arith.muli %add3A, %mul3A_1 : i32
    %add3A_3 = arith.constant 0 : i32
    %add3A_4 = arith.addi %mul3A_2, %add3A_3 : i32
    "tpu.region"() ({
      %run_scoped3A = tpu.sem_alloc : memref<!tpu.dma_semaphore, #tpu.memory_space<semaphore_mem>>
      %dma_start3A_99 = tpu.memref_slice %arg3[%add3A_4] : memref<10240xi32, #tpu.memory_space<hbm>> -> memref<80xi32, #tpu.memory_space<hbm>>
      %dma_start3A_100 = tpu.memref_slice %arg3[%add3A_4] : memref<10240xi32, #tpu.memory_space<hbm>> -> memref<80xi32, #tpu.memory_space<hbm>>
      tpu.enqueue_dma source(%dma_start3A_100 : memref<80xi32, #tpu.memory_space<hbm>>) target(%arg9 : memref<80xi32, #tpu.memory_space<vmem>>) target_semaphore(%run_scoped3A : memref<!tpu.dma_semaphore, #tpu.memory_space<semaphore_mem>>)
      %dma_wait3A_101 = tpu.memref_slice %arg3[%add3A_4] : memref<10240xi32, #tpu.memory_space<hbm>> -> memref<80xi32, #tpu.memory_space<hbm>>
      %dma_wait3A_102 = tpu.memref_slice %arg3[%add3A_4] : memref<10240xi32, #tpu.memory_space<hbm>> -> memref<80xi32, #tpu.memory_space<hbm>>
      tpu.wait_dma2 semaphore(%run_scoped3A : memref<!tpu.dma_semaphore, #tpu.memory_space<semaphore_mem>>) src(%dma_wait3A_102 : memref<80xi32, #tpu.memory_space<hbm>>) dst(%arg9 : memref<80xi32, #tpu.memory_space<vmem>>)
      tpu.yield
    }) : () -> ()
    %dma_start3A = arith.constant 0 : i32
    %dma_start3A_5 = arith.constant 0 : i32
    %dma_start3A_6 = tpu.memref_slice %arg2[%dma_start3A, %dma_start3A_5] : memref<10000x128xf32, #tpu.memory_space<hbm>> -> memref<10000x128xf32, #tpu.memory_space<hbm>>
    tpu.enqueue_indirect_dma source(%dma_start3A_6 : memref<10000x128xf32, #tpu.memory_space<hbm>>) target(%arg10 : memref<80x128xf32, #tpu.memory_space<vmem>>) offsets(%arg9 : memref<80xi32, #tpu.memory_space<vmem>>) semaphore(%arg14 : memref<!tpu.dma_semaphore, #tpu.memory_space<semaphore_mem>>)
    %dma_wait3A = arith.constant 0 : i32
    %dma_wait3A_7 = arith.constant 0 : i32
    %dma_wait3A_8 = tpu.memref_slice %arg2[%dma_wait3A, %dma_wait3A_7] : memref<10000x128xf32, #tpu.memory_space<hbm>> -> memref<10000x128xf32, #tpu.memory_space<hbm>>
    tpu.wait_indirect_dma semaphore(%arg14 : memref<!tpu.dma_semaphore, #tpu.memory_space<semaphore_mem>>) src(%dma_wait3A_8 : memref<10000x128xf32, #tpu.memory_space<hbm>>) dst(%arg10 : memref<80x128xf32, #tpu.memory_space<vmem>>)
    "tpu.region"() ({
      %run_scoped3A = tpu.sem_alloc : memref<!tpu.dma_semaphore, #tpu.memory_space<semaphore_mem>>
      %dma_start3A_99 = arith.constant 0 : i32
      %dma_start3A_100 = tpu.memref_slice %arg6[%add3A_4, %dma_start3A_99] : memref<10240x128xf32, #tpu.memory_space<hbm>> -> memref<80x128xf32, #tpu.memory_space<hbm>>
      %dma_start3A_101 = arith.constant 0 : i32
      %dma_start3A_102 = tpu.memref_slice %arg6[%add3A_4, %dma_start3A_101] : memref<10240x128xf32, #tpu.memory_space<hbm>> -> memref<80x128xf32, #tpu.memory_space<hbm>>
      tpu.enqueue_dma source(%arg10 : memref<80x128xf32, #tpu.memory_space<vmem>>) target(%dma_start3A_102 : memref<80x128xf32, #tpu.memory_space<hbm>>) target_semaphore(%run_scoped3A : memref<!tpu.dma_semaphore, #tpu.memory_space<semaphore_mem>>)
      %dma_wait3A_103 = arith.constant 0 : i32
      %dma_wait3A_104 = tpu.memref_slice %arg6[%add3A_4, %dma_wait3A_103] : memref<10240x128xf32, #tpu.memory_space<hbm>> -> memref<80x128xf32, #tpu.memory_space<hbm>>
      %dma_wait3A_105 = arith.constant 0 : i32
      %dma_wait3A_106 = tpu.memref_slice %arg6[%add3A_4, %dma_wait3A_105] : memref<10240x128xf32, #tpu.memory_space<hbm>> -> memref<80x128xf32, #tpu.memory_space<hbm>>
      tpu.wait_dma2 semaphore(%run_scoped3A : memref<!tpu.dma_semaphore, #tpu.memory_space<semaphore_mem>>) src(%arg10 : memref<80x128xf32, #tpu.memory_space<vmem>>) dst(%dma_wait3A_106 : memref<80x128xf32, #tpu.memory_space<hbm>>)
      tpu.yield
    }) : () -> ()
    %mul3A_9 = arith.constant 320 : i32
    %mul3A_10 = arith.muli %add3A, %mul3A_9 : i32
    %add3A_11 = arith.constant 80 : i32
    %add3A_12 = arith.addi %mul3A_10, %add3A_11 : i32
    "tpu.region"() ({
      %run_scoped3A = tpu.sem_alloc : memref<!tpu.dma_semaphore, #tpu.memory_space<semaphore_mem>>
      %dma_start3A_99 = tpu.memref_slice %arg3[%add3A_12] : memref<10240xi32, #tpu.memory_space<hbm>> -> memref<80xi32, #tpu.memory_space<hbm>>
      %dma_start3A_100 = tpu.memref_slice %arg3[%add3A_12] : memref<10240xi32, #tpu.memory_space<hbm>> -> memref<80xi32, #tpu.memory_space<hbm>>
      tpu.enqueue_dma source(%dma_start3A_100 : memref<80xi32, #tpu.memory_space<hbm>>) target(%arg9 : memref<80xi32, #tpu.memory_space<vmem>>) target_semaphore(%run_scoped3A : memref<!tpu.dma_semaphore, #tpu.memory_space<semaphore_mem>>)
      %dma_wait3A_101 = tpu.memref_slice %arg3[%add3A_12] : memref<10240xi32, #tpu.memory_space<hbm>> -> memref<80xi32, #tpu.memory_space<hbm>>
      %dma_wait3A_102 = tpu.memref_slice %arg3[%add3A_12] : memref<10240xi32, #tpu.memory_space<hbm>> -> memref<80xi32, #tpu.memory_space<hbm>>
      tpu.wait_dma2 semaphore(%run_scoped3A : memref<!tpu.dma_semaphore, #tpu.memory_space<semaphore_mem>>) src(%dma_wait3A_102 : memref<80xi32, #tpu.memory_space<hbm>>) dst(%arg9 : memref<80xi32, #tpu.memory_space<vmem>>)
      tpu.yield
    }) : () -> ()
    %dma_start3A_13 = arith.constant 0 : i32
    %dma_start3A_14 = arith.constant 0 : i32
    %dma_start3A_15 = tpu.memref_slice %arg2[%dma_start3A_13, %dma_start3A_14] : memref<10000x128xf32, #tpu.memory_space<hbm>> -> memref<10000x128xf32, #tpu.memory_space<hbm>>
    tpu.enqueue_indirect_dma source(%dma_start3A_15 : memref<10000x128xf32, #tpu.memory_space<hbm>>) target(%arg10 : memref<80x128xf32, #tpu.memory_space<vmem>>) offsets(%arg9 : memref<80xi32, #tpu.memory_space<vmem>>) semaphore(%arg14 : memref<!tpu.dma_semaphore, #tpu.memory_space<semaphore_mem>>)
    %dma_wait3A_16 = arith.constant 0 : i32
    %dma_wait3A_17 = arith.constant 0 : i32
    %dma_wait3A_18 = tpu.memref_slice %arg2[%dma_wait3A_16, %dma_wait3A_17] : memref<10000x128xf32, #tpu.memory_space<hbm>> -> memref<10000x128xf32, #tpu.memory_space<hbm>>
    tpu.wait_indirect_dma semaphore(%arg14 : memref<!tpu.dma_semaphore, #tpu.memory_space<semaphore_mem>>) src(%dma_wait3A_18 : memref<10000x128xf32, #tpu.memory_space<hbm>>) dst(%arg10 : memref<80x128xf32, #tpu.memory_space<vmem>>)
    "tpu.region"() ({
      %run_scoped3A = tpu.sem_alloc : memref<!tpu.dma_semaphore, #tpu.memory_space<semaphore_mem>>
      %dma_start3A_99 = arith.constant 0 : i32
      %dma_start3A_100 = tpu.memref_slice %arg6[%add3A_12, %dma_start3A_99] : memref<10240x128xf32, #tpu.memory_space<hbm>> -> memref<80x128xf32, #tpu.memory_space<hbm>>
      %dma_start3A_101 = arith.constant 0 : i32
      %dma_start3A_102 = tpu.memref_slice %arg6[%add3A_12, %dma_start3A_101] : memref<10240x128xf32, #tpu.memory_space<hbm>> -> memref<80x128xf32, #tpu.memory_space<hbm>>
      tpu.enqueue_dma source(%arg10 : memref<80x128xf32, #tpu.memory_space<vmem>>) target(%dma_start3A_102 : memref<80x128xf32, #tpu.memory_space<hbm>>) target_semaphore(%run_scoped3A : memref<!tpu.dma_semaphore, #tpu.memory_space<semaphore_mem>>)
      %dma_wait3A_103 = arith.constant 0 : i32
      %dma_wait3A_104 = tpu.memref_slice %arg6[%add3A_12, %dma_wait3A_103] : memref<10240x128xf32, #tpu.memory_space<hbm>> -> memref<80x128xf32, #tpu.memory_space<hbm>>
      %dma_wait3A_105 = arith.constant 0 : i32
      %dma_wait3A_106 = tpu.memref_slice %arg6[%add3A_12, %dma_wait3A_105] : memref<10240x128xf32, #tpu.memory_space<hbm>> -> memref<80x128xf32, #tpu.memory_space<hbm>>
      tpu.wait_dma2 semaphore(%run_scoped3A : memref<!tpu.dma_semaphore, #tpu.memory_space<semaphore_mem>>) src(%arg10 : memref<80x128xf32, #tpu.memory_space<vmem>>) dst(%dma_wait3A_106 : memref<80x128xf32, #tpu.memory_space<hbm>>)
      tpu.yield
    }) : () -> ()
    %mul3A_19 = arith.constant 320 : i32
    %mul3A_20 = arith.muli %add3A, %mul3A_19 : i32
    %add3A_21 = arith.constant 160 : i32
    %add3A_22 = arith.addi %mul3A_20, %add3A_21 : i32
    "tpu.region"() ({
      %run_scoped3A = tpu.sem_alloc : memref<!tpu.dma_semaphore, #tpu.memory_space<semaphore_mem>>
      %dma_start3A_99 = tpu.memref_slice %arg3[%add3A_22] : memref<10240xi32, #tpu.memory_space<hbm>> -> memref<80xi32, #tpu.memory_space<hbm>>
      %dma_start3A_100 = tpu.memref_slice %arg3[%add3A_22] : memref<10240xi32, #tpu.memory_space<hbm>> -> memref<80xi32, #tpu.memory_space<hbm>>
      tpu.enqueue_dma source(%dma_start3A_100 : memref<80xi32, #tpu.memory_space<hbm>>) target(%arg9 : memref<80xi32, #tpu.memory_space<vmem>>) target_semaphore(%run_scoped3A : memref<!tpu.dma_semaphore, #tpu.memory_space<semaphore_mem>>)
      %dma_wait3A_101 = tpu.memref_slice %arg3[%add3A_22] : memref<10240xi32, #tpu.memory_space<hbm>> -> memref<80xi32, #tpu.memory_space<hbm>>
      %dma_wait3A_102 = tpu.memref_slice %arg3[%add3A_22] : memref<10240xi32, #tpu.memory_space<hbm>> -> memref<80xi32, #tpu.memory_space<hbm>>
      tpu.wait_dma2 semaphore(%run_scoped3A : memref<!tpu.dma_semaphore, #tpu.memory_space<semaphore_mem>>) src(%dma_wait3A_102 : memref<80xi32, #tpu.memory_space<hbm>>) dst(%arg9 : memref<80xi32, #tpu.memory_space<vmem>>)
      tpu.yield
    }) : () -> ()
    %dma_start3A_23 = arith.constant 0 : i32
    %dma_start3A_24 = arith.constant 0 : i32
    %dma_start3A_25 = tpu.memref_slice %arg2[%dma_start3A_23, %dma_start3A_24] : memref<10000x128xf32, #tpu.memory_space<hbm>> -> memref<10000x128xf32, #tpu.memory_space<hbm>>
    tpu.enqueue_indirect_dma source(%dma_start3A_25 : memref<10000x128xf32, #tpu.memory_space<hbm>>) target(%arg10 : memref<80x128xf32, #tpu.memory_space<vmem>>) offsets(%arg9 : memref<80xi32, #tpu.memory_space<vmem>>) semaphore(%arg14 : memref<!tpu.dma_semaphore, #tpu.memory_space<semaphore_mem>>)
    %dma_wait3A_26 = arith.constant 0 : i32
    %dma_wait3A_27 = arith.constant 0 : i32
    %dma_wait3A_28 = tpu.memref_slice %arg2[%dma_wait3A_26, %dma_wait3A_27] : memref<10000x128xf32, #tpu.memory_space<hbm>> -> memref<10000x128xf32, #tpu.memory_space<hbm>>
    tpu.wait_indirect_dma semaphore(%arg14 : memref<!tpu.dma_semaphore, #tpu.memory_space<semaphore_mem>>) src(%dma_wait3A_28 : memref<10000x128xf32, #tpu.memory_space<hbm>>) dst(%arg10 : memref<80x128xf32, #tpu.memory_space<vmem>>)
    "tpu.region"() ({
      %run_scoped3A = tpu.sem_alloc : memref<!tpu.dma_semaphore, #tpu.memory_space<semaphore_mem>>
      %dma_start3A_99 = arith.constant 0 : i32
      %dma_start3A_100 = tpu.memref_slice %arg6[%add3A_22, %dma_start3A_99] : memref<10240x128xf32, #tpu.memory_space<hbm>> -> memref<80x128xf32, #tpu.memory_space<hbm>>
      %dma_start3A_101 = arith.constant 0 : i32
      %dma_start3A_102 = tpu.memref_slice %arg6[%add3A_22, %dma_start3A_101] : memref<10240x128xf32, #tpu.memory_space<hbm>> -> memref<80x128xf32, #tpu.memory_space<hbm>>
      tpu.enqueue_dma source(%arg10 : memref<80x128xf32, #tpu.memory_space<vmem>>) target(%dma_start3A_102 : memref<80x128xf32, #tpu.memory_space<hbm>>) target_semaphore(%run_scoped3A : memref<!tpu.dma_semaphore, #tpu.memory_space<semaphore_mem>>)
      %dma_wait3A_103 = arith.constant 0 : i32
      %dma_wait3A_104 = tpu.memref_slice %arg6[%add3A_22, %dma_wait3A_103] : memref<10240x128xf32, #tpu.memory_space<hbm>> -> memref<80x128xf32, #tpu.memory_space<hbm>>
      %dma_wait3A_105 = arith.constant 0 : i32
      %dma_wait3A_106 = tpu.memref_slice %arg6[%add3A_22, %dma_wait3A_105] : memref<10240x128xf32, #tpu.memory_space<hbm>> -> memref<80x128xf32, #tpu.memory_space<hbm>>
      tpu.wait_dma2 semaphore(%run_scoped3A : memref<!tpu.dma_semaphore, #tpu.memory_space<semaphore_mem>>) src(%arg10 : memref<80x128xf32, #tpu.memory_space<vmem>>) dst(%dma_wait3A_106 : memref<80x128xf32, #tpu.memory_space<hbm>>)
      tpu.yield
    }) : () -> ()
    %mul3A_29 = arith.constant 320 : i32
    %mul3A_30 = arith.muli %add3A, %mul3A_29 : i32
    %add3A_31 = arith.constant 240 : i32
    %add3A_32 = arith.addi %mul3A_30, %add3A_31 : i32
    "tpu.region"() ({
      %run_scoped3A = tpu.sem_alloc : memref<!tpu.dma_semaphore, #tpu.memory_space<semaphore_mem>>
      %dma_start3A_99 = tpu.memref_slice %arg3[%add3A_32] : memref<10240xi32, #tpu.memory_space<hbm>> -> memref<80xi32, #tpu.memory_space<hbm>>
      %dma_start3A_100 = tpu.memref_slice %arg3[%add3A_32] : memref<10240xi32, #tpu.memory_space<hbm>> -> memref<80xi32, #tpu.memory_space<hbm>>
      tpu.enqueue_dma source(%dma_start3A_100 : memref<80xi32, #tpu.memory_space<hbm>>) target(%arg9 : memref<80xi32, #tpu.memory_space<vmem>>) target_semaphore(%run_scoped3A : memref<!tpu.dma_semaphore, #tpu.memory_space<semaphore_mem>>)
      %dma_wait3A_101 = tpu.memref_slice %arg3[%add3A_32] : memref<10240xi32, #tpu.memory_space<hbm>> -> memref<80xi32, #tpu.memory_space<hbm>>
      %dma_wait3A_102 = tpu.memref_slice %arg3[%add3A_32] : memref<10240xi32, #tpu.memory_space<hbm>> -> memref<80xi32, #tpu.memory_space<hbm>>
      tpu.wait_dma2 semaphore(%run_scoped3A : memref<!tpu.dma_semaphore, #tpu.memory_space<semaphore_mem>>) src(%dma_wait3A_102 : memref<80xi32, #tpu.memory_space<hbm>>) dst(%arg9 : memref<80xi32, #tpu.memory_space<vmem>>)
      tpu.yield
    }) : () -> ()
    %dma_start3A_33 = arith.constant 0 : i32
    %dma_start3A_34 = arith.constant 0 : i32
    %dma_start3A_35 = tpu.memref_slice %arg2[%dma_start3A_33, %dma_start3A_34] : memref<10000x128xf32, #tpu.memory_space<hbm>> -> memref<10000x128xf32, #tpu.memory_space<hbm>>
    tpu.enqueue_indirect_dma source(%dma_start3A_35 : memref<10000x128xf32, #tpu.memory_space<hbm>>) target(%arg10 : memref<80x128xf32, #tpu.memory_space<vmem>>) offsets(%arg9 : memref<80xi32, #tpu.memory_space<vmem>>) semaphore(%arg14 : memref<!tpu.dma_semaphore, #tpu.memory_space<semaphore_mem>>)
    %dma_wait3A_36 = arith.constant 0 : i32
    %dma_wait3A_37 = arith.constant 0 : i32
    %dma_wait3A_38 = tpu.memref_slice %arg2[%dma_wait3A_36, %dma_wait3A_37] : memref<10000x128xf32, #tpu.memory_space<hbm>> -> memref<10000x128xf32, #tpu.memory_space<hbm>>
    tpu.wait_indirect_dma semaphore(%arg14 : memref<!tpu.dma_semaphore, #tpu.memory_space<semaphore_mem>>) src(%dma_wait3A_38 : memref<10000x128xf32, #tpu.memory_space<hbm>>) dst(%arg10 : memref<80x128xf32, #tpu.memory_space<vmem>>)
    "tpu.region"() ({
      %run_scoped3A = tpu.sem_alloc : memref<!tpu.dma_semaphore, #tpu.memory_space<semaphore_mem>>
      %dma_start3A_99 = arith.constant 0 : i32
      %dma_start3A_100 = tpu.memref_slice %arg6[%add3A_32, %dma_start3A_99] : memref<10240x128xf32, #tpu.memory_space<hbm>> -> memref<80x128xf32, #tpu.memory_space<hbm>>
      %dma_start3A_101 = arith.constant 0 : i32
      %dma_start3A_102 = tpu.memref_slice %arg6[%add3A_32, %dma_start3A_101] : memref<10240x128xf32, #tpu.memory_space<hbm>> -> memref<80x128xf32, #tpu.memory_space<hbm>>
      tpu.enqueue_dma source(%arg10 : memref<80x128xf32, #tpu.memory_space<vmem>>) target(%dma_start3A_102 : memref<80x128xf32, #tpu.memory_space<hbm>>) target_semaphore(%run_scoped3A : memref<!tpu.dma_semaphore, #tpu.memory_space<semaphore_mem>>)
      %dma_wait3A_103 = arith.constant 0 : i32
      %dma_wait3A_104 = tpu.memref_slice %arg6[%add3A_32, %dma_wait3A_103] : memref<10240x128xf32, #tpu.memory_space<hbm>> -> memref<80x128xf32, #tpu.memory_space<hbm>>
      %dma_wait3A_105 = arith.constant 0 : i32
      %dma_wait3A_106 = tpu.memref_slice %arg6[%add3A_32, %dma_wait3A_105] : memref<10240x128xf32, #tpu.memory_space<hbm>> -> memref<80x128xf32, #tpu.memory_space<hbm>>
      tpu.wait_dma2 semaphore(%run_scoped3A : memref<!tpu.dma_semaphore, #tpu.memory_space<semaphore_mem>>) src(%arg10 : memref<80x128xf32, #tpu.memory_space<vmem>>) dst(%dma_wait3A_106 : memref<80x128xf32, #tpu.memory_space<hbm>>)
      tpu.yield
    }) : () -> ()
    %mul3A_39 = arith.constant 640 : i32
    %mul3A_40 = arith.muli %arg1, %mul3A_39 : i32
    "tpu.region"() ({
      %run_scoped3A = tpu.sem_alloc : memref<!tpu.dma_semaphore, #tpu.memory_space<semaphore_mem>>
      %dma_start3A_99 = tpu.memref_slice %arg13[%mul3A_40] : memref<10240xf32, #tpu.memory_space<vmem_shared>> -> memref<640xf32, #tpu.memory_space<vmem_shared>>
      %dma_start3A_100 = tpu.memref_slice %arg5[%mul3A_40] : memref<10240xf32, #tpu.memory_space<hbm>> -> memref<640xf32, #tpu.memory_space<hbm>>
      tpu.enqueue_dma source(%dma_start3A_100 : memref<640xf32, #tpu.memory_space<hbm>>) target(%dma_start3A_99 : memref<640xf32, #tpu.memory_space<vmem_shared>>) target_semaphore(%run_scoped3A : memref<!tpu.dma_semaphore, #tpu.memory_space<semaphore_mem>>)
      %dma_wait3A_101 = tpu.memref_slice %arg13[%mul3A_40] : memref<10240xf32, #tpu.memory_space<vmem_shared>> -> memref<640xf32, #tpu.memory_space<vmem_shared>>
      %dma_wait3A_102 = tpu.memref_slice %arg5[%mul3A_40] : memref<10240xf32, #tpu.memory_space<hbm>> -> memref<640xf32, #tpu.memory_space<hbm>>
      tpu.wait_dma2 semaphore(%run_scoped3A : memref<!tpu.dma_semaphore, #tpu.memory_space<semaphore_mem>>) src(%dma_wait3A_102 : memref<640xf32, #tpu.memory_space<hbm>>) dst(%dma_wait3A_101 : memref<640xf32, #tpu.memory_space<vmem_shared>>)
      tpu.yield
    }) : () -> ()
    %broadcast_in_dim3A = arith.constant 1.000000e+00 : f32
    %broadcast_in_dim3A_41 = vector.broadcast %broadcast_in_dim3A : f32 to vector<16xf32>
    %swap3A = arith.constant 0 : index
    %swap3A_42 = tpu.vector_load %arg12[%swap3A] {strides = array<i32>} : memref<128xf32, #tpu.memory_space<vmem>>, vector<16xf32>,
    %swap3A_43 = vector.shape_cast %swap3A_42 : vector<16xf32> to vector<16xf32>
    %swap3A_44 = vector.shape_cast %broadcast_in_dim3A_41 : vector<16xf32> to vector<16xf32>
    tpu.vector_store %arg12[%swap3A], %swap3A_44 {strides = array<i32>} : memref<128xf32, #tpu.memory_space<vmem>>, vector<16xf32>,
    %broadcast_in_dim3A_45 = arith.constant 1.000000e+00 : f32
    %broadcast_in_dim3A_46 = vector.broadcast %broadcast_in_dim3A_45 : f32 to vector<16xf32>
    %swap3A_47 = arith.constant 16 : index
    %swap3A_48 = tpu.vector_load %arg12[%swap3A_47] {strides = array<i32>} : memref<128xf32, #tpu.memory_space<vmem>>, vector<16xf32>,
    %swap3A_49 = vector.shape_cast %swap3A_48 : vector<16xf32> to vector<16xf32>
    %swap3A_50 = vector.shape_cast %broadcast_in_dim3A_46 : vector<16xf32> to vector<16xf32>
    tpu.vector_store %arg12[%swap3A_47], %swap3A_50 {strides = array<i32>} : memref<128xf32, #tpu.memory_space<vmem>>, vector<16xf32>,
    %broadcast_in_dim3A_51 = arith.constant 1.000000e+00 : f32
    %broadcast_in_dim3A_52 = vector.broadcast %broadcast_in_dim3A_51 : f32 to vector<16xf32>
    %swap3A_53 = arith.constant 32 : index
    %swap3A_54 = tpu.vector_load %arg12[%swap3A_53] {strides = array<i32>} : memref<128xf32, #tpu.memory_space<vmem>>, vector<16xf32>,
    %swap3A_55 = vector.shape_cast %swap3A_54 : vector<16xf32> to vector<16xf32>
    %swap3A_56 = vector.shape_cast %broadcast_in_dim3A_52 : vector<16xf32> to vector<16xf32>
    tpu.vector_store %arg12[%swap3A_53], %swap3A_56 {strides = array<i32>} : memref<128xf32, #tpu.memory_space<vmem>>, vector<16xf32>,
    %broadcast_in_dim3A_57 = arith.constant 1.000000e+00 : f32
    %broadcast_in_dim3A_58 = vector.broadcast %broadcast_in_dim3A_57 : f32 to vector<16xf32>
    %swap3A_59 = arith.constant 48 : index
    %swap3A_60 = tpu.vector_load %arg12[%swap3A_59] {strides = array<i32>} : memref<128xf32, #tpu.memory_space<vmem>>, vector<16xf32>,
    %swap3A_61 = vector.shape_cast %swap3A_60 : vector<16xf32> to vector<16xf32>
    %swap3A_62 = vector.shape_cast %broadcast_in_dim3A_58 : vector<16xf32> to vector<16xf32>
    tpu.vector_store %arg12[%swap3A_59], %swap3A_62 {strides = array<i32>} : memref<128xf32, #tpu.memory_space<vmem>>, vector<16xf32>,
    %broadcast_in_dim3A_63 = arith.constant 1.000000e+00 : f32
    %broadcast_in_dim3A_64 = vector.broadcast %broadcast_in_dim3A_63 : f32 to vector<16xf32>
    %swap3A_65 = arith.constant 64 : index
    %swap3A_66 = tpu.vector_load %arg12[%swap3A_65] {strides = array<i32>} : memref<128xf32, #tpu.memory_space<vmem>>, vector<16xf32>,
    %swap3A_67 = vector.shape_cast %swap3A_66 : vector<16xf32> to vector<16xf32>
    %swap3A_68 = vector.shape_cast %broadcast_in_dim3A_64 : vector<16xf32> to vector<16xf32>
    tpu.vector_store %arg12[%swap3A_65], %swap3A_68 {strides = array<i32>} : memref<128xf32, #tpu.memory_space<vmem>>, vector<16xf32>,
    %broadcast_in_dim3A_69 = arith.constant 1.000000e+00 : f32
    %broadcast_in_dim3A_70 = vector.broadcast %broadcast_in_dim3A_69 : f32 to vector<16xf32>
    %swap3A_71 = arith.constant 80 : index
    %swap3A_72 = tpu.vector_load %arg12[%swap3A_71] {strides = array<i32>} : memref<128xf32, #tpu.memory_space<vmem>>, vector<16xf32>,
    %swap3A_73 = vector.shape_cast %swap3A_72 : vector<16xf32> to vector<16xf32>
    %swap3A_74 = vector.shape_cast %broadcast_in_dim3A_70 : vector<16xf32> to vector<16xf32>
    tpu.vector_store %arg12[%swap3A_71], %swap3A_74 {strides = array<i32>} : memref<128xf32, #tpu.memory_space<vmem>>, vector<16xf32>,
    %broadcast_in_dim3A_75 = arith.constant 1.000000e+00 : f32
    %broadcast_in_dim3A_76 = vector.broadcast %broadcast_in_dim3A_75 : f32 to vector<16xf32>
    %swap3A_77 = arith.constant 96 : index
    %swap3A_78 = tpu.vector_load %arg12[%swap3A_77] {strides = array<i32>} : memref<128xf32, #tpu.memory_space<vmem>>, vector<16xf32>,
    %swap3A_79 = vector.shape_cast %swap3A_78 : vector<16xf32> to vector<16xf32>
    %swap3A_80 = vector.shape_cast %broadcast_in_dim3A_76 : vector<16xf32> to vector<16xf32>
    tpu.vector_store %arg12[%swap3A_77], %swap3A_80 {strides = array<i32>} : memref<128xf32, #tpu.memory_space<vmem>>, vector<16xf32>,
    %broadcast_in_dim3A_81 = arith.constant 1.000000e+00 : f32
    %broadcast_in_dim3A_82 = vector.broadcast %broadcast_in_dim3A_81 : f32 to vector<16xf32>
    %swap3A_83 = arith.constant 112 : index
    %swap3A_84 = tpu.vector_load %arg12[%swap3A_83] {strides = array<i32>} : memref<128xf32, #tpu.memory_space<vmem>>, vector<16xf32>,
    %swap3A_85 = vector.shape_cast %swap3A_84 : vector<16xf32> to vector<16xf32>
    %swap3A_86 = vector.shape_cast %broadcast_in_dim3A_82 : vector<16xf32> to vector<16xf32>
    tpu.vector_store %arg12[%swap3A_83], %swap3A_86 {strides = array<i32>} : memref<128xf32, #tpu.memory_space<vmem>>, vector<16xf32>,
    "tpu.region"() ({
      %run_scoped3A = tpu.sem_alloc : memref<!tpu.dma_semaphore, #tpu.memory_space<semaphore_mem>>
      %dma_start3A_99 = arith.constant 0 : i32
      %dma_start3A_100 = arith.constant 0 : i32
      %dma_start3A_101 = tpu.memref_slice %arg4[%add3A, %dma_start3A_99, %dma_start3A_100] : memref<32x79x128xi32, #tpu.memory_space<hbm>> -> memref<1x79x128xi32, #tpu.memory_space<hbm>>
      %dma_start3A_102 = tpu.memref_squeeze %dma_start3A_101 : memref<1x79x128xi32, #tpu.memory_space<hbm>> -> memref<79x128xi32, #tpu.memory_space<hbm>>
      %dma_start3A_103 = arith.constant 0 : i32
      %dma_start3A_104 = arith.constant 0 : i32
      %dma_start3A_105 = tpu.memref_slice %arg4[%add3A, %dma_start3A_103, %dma_start3A_104] : memref<32x79x128xi32, #tpu.memory_space<hbm>> -> memref<1x79x128xi32, #tpu.memory_space<hbm>>
      %dma_start3A_106 = tpu.memref_squeeze %dma_start3A_105 : memref<1x79x128xi32, #tpu.memory_space<hbm>> -> memref<79x128xi32, #tpu.memory_space<hbm>>
      tpu.enqueue_dma source(%dma_start3A_106 : memref<79x128xi32, #tpu.memory_space<hbm>>) target(%arg11 : memref<79x128xi32, #tpu.memory_space<vmem>>) target_semaphore(%run_scoped3A : memref<!tpu.dma_semaphore, #tpu.memory_space<semaphore_mem>>)
      %dma_wait3A_107 = arith.constant 0 : i32
      %dma_wait3A_108 = arith.constant 0 : i32
      %dma_wait3A_109 = tpu.memref_slice %arg4[%add3A, %dma_wait3A_107, %dma_wait3A_108] : memref<32x79x128xi32, #tpu.memory_space<hbm>> -> memref<1x79x128xi32, #tpu.memory_space<hbm>>
      %dma_wait3A_110 = tpu.memref_squeeze %dma_wait3A_109 : memref<1x79x128xi32, #tpu.memory_space<hbm>> -> memref<79x128xi32, #tpu.memory_space<hbm>>
      %dma_wait3A_111 = arith.constant 0 : i32
      %dma_wait3A_112 = arith.constant 0 : i32
      %dma_wait3A_113 = tpu.memref_slice %arg4[%add3A, %dma_wait3A_111, %dma_wait3A_112] : memref<32x79x128xi32, #tpu.memory_space<hbm>> -> memref<1x79x128xi32, #tpu.memory_space<hbm>>
      %dma_wait3A_114 = tpu.memref_squeeze %dma_wait3A_113 : memref<1x79x128xi32, #tpu.memory_space<hbm>> -> memref<79x128xi32, #tpu.memory_space<hbm>>
      tpu.wait_dma2 semaphore(%run_scoped3A : memref<!tpu.dma_semaphore, #tpu.memory_space<semaphore_mem>>) src(%dma_wait3A_114 : memref<79x128xi32, #tpu.memory_space<hbm>>) dst(%arg11 : memref<79x128xi32, #tpu.memory_space<vmem>>)
      tpu.yield
    }) : () -> ()
    %barrier3A = arith.constant 0 : index
    tpu.barrier barrier_id(%barrier3A)
    %scan3A = arith.constant 0 : i32
    %scan3A_87 = arith.constant 0 : i32
    %scan3A_88 = arith.constant 79 : i32
    %scan3A_89 = arith.addi %scan3A_87, %scan3A_88 : i32
    %scan3A_90 = arith.constant 1 : i32
    scf.for %scan3A_99 = %scan3A_87 to %scan3A_89 step %scan3A_90  : i32 {
      "tpu.region"() ({
        %run_scoped3A = tpu.sem_alloc : memref<!tpu.dma_semaphore, #tpu.memory_space<semaphore_mem>>
        %dma_start3A_100 = arith.constant 0 : i32
        %dma_start3A_101 = tpu.memref_slice %arg11[%scan3A_99, %dma_start3A_100] : memref<79x128xi32, #tpu.memory_space<vmem>> -> memref<1x128xi32, #tpu.memory_space<vmem>>
        %dma_start3A_102 = tpu.memref_squeeze %dma_start3A_101 : memref<1x128xi32, #tpu.memory_space<vmem>> -> memref<128xi32, #tpu.memory_space<vmem>>
        %dma_start3A_103 = arith.constant 0 : i32
        %dma_start3A_104 = tpu.memref_slice %arg13[%dma_start3A_103] : memref<10240xf32, #tpu.memory_space<vmem_shared>> -> memref<10240xf32, #tpu.memory_space<vmem_shared>>
        tpu.enqueue_indirect_dma source(%arg12 : memref<128xf32, #tpu.memory_space<vmem>>) target(%dma_start3A_104 : memref<10240xf32, #tpu.memory_space<vmem_shared>>) offsets(%dma_start3A_102 : memref<128xi32, #tpu.memory_space<vmem>>) semaphore(%run_scoped3A : memref<!tpu.dma_semaphore, #tpu.memory_space<semaphore_mem>>) {add = true}
        %dma_wait3A_105 = arith.constant 0 : i32
        %dma_wait3A_106 = tpu.memref_slice %arg11[%scan3A_99, %dma_wait3A_105] : memref<79x128xi32, #tpu.memory_space<vmem>> -> memref<1x128xi32, #tpu.memory_space<vmem>>
        %dma_wait3A_107 = tpu.memref_squeeze %dma_wait3A_106 : memref<1x128xi32, #tpu.memory_space<vmem>> -> memref<128xi32, #tpu.memory_space<vmem>>
        %dma_wait3A_108 = arith.constant 0 : i32
        %dma_wait3A_109 = tpu.memref_slice %arg13[%dma_wait3A_108] : memref<10240xf32, #tpu.memory_space<vmem_shared>> -> memref<10240xf32, #tpu.memory_space<vmem_shared>>
        tpu.wait_indirect_dma semaphore(%run_scoped3A : memref<!tpu.dma_semaphore, #tpu.memory_space<semaphore_mem>>) src(%arg12 : memref<128xf32, #tpu.memory_space<vmem>>) dst(%dma_wait3A_109 : memref<10240xf32, #tpu.memory_space<vmem_shared>>)
        tpu.yield
      }) : () -> ()
    }
    %scan3A_91 = arith.constant 79 : i32
    %barrier3A_92 = arith.constant 0 : index
    tpu.barrier barrier_id(%barrier3A_92)
    %eq3A = arith.constant 0 : i32
    %eq3A_93 = arith.cmpi eq, %arg0, %eq3A : i32
    %convert_element_type3A = arith.extui %eq3A_93 : i1 to i32
    %cond3A = arith.constant 0 : i32
    %cond3A_94 = arith.cmpi ne, %convert_element_type3A, %cond3A : i32
    scf.if %cond3A_94 {
      "tpu.region"() ({
        %run_scoped3A = tpu.sem_alloc : memref<!tpu.dma_semaphore, #tpu.memory_space<semaphore_mem>>
        %dma_start3A_99 = tpu.memref_slice %arg7[%mul3A_40] : memref<10240xf32, #tpu.memory_space<hbm>> -> memref<640xf32, #tpu.memory_space<hbm>>
        %dma_start3A_100 = tpu.memref_slice %arg13[%mul3A_40] : memref<10240xf32, #tpu.memory_space<vmem_shared>> -> memref<640xf32, #tpu.memory_space<vmem_shared>>
        tpu.enqueue_dma source(%dma_start3A_100 : memref<640xf32, #tpu.memory_space<vmem_shared>>) target(%dma_start3A_99 : memref<640xf32, #tpu.memory_space<hbm>>) target_semaphore(%run_scoped3A : memref<!tpu.dma_semaphore, #tpu.memory_space<semaphore_mem>>)
        %dma_wait3A_101 = tpu.memref_slice %arg7[%mul3A_40] : memref<10240xf32, #tpu.memory_space<hbm>> -> memref<640xf32, #tpu.memory_space<hbm>>
        %dma_wait3A_102 = tpu.memref_slice %arg13[%mul3A_40] : memref<10240xf32, #tpu.memory_space<vmem_shared>> -> memref<640xf32, #tpu.memory_space<vmem_shared>>
        tpu.wait_dma2 semaphore(%run_scoped3A : memref<!tpu.dma_semaphore, #tpu.memory_space<semaphore_mem>>) src(%dma_wait3A_102 : memref<640xf32, #tpu.memory_space<vmem_shared>>) dst(%dma_wait3A_101 : memref<640xf32, #tpu.memory_space<hbm>>)
        tpu.yield
      }) : () -> ()
    } else {
    }
    %ne3A = arith.constant 0 : i32
    %ne3A_95 = arith.cmpi ne, %arg0, %ne3A : i32
    %convert_element_type3A_96 = arith.extui %ne3A_95 : i1 to i32
    %cond3A_97 = arith.constant 0 : i32
    %cond3A_98 = arith.cmpi ne, %convert_element_type3A_96, %cond3A_97 : i32
    scf.if %cond3A_98 {
      "tpu.region"() ({
        %run_scoped3A = tpu.sem_alloc : memref<!tpu.dma_semaphore, #tpu.memory_space<semaphore_mem>>
        %dma_start3A_99 = tpu.memref_slice %arg8[%mul3A_40] : memref<10240xf32, #tpu.memory_space<hbm>> -> memref<640xf32, #tpu.memory_space<hbm>>
        %dma_start3A_100 = tpu.memref_slice %arg13[%mul3A_40] : memref<10240xf32, #tpu.memory_space<vmem_shared>> -> memref<640xf32, #tpu.memory_space<vmem_shared>>
        tpu.enqueue_dma source(%dma_start3A_100 : memref<640xf32, #tpu.memory_space<vmem_shared>>) target(%dma_start3A_99 : memref<640xf32, #tpu.memory_space<hbm>>) target_semaphore(%run_scoped3A : memref<!tpu.dma_semaphore, #tpu.memory_space<semaphore_mem>>)
        %dma_wait3A_101 = tpu.memref_slice %arg8[%mul3A_40] : memref<10240xf32, #tpu.memory_space<hbm>> -> memref<640xf32, #tpu.memory_space<hbm>>
        %dma_wait3A_102 = tpu.memref_slice %arg13[%mul3A_40] : memref<10240xf32, #tpu.memory_space<vmem_shared>> -> memref<640xf32, #tpu.memory_space<vmem_shared>>
        tpu.wait_dma2 semaphore(%run_scoped3A : memref<!tpu.dma_semaphore, #tpu.memory_space<semaphore_mem>>) src(%dma_wait3A_102 : memref<640xf32, #tpu.memory_space<vmem_shared>>) dst(%dma_wait3A_101 : memref<640xf32, #tpu.memory_space<hbm>>)
        tpu.yield
      }) : () -> ()
    } else {
    }
    return
  }
}

#map = affine_map<(d0, d1) -> (0, 0)>
#map1 = affine_map<(d0, d1) -> (0, 0, 0)>
module attributes {stable_mosaic.version = 14 : i64} {
  func.func @body(%arg0: i32, %arg1: i32, %arg2: memref<10240x128xf32, #tpu.memory_space<hbm>>, %arg3: memref<32x79x128xi32, #tpu.memory_space<hbm>>, %arg4: memref<32x79x128xi32, #tpu.memory_space<hbm>>, %arg5: memref<10240x128xf32, #tpu.memory_space<hbm>>, %arg6: memref<2x10240x128xf32, #tpu.memory_space<hbm>>, %arg7: memref<79x128xi32, #tpu.memory_space<vmem>>, %arg8: memref<79x128xi32, #tpu.memory_space<vmem>>, %arg9: memref<128x128xf32, #tpu.memory_space<vmem>>, %arg10: memref<10240x128xf32, #tpu.memory_space<vmem_shared>>, %arg11: memref<!tpu.dma_semaphore, #tpu.memory_space<semaphore_mem>>) attributes {dimension_semantics = [#tpu.dimension_semantics<core_parallel>, #tpu.dimension_semantics<subcore_parallel>], iteration_bounds = array<i64: 2, 16>, scalar_prefetch = 0 : i64, scratch_operands = 5 : i64, tpu.core_type = #tpu.core_type<sc_vector_subcore>, window_params = [{transform_indices = #map}, {transform_indices = #map1}, {transform_indices = #map1}, {transform_indices = #map}, {transform_indices = #map1}]} {
    %mul3A = arith.constant 2 : i32
    %mul3A_0 = arith.muli %arg1, %mul3A : i32
    %add3A = arith.addi %mul3A_0, %arg0 : i32
    %mul3A_1 = arith.constant 640 : i32
    %mul3A_2 = arith.muli %arg1, %mul3A_1 : i32
    %eq3A = arith.constant 0 : i32
    %eq3A_3 = arith.cmpi eq, %arg0, %eq3A : i32
    %convert_element_type3A = arith.extui %eq3A_3 : i1 to i32
    %cond3A = arith.constant 0 : i32
    %cond3A_4 = arith.cmpi ne, %convert_element_type3A, %cond3A : i32
    scf.if %cond3A_4 {
      "tpu.region"() ({
        %run_scoped3A = tpu.sem_alloc : memref<!tpu.dma_semaphore, #tpu.memory_space<semaphore_mem>>
        %dma_start3A = arith.constant 0 : i32
        %dma_start3A_15 = tpu.memref_slice %arg10[%mul3A_2, %dma_start3A] : memref<10240x128xf32, #tpu.memory_space<vmem_shared>> -> memref<640x128xf32, #tpu.memory_space<vmem_shared>>
        %dma_start3A_16 = arith.constant 0 : i32
        %dma_start3A_17 = tpu.memref_slice %arg2[%mul3A_2, %dma_start3A_16] : memref<10240x128xf32, #tpu.memory_space<hbm>> -> memref<640x128xf32, #tpu.memory_space<hbm>>
        tpu.enqueue_dma source(%dma_start3A_17 : memref<640x128xf32, #tpu.memory_space<hbm>>) target(%dma_start3A_15 : memref<640x128xf32, #tpu.memory_space<vmem_shared>>) target_semaphore(%run_scoped3A : memref<!tpu.dma_semaphore, #tpu.memory_space<semaphore_mem>>)
        %dma_wait3A = arith.constant 0 : i32
        %dma_wait3A_18 = tpu.memref_slice %arg10[%mul3A_2, %dma_wait3A] : memref<10240x128xf32, #tpu.memory_space<vmem_shared>> -> memref<640x128xf32, #tpu.memory_space<vmem_shared>>
        %dma_wait3A_19 = arith.constant 0 : i32
        %dma_wait3A_20 = tpu.memref_slice %arg2[%mul3A_2, %dma_wait3A_19] : memref<10240x128xf32, #tpu.memory_space<hbm>> -> memref<640x128xf32, #tpu.memory_space<hbm>>
        tpu.wait_dma2 semaphore(%run_scoped3A : memref<!tpu.dma_semaphore, #tpu.memory_space<semaphore_mem>>) src(%dma_wait3A_20 : memref<640x128xf32, #tpu.memory_space<hbm>>) dst(%dma_wait3A_18 : memref<640x128xf32, #tpu.memory_space<vmem_shared>>)
        tpu.yield
      }) : () -> ()
    } else {
    }
    %ne3A = arith.constant 0 : i32
    %ne3A_5 = arith.cmpi ne, %arg0, %ne3A : i32
    %convert_element_type3A_6 = arith.extui %ne3A_5 : i1 to i32
    %cond3A_7 = arith.constant 0 : i32
    %cond3A_8 = arith.cmpi ne, %convert_element_type3A_6, %cond3A_7 : i32
    scf.if %cond3A_8 {
      "tpu.region"() ({
        %run_scoped3A = tpu.sem_alloc : memref<!tpu.dma_semaphore, #tpu.memory_space<semaphore_mem>>
        %dma_start3A = arith.constant 0 : i32
        %dma_start3A_15 = tpu.memref_slice %arg10[%mul3A_2, %dma_start3A] : memref<10240x128xf32, #tpu.memory_space<vmem_shared>> -> memref<640x128xf32, #tpu.memory_space<vmem_shared>>
        %dma_start3A_16 = arith.constant 0 : i32
        %dma_start3A_17 = tpu.memref_slice %arg5[%mul3A_2, %dma_start3A_16] : memref<10240x128xf32, #tpu.memory_space<hbm>> -> memref<640x128xf32, #tpu.memory_space<hbm>>
        tpu.enqueue_dma source(%dma_start3A_17 : memref<640x128xf32, #tpu.memory_space<hbm>>) target(%dma_start3A_15 : memref<640x128xf32, #tpu.memory_space<vmem_shared>>) target_semaphore(%run_scoped3A : memref<!tpu.dma_semaphore, #tpu.memory_space<semaphore_mem>>)
        %dma_wait3A = arith.constant 0 : i32
        %dma_wait3A_18 = tpu.memref_slice %arg10[%mul3A_2, %dma_wait3A] : memref<10240x128xf32, #tpu.memory_space<vmem_shared>> -> memref<640x128xf32, #tpu.memory_space<vmem_shared>>
        %dma_wait3A_19 = arith.constant 0 : i32
        %dma_wait3A_20 = tpu.memref_slice %arg5[%mul3A_2, %dma_wait3A_19] : memref<10240x128xf32, #tpu.memory_space<hbm>> -> memref<640x128xf32, #tpu.memory_space<hbm>>
        tpu.wait_dma2 semaphore(%run_scoped3A : memref<!tpu.dma_semaphore, #tpu.memory_space<semaphore_mem>>) src(%dma_wait3A_20 : memref<640x128xf32, #tpu.memory_space<hbm>>) dst(%dma_wait3A_18 : memref<640x128xf32, #tpu.memory_space<vmem_shared>>)
        tpu.yield
      }) : () -> ()
    } else {
    }
    "tpu.region"() ({
      %run_scoped3A = tpu.sem_alloc : memref<!tpu.dma_semaphore, #tpu.memory_space<semaphore_mem>>
      %dma_start3A = arith.constant 0 : i32
      %dma_start3A_15 = arith.constant 0 : i32
      %dma_start3A_16 = tpu.memref_slice %arg3[%add3A, %dma_start3A, %dma_start3A_15] : memref<32x79x128xi32, #tpu.memory_space<hbm>> -> memref<1x79x128xi32, #tpu.memory_space<hbm>>
      %dma_start3A_17 = tpu.memref_squeeze %dma_start3A_16 : memref<1x79x128xi32, #tpu.memory_space<hbm>> -> memref<79x128xi32, #tpu.memory_space<hbm>>
      %dma_start3A_18 = arith.constant 0 : i32
      %dma_start3A_19 = arith.constant 0 : i32
      %dma_start3A_20 = tpu.memref_slice %arg3[%add3A, %dma_start3A_18, %dma_start3A_19] : memref<32x79x128xi32, #tpu.memory_space<hbm>> -> memref<1x79x128xi32, #tpu.memory_space<hbm>>
      %dma_start3A_21 = tpu.memref_squeeze %dma_start3A_20 : memref<1x79x128xi32, #tpu.memory_space<hbm>> -> memref<79x128xi32, #tpu.memory_space<hbm>>
      tpu.enqueue_dma source(%dma_start3A_21 : memref<79x128xi32, #tpu.memory_space<hbm>>) target(%arg7 : memref<79x128xi32, #tpu.memory_space<vmem>>) target_semaphore(%run_scoped3A : memref<!tpu.dma_semaphore, #tpu.memory_space<semaphore_mem>>)
      %dma_wait3A = arith.constant 0 : i32
      %dma_wait3A_22 = arith.constant 0 : i32
      %dma_wait3A_23 = tpu.memref_slice %arg3[%add3A, %dma_wait3A, %dma_wait3A_22] : memref<32x79x128xi32, #tpu.memory_space<hbm>> -> memref<1x79x128xi32, #tpu.memory_space<hbm>>
      %dma_wait3A_24 = tpu.memref_squeeze %dma_wait3A_23 : memref<1x79x128xi32, #tpu.memory_space<hbm>> -> memref<79x128xi32, #tpu.memory_space<hbm>>
      %dma_wait3A_25 = arith.constant 0 : i32
      %dma_wait3A_26 = arith.constant 0 : i32
      %dma_wait3A_27 = tpu.memref_slice %arg3[%add3A, %dma_wait3A_25, %dma_wait3A_26] : memref<32x79x128xi32, #tpu.memory_space<hbm>> -> memref<1x79x128xi32, #tpu.memory_space<hbm>>
      %dma_wait3A_28 = tpu.memref_squeeze %dma_wait3A_27 : memref<1x79x128xi32, #tpu.memory_space<hbm>> -> memref<79x128xi32, #tpu.memory_space<hbm>>
      tpu.wait_dma2 semaphore(%run_scoped3A : memref<!tpu.dma_semaphore, #tpu.memory_space<semaphore_mem>>) src(%dma_wait3A_28 : memref<79x128xi32, #tpu.memory_space<hbm>>) dst(%arg7 : memref<79x128xi32, #tpu.memory_space<vmem>>)
      tpu.yield
    }) : () -> ()
    "tpu.region"() ({
      %run_scoped3A = tpu.sem_alloc : memref<!tpu.dma_semaphore, #tpu.memory_space<semaphore_mem>>
      %dma_start3A = arith.constant 0 : i32
      %dma_start3A_15 = arith.constant 0 : i32
      %dma_start3A_16 = tpu.memref_slice %arg4[%add3A, %dma_start3A, %dma_start3A_15] : memref<32x79x128xi32, #tpu.memory_space<hbm>> -> memref<1x79x128xi32, #tpu.memory_space<hbm>>
      %dma_start3A_17 = tpu.memref_squeeze %dma_start3A_16 : memref<1x79x128xi32, #tpu.memory_space<hbm>> -> memref<79x128xi32, #tpu.memory_space<hbm>>
      %dma_start3A_18 = arith.constant 0 : i32
      %dma_start3A_19 = arith.constant 0 : i32
      %dma_start3A_20 = tpu.memref_slice %arg4[%add3A, %dma_start3A_18, %dma_start3A_19] : memref<32x79x128xi32, #tpu.memory_space<hbm>> -> memref<1x79x128xi32, #tpu.memory_space<hbm>>
      %dma_start3A_21 = tpu.memref_squeeze %dma_start3A_20 : memref<1x79x128xi32, #tpu.memory_space<hbm>> -> memref<79x128xi32, #tpu.memory_space<hbm>>
      tpu.enqueue_dma source(%dma_start3A_21 : memref<79x128xi32, #tpu.memory_space<hbm>>) target(%arg8 : memref<79x128xi32, #tpu.memory_space<vmem>>) target_semaphore(%run_scoped3A : memref<!tpu.dma_semaphore, #tpu.memory_space<semaphore_mem>>)
      %dma_wait3A = arith.constant 0 : i32
      %dma_wait3A_22 = arith.constant 0 : i32
      %dma_wait3A_23 = tpu.memref_slice %arg4[%add3A, %dma_wait3A, %dma_wait3A_22] : memref<32x79x128xi32, #tpu.memory_space<hbm>> -> memref<1x79x128xi32, #tpu.memory_space<hbm>>
      %dma_wait3A_24 = tpu.memref_squeeze %dma_wait3A_23 : memref<1x79x128xi32, #tpu.memory_space<hbm>> -> memref<79x128xi32, #tpu.memory_space<hbm>>
      %dma_wait3A_25 = arith.constant 0 : i32
      %dma_wait3A_26 = arith.constant 0 : i32
      %dma_wait3A_27 = tpu.memref_slice %arg4[%add3A, %dma_wait3A_25, %dma_wait3A_26] : memref<32x79x128xi32, #tpu.memory_space<hbm>> -> memref<1x79x128xi32, #tpu.memory_space<hbm>>
      %dma_wait3A_28 = tpu.memref_squeeze %dma_wait3A_27 : memref<1x79x128xi32, #tpu.memory_space<hbm>> -> memref<79x128xi32, #tpu.memory_space<hbm>>
      tpu.wait_dma2 semaphore(%run_scoped3A : memref<!tpu.dma_semaphore, #tpu.memory_space<semaphore_mem>>) src(%dma_wait3A_28 : memref<79x128xi32, #tpu.memory_space<hbm>>) dst(%arg8 : memref<79x128xi32, #tpu.memory_space<vmem>>)
      tpu.yield
    }) : () -> ()
    %barrier3A = arith.constant 0 : index
    tpu.barrier barrier_id(%barrier3A)
    %scan3A = arith.constant 0 : i32
    %scan3A_9 = arith.constant 0 : i32
    %scan3A_10 = arith.constant 79 : i32
    %scan3A_11 = arith.addi %scan3A_9, %scan3A_10 : i32
    %scan3A_12 = arith.constant 1 : i32
    scf.for %scan3A_15 = %scan3A_9 to %scan3A_11 step %scan3A_12  : i32 {
      %dma_start3A = arith.constant 0 : i32
      %dma_start3A_16 = tpu.memref_slice %arg7[%scan3A_15, %dma_start3A] : memref<79x128xi32, #tpu.memory_space<vmem>> -> memref<1x128xi32, #tpu.memory_space<vmem>>
      %dma_start3A_17 = tpu.memref_squeeze %dma_start3A_16 : memref<1x128xi32, #tpu.memory_space<vmem>> -> memref<128xi32, #tpu.memory_space<vmem>>
      %dma_start3A_18 = arith.constant 0 : i32
      %dma_start3A_19 = arith.constant 0 : i32
      %dma_start3A_20 = tpu.memref_slice %arg2[%dma_start3A_18, %dma_start3A_19] : memref<10240x128xf32, #tpu.memory_space<hbm>> -> memref<10240x128xf32, #tpu.memory_space<hbm>>
      tpu.enqueue_indirect_dma source(%dma_start3A_20 : memref<10240x128xf32, #tpu.memory_space<hbm>>) target(%arg9 : memref<128x128xf32, #tpu.memory_space<vmem>>) offsets(%dma_start3A_17 : memref<128xi32, #tpu.memory_space<vmem>>) semaphore(%arg11 : memref<!tpu.dma_semaphore, #tpu.memory_space<semaphore_mem>>)
      %dma_wait3A = arith.constant 0 : i32
      %dma_wait3A_21 = tpu.memref_slice %arg7[%scan3A_15, %dma_wait3A] : memref<79x128xi32, #tpu.memory_space<vmem>> -> memref<1x128xi32, #tpu.memory_space<vmem>>
      %dma_wait3A_22 = tpu.memref_squeeze %dma_wait3A_21 : memref<1x128xi32, #tpu.memory_space<vmem>> -> memref<128xi32, #tpu.memory_space<vmem>>
      %dma_wait3A_23 = arith.constant 0 : i32
      %dma_wait3A_24 = arith.constant 0 : i32
      %dma_wait3A_25 = tpu.memref_slice %arg2[%dma_wait3A_23, %dma_wait3A_24] : memref<10240x128xf32, #tpu.memory_space<hbm>> -> memref<10240x128xf32, #tpu.memory_space<hbm>>
      tpu.wait_indirect_dma semaphore(%arg11 : memref<!tpu.dma_semaphore, #tpu.memory_space<semaphore_mem>>) src(%dma_wait3A_25 : memref<10240x128xf32, #tpu.memory_space<hbm>>) dst(%arg9 : memref<128x128xf32, #tpu.memory_space<vmem>>)
      "tpu.region"() ({
        %run_scoped3A = tpu.sem_alloc : memref<!tpu.dma_semaphore, #tpu.memory_space<semaphore_mem>>
        %dma_start3A_26 = arith.constant 0 : i32
        %dma_start3A_27 = tpu.memref_slice %arg8[%scan3A_15, %dma_start3A_26] : memref<79x128xi32, #tpu.memory_space<vmem>> -> memref<1x128xi32, #tpu.memory_space<vmem>>
        %dma_start3A_28 = tpu.memref_squeeze %dma_start3A_27 : memref<1x128xi32, #tpu.memory_space<vmem>> -> memref<128xi32, #tpu.memory_space<vmem>>
        %dma_start3A_29 = arith.constant 0 : i32
        %dma_start3A_30 = arith.constant 0 : i32
        %dma_start3A_31 = tpu.memref_slice %arg10[%dma_start3A_29, %dma_start3A_30] : memref<10240x128xf32, #tpu.memory_space<vmem_shared>> -> memref<10240x128xf32, #tpu.memory_space<vmem_shared>>
        tpu.enqueue_indirect_dma source(%arg9 : memref<128x128xf32, #tpu.memory_space<vmem>>) target(%dma_start3A_31 : memref<10240x128xf32, #tpu.memory_space<vmem_shared>>) offsets(%dma_start3A_28 : memref<128xi32, #tpu.memory_space<vmem>>) semaphore(%run_scoped3A : memref<!tpu.dma_semaphore, #tpu.memory_space<semaphore_mem>>) {add = true}
        %dma_wait3A_32 = arith.constant 0 : i32
        %dma_wait3A_33 = tpu.memref_slice %arg8[%scan3A_15, %dma_wait3A_32] : memref<79x128xi32, #tpu.memory_space<vmem>> -> memref<1x128xi32, #tpu.memory_space<vmem>>
        %dma_wait3A_34 = tpu.memref_squeeze %dma_wait3A_33 : memref<1x128xi32, #tpu.memory_space<vmem>> -> memref<128xi32, #tpu.memory_space<vmem>>
        %dma_wait3A_35 = arith.constant 0 : i32
        %dma_wait3A_36 = arith.constant 0 : i32
        %dma_wait3A_37 = tpu.memref_slice %arg10[%dma_wait3A_35, %dma_wait3A_36] : memref<10240x128xf32, #tpu.memory_space<vmem_shared>> -> memref<10240x128xf32, #tpu.memory_space<vmem_shared>>
        tpu.wait_indirect_dma semaphore(%run_scoped3A : memref<!tpu.dma_semaphore, #tpu.memory_space<semaphore_mem>>) src(%arg9 : memref<128x128xf32, #tpu.memory_space<vmem>>) dst(%dma_wait3A_37 : memref<10240x128xf32, #tpu.memory_space<vmem_shared>>)
        tpu.yield
      }) : () -> ()
    }
    %scan3A_13 = arith.constant 79 : i32
    %barrier3A_14 = arith.constant 0 : index
    tpu.barrier barrier_id(%barrier3A_14)
    "tpu.region"() ({
      %run_scoped3A = tpu.sem_alloc : memref<!tpu.dma_semaphore, #tpu.memory_space<semaphore_mem>>
      %dma_start3A = arith.constant 0 : i32
      %dma_start3A_15 = tpu.memref_slice %arg6[%arg0, %mul3A_2, %dma_start3A] : memref<2x10240x128xf32, #tpu.memory_space<hbm>> -> memref<1x640x128xf32, #tpu.memory_space<hbm>>
      %dma_start3A_16 = tpu.memref_squeeze %dma_start3A_15 : memref<1x640x128xf32, #tpu.memory_space<hbm>> -> memref<640x128xf32, #tpu.memory_space<hbm>>
      %dma_start3A_17 = arith.constant 0 : i32
      %dma_start3A_18 = tpu.memref_slice %arg10[%mul3A_2, %dma_start3A_17] : memref<10240x128xf32, #tpu.memory_space<vmem_shared>> -> memref<640x128xf32, #tpu.memory_space<vmem_shared>>
      tpu.enqueue_dma source(%dma_start3A_18 : memref<640x128xf32, #tpu.memory_space<vmem_shared>>) target(%dma_start3A_16 : memref<640x128xf32, #tpu.memory_space<hbm>>) target_semaphore(%run_scoped3A : memref<!tpu.dma_semaphore, #tpu.memory_space<semaphore_mem>>)
      %dma_wait3A = arith.constant 0 : i32
      %dma_wait3A_19 = tpu.memref_slice %arg6[%arg0, %mul3A_2, %dma_wait3A] : memref<2x10240x128xf32, #tpu.memory_space<hbm>> -> memref<1x640x128xf32, #tpu.memory_space<hbm>>
      %dma_wait3A_20 = tpu.memref_squeeze %dma_wait3A_19 : memref<1x640x128xf32, #tpu.memory_space<hbm>> -> memref<640x128xf32, #tpu.memory_space<hbm>>
      %dma_wait3A_21 = arith.constant 0 : i32
      %dma_wait3A_22 = tpu.memref_slice %arg10[%mul3A_2, %dma_wait3A_21] : memref<10240x128xf32, #tpu.memory_space<vmem_shared>> -> memref<640x128xf32, #tpu.memory_space<vmem_shared>>
      tpu.wait_dma2 semaphore(%run_scoped3A : memref<!tpu.dma_semaphore, #tpu.memory_space<semaphore_mem>>) src(%dma_wait3A_22 : memref<640x128xf32, #tpu.memory_space<vmem_shared>>) dst(%dma_wait3A_20 : memref<640x128xf32, #tpu.memory_space<hbm>>)
      tpu.yield
    }) : () -> ()
    return
  }
}

#map = affine_map<(d0, d1) -> (0, 0)>
#map1 = affine_map<(d0, d1) -> (0, 0, 0)>
module attributes {stable_mosaic.version = 14 : i64} {
  func.func @body(%arg0: i32, %arg1: i32, %arg2: memref<10240x128xf32, #tpu.memory_space<hbm>>, %arg3: memref<32x79x128xi32, #tpu.memory_space<hbm>>, %arg4: memref<32x79x128xi32, #tpu.memory_space<hbm>>, %arg5: memref<10240x128xf32, #tpu.memory_space<hbm>>, %arg6: memref<2x10240x128xf32, #tpu.memory_space<hbm>>, %arg7: memref<79x128xi32, #tpu.memory_space<vmem>>, %arg8: memref<79x128xi32, #tpu.memory_space<vmem>>, %arg9: memref<128x128xf32, #tpu.memory_space<vmem>>, %arg10: memref<10240x128xf32, #tpu.memory_space<vmem_shared>>, %arg11: memref<!tpu.dma_semaphore, #tpu.memory_space<semaphore_mem>>) attributes {dimension_semantics = [#tpu.dimension_semantics<core_parallel>, #tpu.dimension_semantics<subcore_parallel>], iteration_bounds = array<i64: 2, 16>, scalar_prefetch = 0 : i64, scratch_operands = 5 : i64, tpu.core_type = #tpu.core_type<sc_vector_subcore>, window_params = [{transform_indices = #map}, {transform_indices = #map1}, {transform_indices = #map1}, {transform_indices = #map}, {transform_indices = #map1}]} {
    %mul3A = arith.constant 2 : i32
    %mul3A_0 = arith.muli %arg1, %mul3A : i32
    %add3A = arith.addi %mul3A_0, %arg0 : i32
    %mul3A_1 = arith.constant 640 : i32
    %mul3A_2 = arith.muli %arg1, %mul3A_1 : i32
    %eq3A = arith.constant 0 : i32
    %eq3A_3 = arith.cmpi eq, %arg0, %eq3A : i32
    %convert_element_type3A = arith.extui %eq3A_3 : i1 to i32
    %cond3A = arith.constant 0 : i32
    %cond3A_4 = arith.cmpi ne, %convert_element_type3A, %cond3A : i32
    scf.if %cond3A_4 {
      "tpu.region"() ({
        %run_scoped3A = tpu.sem_alloc : memref<!tpu.dma_semaphore, #tpu.memory_space<semaphore_mem>>
        %dma_start3A = arith.constant 0 : i32
        %dma_start3A_15 = tpu.memref_slice %arg10[%mul3A_2, %dma_start3A] : memref<10240x128xf32, #tpu.memory_space<vmem_shared>> -> memref<640x128xf32, #tpu.memory_space<vmem_shared>>
        %dma_start3A_16 = arith.constant 0 : i32
        %dma_start3A_17 = tpu.memref_slice %arg2[%mul3A_2, %dma_start3A_16] : memref<10240x128xf32, #tpu.memory_space<hbm>> -> memref<640x128xf32, #tpu.memory_space<hbm>>
        tpu.enqueue_dma source(%dma_start3A_17 : memref<640x128xf32, #tpu.memory_space<hbm>>) target(%dma_start3A_15 : memref<640x128xf32, #tpu.memory_space<vmem_shared>>) target_semaphore(%run_scoped3A : memref<!tpu.dma_semaphore, #tpu.memory_space<semaphore_mem>>)
        %dma_wait3A = arith.constant 0 : i32
        %dma_wait3A_18 = tpu.memref_slice %arg10[%mul3A_2, %dma_wait3A] : memref<10240x128xf32, #tpu.memory_space<vmem_shared>> -> memref<640x128xf32, #tpu.memory_space<vmem_shared>>
        %dma_wait3A_19 = arith.constant 0 : i32
        %dma_wait3A_20 = tpu.memref_slice %arg2[%mul3A_2, %dma_wait3A_19] : memref<10240x128xf32, #tpu.memory_space<hbm>> -> memref<640x128xf32, #tpu.memory_space<hbm>>
        tpu.wait_dma2 semaphore(%run_scoped3A : memref<!tpu.dma_semaphore, #tpu.memory_space<semaphore_mem>>) src(%dma_wait3A_20 : memref<640x128xf32, #tpu.memory_space<hbm>>) dst(%dma_wait3A_18 : memref<640x128xf32, #tpu.memory_space<vmem_shared>>)
        tpu.yield
      }) : () -> ()
    } else {
    }
    %ne3A = arith.constant 0 : i32
    %ne3A_5 = arith.cmpi ne, %arg0, %ne3A : i32
    %convert_element_type3A_6 = arith.extui %ne3A_5 : i1 to i32
    %cond3A_7 = arith.constant 0 : i32
    %cond3A_8 = arith.cmpi ne, %convert_element_type3A_6, %cond3A_7 : i32
    scf.if %cond3A_8 {
      "tpu.region"() ({
        %run_scoped3A = tpu.sem_alloc : memref<!tpu.dma_semaphore, #tpu.memory_space<semaphore_mem>>
        %dma_start3A = arith.constant 0 : i32
        %dma_start3A_15 = tpu.memref_slice %arg10[%mul3A_2, %dma_start3A] : memref<10240x128xf32, #tpu.memory_space<vmem_shared>> -> memref<640x128xf32, #tpu.memory_space<vmem_shared>>
        %dma_start3A_16 = arith.constant 0 : i32
        %dma_start3A_17 = tpu.memref_slice %arg5[%mul3A_2, %dma_start3A_16] : memref<10240x128xf32, #tpu.memory_space<hbm>> -> memref<640x128xf32, #tpu.memory_space<hbm>>
        tpu.enqueue_dma source(%dma_start3A_17 : memref<640x128xf32, #tpu.memory_space<hbm>>) target(%dma_start3A_15 : memref<640x128xf32, #tpu.memory_space<vmem_shared>>) target_semaphore(%run_scoped3A : memref<!tpu.dma_semaphore, #tpu.memory_space<semaphore_mem>>)
        %dma_wait3A = arith.constant 0 : i32
        %dma_wait3A_18 = tpu.memref_slice %arg10[%mul3A_2, %dma_wait3A] : memref<10240x128xf32, #tpu.memory_space<vmem_shared>> -> memref<640x128xf32, #tpu.memory_space<vmem_shared>>
        %dma_wait3A_19 = arith.constant 0 : i32
        %dma_wait3A_20 = tpu.memref_slice %arg5[%mul3A_2, %dma_wait3A_19] : memref<10240x128xf32, #tpu.memory_space<hbm>> -> memref<640x128xf32, #tpu.memory_space<hbm>>
        tpu.wait_dma2 semaphore(%run_scoped3A : memref<!tpu.dma_semaphore, #tpu.memory_space<semaphore_mem>>) src(%dma_wait3A_20 : memref<640x128xf32, #tpu.memory_space<hbm>>) dst(%dma_wait3A_18 : memref<640x128xf32, #tpu.memory_space<vmem_shared>>)
        tpu.yield
      }) : () -> ()
    } else {
    }
    "tpu.region"() ({
      %run_scoped3A = tpu.sem_alloc : memref<!tpu.dma_semaphore, #tpu.memory_space<semaphore_mem>>
      %dma_start3A = arith.constant 0 : i32
      %dma_start3A_15 = arith.constant 0 : i32
      %dma_start3A_16 = tpu.memref_slice %arg3[%add3A, %dma_start3A, %dma_start3A_15] : memref<32x79x128xi32, #tpu.memory_space<hbm>> -> memref<1x79x128xi32, #tpu.memory_space<hbm>>
      %dma_start3A_17 = tpu.memref_squeeze %dma_start3A_16 : memref<1x79x128xi32, #tpu.memory_space<hbm>> -> memref<79x128xi32, #tpu.memory_space<hbm>>
      %dma_start3A_18 = arith.constant 0 : i32
      %dma_start3A_19 = arith.constant 0 : i32
      %dma_start3A_20 = tpu.memref_slice %arg3[%add3A, %dma_start3A_18, %dma_start3A_19] : memref<32x79x128xi32, #tpu.memory_space<hbm>> -> memref<1x79x128xi32, #tpu.memory_space<hbm>>
      %dma_start3A_21 = tpu.memref_squeeze %dma_start3A_20 : memref<1x79x128xi32, #tpu.memory_space<hbm>> -> memref<79x128xi32, #tpu.memory_space<hbm>>
      tpu.enqueue_dma source(%dma_start3A_21 : memref<79x128xi32, #tpu.memory_space<hbm>>) target(%arg7 : memref<79x128xi32, #tpu.memory_space<vmem>>) target_semaphore(%run_scoped3A : memref<!tpu.dma_semaphore, #tpu.memory_space<semaphore_mem>>)
      %dma_wait3A = arith.constant 0 : i32
      %dma_wait3A_22 = arith.constant 0 : i32
      %dma_wait3A_23 = tpu.memref_slice %arg3[%add3A, %dma_wait3A, %dma_wait3A_22] : memref<32x79x128xi32, #tpu.memory_space<hbm>> -> memref<1x79x128xi32, #tpu.memory_space<hbm>>
      %dma_wait3A_24 = tpu.memref_squeeze %dma_wait3A_23 : memref<1x79x128xi32, #tpu.memory_space<hbm>> -> memref<79x128xi32, #tpu.memory_space<hbm>>
      %dma_wait3A_25 = arith.constant 0 : i32
      %dma_wait3A_26 = arith.constant 0 : i32
      %dma_wait3A_27 = tpu.memref_slice %arg3[%add3A, %dma_wait3A_25, %dma_wait3A_26] : memref<32x79x128xi32, #tpu.memory_space<hbm>> -> memref<1x79x128xi32, #tpu.memory_space<hbm>>
      %dma_wait3A_28 = tpu.memref_squeeze %dma_wait3A_27 : memref<1x79x128xi32, #tpu.memory_space<hbm>> -> memref<79x128xi32, #tpu.memory_space<hbm>>
      tpu.wait_dma2 semaphore(%run_scoped3A : memref<!tpu.dma_semaphore, #tpu.memory_space<semaphore_mem>>) src(%dma_wait3A_28 : memref<79x128xi32, #tpu.memory_space<hbm>>) dst(%arg7 : memref<79x128xi32, #tpu.memory_space<vmem>>)
      tpu.yield
    }) : () -> ()
    "tpu.region"() ({
      %run_scoped3A = tpu.sem_alloc : memref<!tpu.dma_semaphore, #tpu.memory_space<semaphore_mem>>
      %dma_start3A = arith.constant 0 : i32
      %dma_start3A_15 = arith.constant 0 : i32
      %dma_start3A_16 = tpu.memref_slice %arg4[%add3A, %dma_start3A, %dma_start3A_15] : memref<32x79x128xi32, #tpu.memory_space<hbm>> -> memref<1x79x128xi32, #tpu.memory_space<hbm>>
      %dma_start3A_17 = tpu.memref_squeeze %dma_start3A_16 : memref<1x79x128xi32, #tpu.memory_space<hbm>> -> memref<79x128xi32, #tpu.memory_space<hbm>>
      %dma_start3A_18 = arith.constant 0 : i32
      %dma_start3A_19 = arith.constant 0 : i32
      %dma_start3A_20 = tpu.memref_slice %arg4[%add3A, %dma_start3A_18, %dma_start3A_19] : memref<32x79x128xi32, #tpu.memory_space<hbm>> -> memref<1x79x128xi32, #tpu.memory_space<hbm>>
      %dma_start3A_21 = tpu.memref_squeeze %dma_start3A_20 : memref<1x79x128xi32, #tpu.memory_space<hbm>> -> memref<79x128xi32, #tpu.memory_space<hbm>>
      tpu.enqueue_dma source(%dma_start3A_21 : memref<79x128xi32, #tpu.memory_space<hbm>>) target(%arg8 : memref<79x128xi32, #tpu.memory_space<vmem>>) target_semaphore(%run_scoped3A : memref<!tpu.dma_semaphore, #tpu.memory_space<semaphore_mem>>)
      %dma_wait3A = arith.constant 0 : i32
      %dma_wait3A_22 = arith.constant 0 : i32
      %dma_wait3A_23 = tpu.memref_slice %arg4[%add3A, %dma_wait3A, %dma_wait3A_22] : memref<32x79x128xi32, #tpu.memory_space<hbm>> -> memref<1x79x128xi32, #tpu.memory_space<hbm>>
      %dma_wait3A_24 = tpu.memref_squeeze %dma_wait3A_23 : memref<1x79x128xi32, #tpu.memory_space<hbm>> -> memref<79x128xi32, #tpu.memory_space<hbm>>
      %dma_wait3A_25 = arith.constant 0 : i32
      %dma_wait3A_26 = arith.constant 0 : i32
      %dma_wait3A_27 = tpu.memref_slice %arg4[%add3A, %dma_wait3A_25, %dma_wait3A_26] : memref<32x79x128xi32, #tpu.memory_space<hbm>> -> memref<1x79x128xi32, #tpu.memory_space<hbm>>
      %dma_wait3A_28 = tpu.memref_squeeze %dma_wait3A_27 : memref<1x79x128xi32, #tpu.memory_space<hbm>> -> memref<79x128xi32, #tpu.memory_space<hbm>>
      tpu.wait_dma2 semaphore(%run_scoped3A : memref<!tpu.dma_semaphore, #tpu.memory_space<semaphore_mem>>) src(%dma_wait3A_28 : memref<79x128xi32, #tpu.memory_space<hbm>>) dst(%arg8 : memref<79x128xi32, #tpu.memory_space<vmem>>)
      tpu.yield
    }) : () -> ()
    %barrier3A = arith.constant 0 : index
    tpu.barrier barrier_id(%barrier3A)
    %scan3A = arith.constant 0 : i32
    %scan3A_9 = arith.constant 0 : i32
    %scan3A_10 = arith.constant 79 : i32
    %scan3A_11 = arith.addi %scan3A_9, %scan3A_10 : i32
    %scan3A_12 = arith.constant 1 : i32
    scf.for %scan3A_15 = %scan3A_9 to %scan3A_11 step %scan3A_12  : i32 {
      %dma_start3A = arith.constant 0 : i32
      %dma_start3A_16 = tpu.memref_slice %arg7[%scan3A_15, %dma_start3A] : memref<79x128xi32, #tpu.memory_space<vmem>> -> memref<1x128xi32, #tpu.memory_space<vmem>>
      %dma_start3A_17 = tpu.memref_squeeze %dma_start3A_16 : memref<1x128xi32, #tpu.memory_space<vmem>> -> memref<128xi32, #tpu.memory_space<vmem>>
      %dma_start3A_18 = arith.constant 0 : i32
      %dma_start3A_19 = arith.constant 0 : i32
      %dma_start3A_20 = tpu.memref_slice %arg2[%dma_start3A_18, %dma_start3A_19] : memref<10240x128xf32, #tpu.memory_space<hbm>> -> memref<10240x128xf32, #tpu.memory_space<hbm>>
      tpu.enqueue_indirect_dma source(%dma_start3A_20 : memref<10240x128xf32, #tpu.memory_space<hbm>>) target(%arg9 : memref<128x128xf32, #tpu.memory_space<vmem>>) offsets(%dma_start3A_17 : memref<128xi32, #tpu.memory_space<vmem>>) semaphore(%arg11 : memref<!tpu.dma_semaphore, #tpu.memory_space<semaphore_mem>>)
      %dma_wait3A = arith.constant 0 : i32
      %dma_wait3A_21 = tpu.memref_slice %arg7[%scan3A_15, %dma_wait3A] : memref<79x128xi32, #tpu.memory_space<vmem>> -> memref<1x128xi32, #tpu.memory_space<vmem>>
      %dma_wait3A_22 = tpu.memref_squeeze %dma_wait3A_21 : memref<1x128xi32, #tpu.memory_space<vmem>> -> memref<128xi32, #tpu.memory_space<vmem>>
      %dma_wait3A_23 = arith.constant 0 : i32
      %dma_wait3A_24 = arith.constant 0 : i32
      %dma_wait3A_25 = tpu.memref_slice %arg2[%dma_wait3A_23, %dma_wait3A_24] : memref<10240x128xf32, #tpu.memory_space<hbm>> -> memref<10240x128xf32, #tpu.memory_space<hbm>>
      tpu.wait_indirect_dma semaphore(%arg11 : memref<!tpu.dma_semaphore, #tpu.memory_space<semaphore_mem>>) src(%dma_wait3A_25 : memref<10240x128xf32, #tpu.memory_space<hbm>>) dst(%arg9 : memref<128x128xf32, #tpu.memory_space<vmem>>)
      "tpu.region"() ({
        %run_scoped3A = tpu.sem_alloc : memref<!tpu.dma_semaphore, #tpu.memory_space<semaphore_mem>>
        %dma_start3A_26 = arith.constant 0 : i32
        %dma_start3A_27 = tpu.memref_slice %arg8[%scan3A_15, %dma_start3A_26] : memref<79x128xi32, #tpu.memory_space<vmem>> -> memref<1x128xi32, #tpu.memory_space<vmem>>
        %dma_start3A_28 = tpu.memref_squeeze %dma_start3A_27 : memref<1x128xi32, #tpu.memory_space<vmem>> -> memref<128xi32, #tpu.memory_space<vmem>>
        %dma_start3A_29 = arith.constant 0 : i32
        %dma_start3A_30 = arith.constant 0 : i32
        %dma_start3A_31 = tpu.memref_slice %arg10[%dma_start3A_29, %dma_start3A_30] : memref<10240x128xf32, #tpu.memory_space<vmem_shared>> -> memref<10240x128xf32, #tpu.memory_space<vmem_shared>>
        tpu.enqueue_indirect_dma source(%arg9 : memref<128x128xf32, #tpu.memory_space<vmem>>) target(%dma_start3A_31 : memref<10240x128xf32, #tpu.memory_space<vmem_shared>>) offsets(%dma_start3A_28 : memref<128xi32, #tpu.memory_space<vmem>>) semaphore(%run_scoped3A : memref<!tpu.dma_semaphore, #tpu.memory_space<semaphore_mem>>) {add = true}
        %dma_wait3A_32 = arith.constant 0 : i32
        %dma_wait3A_33 = tpu.memref_slice %arg8[%scan3A_15, %dma_wait3A_32] : memref<79x128xi32, #tpu.memory_space<vmem>> -> memref<1x128xi32, #tpu.memory_space<vmem>>
        %dma_wait3A_34 = tpu.memref_squeeze %dma_wait3A_33 : memref<1x128xi32, #tpu.memory_space<vmem>> -> memref<128xi32, #tpu.memory_space<vmem>>
        %dma_wait3A_35 = arith.constant 0 : i32
        %dma_wait3A_36 = arith.constant 0 : i32
        %dma_wait3A_37 = tpu.memref_slice %arg10[%dma_wait3A_35, %dma_wait3A_36] : memref<10240x128xf32, #tpu.memory_space<vmem_shared>> -> memref<10240x128xf32, #tpu.memory_space<vmem_shared>>
        tpu.wait_indirect_dma semaphore(%run_scoped3A : memref<!tpu.dma_semaphore, #tpu.memory_space<semaphore_mem>>) src(%arg9 : memref<128x128xf32, #tpu.memory_space<vmem>>) dst(%dma_wait3A_37 : memref<10240x128xf32, #tpu.memory_space<vmem_shared>>)
        tpu.yield
      }) : () -> ()
    }
    %scan3A_13 = arith.constant 79 : i32
    %barrier3A_14 = arith.constant 0 : index
    tpu.barrier barrier_id(%barrier3A_14)
    "tpu.region"() ({
      %run_scoped3A = tpu.sem_alloc : memref<!tpu.dma_semaphore, #tpu.memory_space<semaphore_mem>>
      %dma_start3A = arith.constant 0 : i32
      %dma_start3A_15 = tpu.memref_slice %arg6[%arg0, %mul3A_2, %dma_start3A] : memref<2x10240x128xf32, #tpu.memory_space<hbm>> -> memref<1x640x128xf32, #tpu.memory_space<hbm>>
      %dma_start3A_16 = tpu.memref_squeeze %dma_start3A_15 : memref<1x640x128xf32, #tpu.memory_space<hbm>> -> memref<640x128xf32, #tpu.memory_space<hbm>>
      %dma_start3A_17 = arith.constant 0 : i32
      %dma_start3A_18 = tpu.memref_slice %arg10[%mul3A_2, %dma_start3A_17] : memref<10240x128xf32, #tpu.memory_space<vmem_shared>> -> memref<640x128xf32, #tpu.memory_space<vmem_shared>>
      tpu.enqueue_dma source(%dma_start3A_18 : memref<640x128xf32, #tpu.memory_space<vmem_shared>>) target(%dma_start3A_16 : memref<640x128xf32, #tpu.memory_space<hbm>>) target_semaphore(%run_scoped3A : memref<!tpu.dma_semaphore, #tpu.memory_space<semaphore_mem>>)
      %dma_wait3A = arith.constant 0 : i32
      %dma_wait3A_19 = tpu.memref_slice %arg6[%arg0, %mul3A_2, %dma_wait3A] : memref<2x10240x128xf32, #tpu.memory_space<hbm>> -> memref<1x640x128xf32, #tpu.memory_space<hbm>>
      %dma_wait3A_20 = tpu.memref_squeeze %dma_wait3A_19 : memref<1x640x128xf32, #tpu.memory_space<hbm>> -> memref<640x128xf32, #tpu.memory_space<hbm>>
      %dma_wait3A_21 = arith.constant 0 : i32
      %dma_wait3A_22 = tpu.memref_slice %arg10[%mul3A_2, %dma_wait3A_21] : memref<10240x128xf32, #tpu.memory_space<vmem_shared>> -> memref<640x128xf32, #tpu.memory_space<vmem_shared>>
      tpu.wait_dma2 semaphore(%run_scoped3A : memref<!tpu.dma_semaphore, #tpu.memory_space<semaphore_mem>>) src(%dma_wait3A_22 : memref<640x128xf32, #tpu.memory_space<vmem_shared>>) dst(%dma_wait3A_20 : memref<640x128xf32, #tpu.memory_space<hbm>>)
      tpu.yield
    }) : () -> ()
    return
  }
}

#map = affine_map<(d0, d1) -> (0, 0)>
#map1 = affine_map<(d0, d1) -> (0)>
module attributes {stable_mosaic.version = 14 : i64} {
  func.func @body(%arg0: i32, %arg1: i32, %arg2: memref<10240x128xf32, #tpu.memory_space<hbm>>, %arg3: memref<2048xi32, #tpu.memory_space<hbm>>, %arg4: memref<2048x128xf32, #tpu.memory_space<hbm>>, %arg5: memref<64xi32, #tpu.memory_space<vmem>>, %arg6: memref<64x128xf32, #tpu.memory_space<vmem>>, %arg7: memref<!tpu.dma_semaphore, #tpu.memory_space<semaphore_mem>>) attributes {dimension_semantics = [#tpu.dimension_semantics<core_parallel>, #tpu.dimension_semantics<subcore_parallel>], iteration_bounds = array<i64: 2, 16>, scalar_prefetch = 0 : i64, scratch_operands = 3 : i64, tpu.core_type = #tpu.core_type<sc_vector_subcore>, window_params = [{transform_indices = #map}, {transform_indices = #map1}, {transform_indices = #map}]} {
    %mul3A = arith.constant 2 : i32
    %mul3A_0 = arith.muli %arg1, %mul3A : i32
    %add3A = arith.addi %mul3A_0, %arg0 : i32
    %mul3A_1 = arith.constant 64 : i32
    %mul3A_2 = arith.muli %add3A, %mul3A_1 : i32
    "tpu.region"() ({
      %run_scoped3A = tpu.sem_alloc : memref<!tpu.dma_semaphore, #tpu.memory_space<semaphore_mem>>
      %dma_start3A_7 = tpu.memref_slice %arg3[%mul3A_2] : memref<2048xi32, #tpu.memory_space<hbm>> -> memref<64xi32, #tpu.memory_space<hbm>>
      %dma_start3A_8 = tpu.memref_slice %arg3[%mul3A_2] : memref<2048xi32, #tpu.memory_space<hbm>> -> memref<64xi32, #tpu.memory_space<hbm>>
      tpu.enqueue_dma source(%dma_start3A_8 : memref<64xi32, #tpu.memory_space<hbm>>) target(%arg5 : memref<64xi32, #tpu.memory_space<vmem>>) target_semaphore(%run_scoped3A : memref<!tpu.dma_semaphore, #tpu.memory_space<semaphore_mem>>)
      %dma_wait3A_9 = tpu.memref_slice %arg3[%mul3A_2] : memref<2048xi32, #tpu.memory_space<hbm>> -> memref<64xi32, #tpu.memory_space<hbm>>
      %dma_wait3A_10 = tpu.memref_slice %arg3[%mul3A_2] : memref<2048xi32, #tpu.memory_space<hbm>> -> memref<64xi32, #tpu.memory_space<hbm>>
      tpu.wait_dma2 semaphore(%run_scoped3A : memref<!tpu.dma_semaphore, #tpu.memory_space<semaphore_mem>>) src(%dma_wait3A_10 : memref<64xi32, #tpu.memory_space<hbm>>) dst(%arg5 : memref<64xi32, #tpu.memory_space<vmem>>)
      tpu.yield
    }) : () -> ()
    %dma_start3A = arith.constant 0 : i32
    %dma_start3A_3 = arith.constant 0 : i32
    %dma_start3A_4 = tpu.memref_slice %arg2[%dma_start3A, %dma_start3A_3] : memref<10240x128xf32, #tpu.memory_space<hbm>> -> memref<10240x128xf32, #tpu.memory_space<hbm>>
    tpu.enqueue_indirect_dma source(%dma_start3A_4 : memref<10240x128xf32, #tpu.memory_space<hbm>>) target(%arg6 : memref<64x128xf32, #tpu.memory_space<vmem>>) offsets(%arg5 : memref<64xi32, #tpu.memory_space<vmem>>) semaphore(%arg7 : memref<!tpu.dma_semaphore, #tpu.memory_space<semaphore_mem>>)
    %dma_wait3A = arith.constant 0 : i32
    %dma_wait3A_5 = arith.constant 0 : i32
    %dma_wait3A_6 = tpu.memref_slice %arg2[%dma_wait3A, %dma_wait3A_5] : memref<10240x128xf32, #tpu.memory_space<hbm>> -> memref<10240x128xf32, #tpu.memory_space<hbm>>
    tpu.wait_indirect_dma semaphore(%arg7 : memref<!tpu.dma_semaphore, #tpu.memory_space<semaphore_mem>>) src(%dma_wait3A_6 : memref<10240x128xf32, #tpu.memory_space<hbm>>) dst(%arg6 : memref<64x128xf32, #tpu.memory_space<vmem>>)
    "tpu.region"() ({
      %run_scoped3A = tpu.sem_alloc : memref<!tpu.dma_semaphore, #tpu.memory_space<semaphore_mem>>
      %dma_start3A_7 = arith.constant 0 : i32
      %dma_start3A_8 = tpu.memref_slice %arg4[%mul3A_2, %dma_start3A_7] : memref<2048x128xf32, #tpu.memory_space<hbm>> -> memref<64x128xf32, #tpu.memory_space<hbm>>
      %dma_start3A_9 = arith.constant 0 : i32
      %dma_start3A_10 = tpu.memref_slice %arg4[%mul3A_2, %dma_start3A_9] : memref<2048x128xf32, #tpu.memory_space<hbm>> -> memref<64x128xf32, #tpu.memory_space<hbm>>
      tpu.enqueue_dma source(%arg6 : memref<64x128xf32, #tpu.memory_space<vmem>>) target(%dma_start3A_10 : memref<64x128xf32, #tpu.memory_space<hbm>>) target_semaphore(%run_scoped3A : memref<!tpu.dma_semaphore, #tpu.memory_space<semaphore_mem>>)
      %dma_wait3A_11 = arith.constant 0 : i32
      %dma_wait3A_12 = tpu.memref_slice %arg4[%mul3A_2, %dma_wait3A_11] : memref<2048x128xf32, #tpu.memory_space<hbm>> -> memref<64x128xf32, #tpu.memory_space<hbm>>
      %dma_wait3A_13 = arith.constant 0 : i32
      %dma_wait3A_14 = tpu.memref_slice %arg4[%mul3A_2, %dma_wait3A_13] : memref<2048x128xf32, #tpu.memory_space<hbm>> -> memref<64x128xf32, #tpu.memory_space<hbm>>
      tpu.wait_dma2 semaphore(%run_scoped3A : memref<!tpu.dma_semaphore, #tpu.memory_space<semaphore_mem>>) src(%arg6 : memref<64x128xf32, #tpu.memory_space<vmem>>) dst(%dma_wait3A_14 : memref<64x128xf32, #tpu.memory_space<hbm>>)
      tpu.yield
    }) : () -> ()
    return
  }
}

module attributes {stable_mosaic.version = 14 : i64} {
  func.func @_mm_scale_body(%arg0: i32, %arg1: memref<1024x128xf32, #tpu.memory_space<vmem>>, %arg2: memref<128x128xf32, #tpu.memory_space<vmem>>, %arg3: memref<1024x1xf32, #tpu.memory_space<vmem>>, %arg4: memref<1024x1xf32, #tpu.memory_space<vmem>>, %arg5: memref<1024x128xf32, #tpu.memory_space<vmem>>) attributes {dimension_semantics = [#tpu.dimension_semantics<arbitrary>], iteration_bounds = array<i64: 10>, scalar_prefetch = 0 : i64, scratch_operands = 0 : i64, tpu.core_type = #tpu.core_type<tc>, window_params = [{transform_indices = @transform_0, window_bounds = array<i64: 1024, 128>}, {pipeline_mode = #tpu.pipeline_mode<synchronous>, transform_indices = @transform_1, window_bounds = array<i64: 128, 128>}, {transform_indices = @transform_2, window_bounds = array<i64: 1024, 1>}, {transform_indices = @transform_3, window_bounds = array<i64: 1024, 1>}, {transform_indices = @transform_4, window_bounds = array<i64: 1024, 128>}]} {
    %get3A = arith.constant 0 : index
    %get3A_0 = arith.constant 0 : index
    %get3A_1 = vector.load %arg3[%get3A, %get3A_0] : memref<1024x1xf32, #tpu.memory_space<vmem>>, vector<1024x1xf32>
    %get3A_2 = arith.constant 0 : index
    %get3A_3 = arith.constant 0 : index
    %get3A_4 = vector.load %arg4[%get3A_2, %get3A_3] : memref<1024x1xf32, #tpu.memory_space<vmem>>, vector<1024x1xf32>
    %add3A = arith.addf %get3A_1, %get3A_4 : vector<1024x1xf32>
    %add3A_5 = arith.constant 1.000000e+00 : f32
    %add3A_6 = vector.broadcast %add3A_5 : f32 to vector<1024x1xf32>
    %add3A_7 = arith.addf %add3A, %add3A_6 : vector<1024x1xf32>
    %rsqrt3A = math.rsqrt %add3A_7 : vector<1024x1xf32>
    %get3A_8 = arith.constant 0 : index
    %get3A_9 = arith.constant 0 : index
    %get3A_10 = vector.load %arg1[%get3A_8, %get3A_9] : memref<1024x128xf32, #tpu.memory_space<vmem>>, vector<1024x128xf32>
    %get3A_11 = arith.constant 0 : index
    %get3A_12 = arith.constant 0 : index
    %get3A_13 = vector.load %arg2[%get3A_11, %get3A_12] : memref<128x128xf32, #tpu.memory_space<vmem>>, vector<128x128xf32>
    %dot_general3A = arith.constant dense<0.000000e+00> : vector<1024x128xf32>
    %dot_general3A_14 = tpu.matmul %get3A_10, %get3A_13, %dot_general3A {dimension_numbers = #tpu.dot_dimension_numbers<[1], [0], [0], [1], [0, 0, 1, 1], [], []>, transpose_lhs_hint = false} : vector<1024x128xf32>, vector<128x128xf32>, vector<1024x128xf32> -> vector<1024x128xf32>
    %mul3A = vector.broadcast %rsqrt3A : vector<1024x1xf32> to vector<1024x128xf32>
    %mul3A_15 = arith.mulf %dot_general3A_14, %mul3A : vector<1024x128xf32>
    %swap3A = arith.constant 0 : index
    %swap3A_16 = arith.constant 0 : index
    %swap3A_17 = vector.load %arg5[%swap3A, %swap3A_16] : memref<1024x128xf32, #tpu.memory_space<vmem>>, vector<1024x128xf32>
    tpu.vector_store %arg5[%swap3A, %swap3A_16], %mul3A_15 {strides = array<i32>} : memref<1024x128xf32, #tpu.memory_space<vmem>>, vector<1024x128xf32>,
    return
  }
  func.func @transform_0(%arg0: i32) -> (i32, i32) {
    %c0_i32 = arith.constant 0 : i32
    %c0_i32_0 = arith.constant 0 : i32
    return %arg0, %c0_i32 : i32, i32
  }
  func.func @transform_1(%arg0: i32) -> (i32, i32) {
    %c0_i32 = arith.constant 0 : i32
    %c0_i32_0 = arith.constant 0 : i32
    %c0_i32_1 = arith.constant 0 : i32
    return %c0_i32, %c0_i32_0 : i32, i32
  }
  func.func @transform_2(%arg0: i32) -> (i32, i32) {
    %c0_i32 = arith.constant 0 : i32
    %c0_i32_0 = arith.constant 0 : i32
    return %arg0, %c0_i32 : i32, i32
  }
  func.func @transform_3(%arg0: i32) -> (i32, i32) {
    %c0_i32 = arith.constant 0 : i32
    %c0_i32_0 = arith.constant 0 : i32
    return %arg0, %c0_i32 : i32, i32
  }
  func.func @transform_4(%arg0: i32) -> (i32, i32) {
    %c0_i32 = arith.constant 0 : i32
    %c0_i32_0 = arith.constant 0 : i32
    return %arg0, %c0_i32 : i32, i32
  }
}

module attributes {stable_mosaic.version = 14 : i64} {
  func.func @_agg_ln_mm_body(%arg0: i32, %arg1: memref<2x1024x128xf32, #tpu.memory_space<vmem>>, %arg2: memref<1024x1xf32, #tpu.memory_space<vmem>>, %arg3: memref<1024x1xf32, #tpu.memory_space<vmem>>, %arg4: memref<1x128xf32, #tpu.memory_space<vmem>>, %arg5: memref<1x128xf32, #tpu.memory_space<vmem>>, %arg6: memref<1x128xf32, #tpu.memory_space<vmem>>, %arg7: memref<128x128xf32, #tpu.memory_space<vmem>>, %arg8: memref<1024x128xf32, #tpu.memory_space<vmem>>) attributes {dimension_semantics = [#tpu.dimension_semantics<arbitrary>], iteration_bounds = array<i64: 10>, scalar_prefetch = 0 : i64, scratch_operands = 0 : i64, tpu.core_type = #tpu.core_type<tc>, window_params = [{transform_indices = @transform_0, window_bounds = array<i64: 2, 1024, 128>}, {transform_indices = @transform_1, window_bounds = array<i64: 1024, 1>}, {transform_indices = @transform_2, window_bounds = array<i64: 1024, 1>}, {pipeline_mode = #tpu.pipeline_mode<synchronous>, transform_indices = @transform_3, window_bounds = array<i64: 1, 128>}, {pipeline_mode = #tpu.pipeline_mode<synchronous>, transform_indices = @transform_4, window_bounds = array<i64: 1, 128>}, {pipeline_mode = #tpu.pipeline_mode<synchronous>, transform_indices = @transform_5, window_bounds = array<i64: 1, 128>}, {pipeline_mode = #tpu.pipeline_mode<synchronous>, transform_indices = @transform_6, window_bounds = array<i64: 128, 128>}, {transform_indices = @transform_7, window_bounds = array<i64: 1024, 128>}]} {
    %get3A = arith.constant 0 : index
    %get3A_0 = arith.constant 0 : index
    %get3A_1 = vector.load %arg2[%get3A, %get3A_0] : memref<1024x1xf32, #tpu.memory_space<vmem>>, vector<1024x1xf32>
    %get3A_2 = arith.constant 0 : index
    %get3A_3 = arith.constant 0 : index
    %get3A_4 = vector.load %arg3[%get3A_2, %get3A_3] : memref<1024x1xf32, #tpu.memory_space<vmem>>, vector<1024x1xf32>
    %add3A = arith.addf %get3A_1, %get3A_4 : vector<1024x1xf32>
    %add3A_5 = arith.constant 1.000000e+00 : f32
    %add3A_6 = vector.broadcast %add3A_5 : f32 to vector<1024x1xf32>
    %add3A_7 = arith.addf %add3A, %add3A_6 : vector<1024x1xf32>
    %rsqrt3A = math.rsqrt %add3A_7 : vector<1024x1xf32>
    %get3A_8 = arith.constant 0 : index
    %get3A_9 = arith.constant 0 : index
    %get3A_10 = arith.constant 0 : index
    %get3A_11 = vector.load %arg1[%get3A_8, %get3A_9, %get3A_10] : memref<2x1024x128xf32, #tpu.memory_space<vmem>>, vector<1x1024x128xf32>
    %get3A_12 = vector.shape_cast %get3A_11 : vector<1x1024x128xf32> to vector<1024x128xf32>
    %get3A_13 = arith.constant 1 : index
    %get3A_14 = arith.constant 0 : index
    %get3A_15 = arith.constant 0 : index
    %get3A_16 = vector.load %arg1[%get3A_13, %get3A_14, %get3A_15] : memref<2x1024x128xf32, #tpu.memory_space<vmem>>, vector<1x1024x128xf32>
    %get3A_17 = vector.shape_cast %get3A_16 : vector<1x1024x128xf32> to vector<1024x128xf32>
    %add3A_18 = arith.addf %get3A_12, %get3A_17 : vector<1024x128xf32>
    %mul3A = vector.broadcast %rsqrt3A : vector<1024x1xf32> to vector<1024x128xf32>
    %mul3A_19 = arith.mulf %add3A_18, %mul3A : vector<1024x128xf32>
    %get3A_20 = arith.constant 0 : index
    %get3A_21 = arith.constant 0 : index
    %get3A_22 = vector.load %arg4[%get3A_20, %get3A_21] : memref<1x128xf32, #tpu.memory_space<vmem>>, vector<1x128xf32>
    %add3A_23 = vector.broadcast %get3A_22 : vector<1x128xf32> to vector<1024x128xf32>
    %add3A_24 = arith.addf %mul3A_19, %add3A_23 : vector<1024x128xf32>
    %get3A_25 = arith.constant 0 : index
    %get3A_26 = arith.constant 0 : index
    %get3A_27 = vector.load %arg5[%get3A_25, %get3A_26] : memref<1x128xf32, #tpu.memory_space<vmem>>, vector<1x128xf32>
    %get3A_28 = arith.constant 0 : index
    %get3A_29 = arith.constant 0 : index
    %get3A_30 = vector.load %arg6[%get3A_28, %get3A_29] : memref<1x128xf32, #tpu.memory_space<vmem>>, vector<1x128xf32>
    %reduce_sum3A = arith.constant dense<0.000000e+00> : vector<1024xf32>
    %reduce_sum3A_31 = vector.multi_reduction <add>, %add3A_24, %reduce_sum3A [1] : vector<1024x128xf32> to vector<1024xf32>
    %broadcast_in_dim3A = vector.shape_cast %reduce_sum3A_31 : vector<1024xf32> to vector<1024x1xf32>
    %div3A = arith.constant 1.280000e+02 : f32
    %div3A_32 = vector.broadcast %div3A : f32 to vector<1024x1xf32>
    %div3A_33 = arith.divf %broadcast_in_dim3A, %div3A_32 : vector<1024x1xf32>
    %sub3A = vector.broadcast %div3A_33 : vector<1024x1xf32> to vector<1024x128xf32>
    %sub3A_34 = arith.subf %add3A_24, %sub3A : vector<1024x128xf32>
    %mul3A_35 = arith.mulf %sub3A_34, %sub3A_34 : vector<1024x128xf32>
    %reduce_sum3A_36 = arith.constant dense<0.000000e+00> : vector<1024xf32>
    %reduce_sum3A_37 = vector.multi_reduction <add>, %mul3A_35, %reduce_sum3A_36 [1] : vector<1024x128xf32> to vector<1024xf32>
    %broadcast_in_dim3A_38 = vector.shape_cast %reduce_sum3A_37 : vector<1024xf32> to vector<1024x1xf32>
    %div3A_39 = arith.constant 1.280000e+02 : f32
    %div3A_40 = vector.broadcast %div3A_39 : f32 to vector<1024x1xf32>
    %div3A_41 = arith.divf %broadcast_in_dim3A_38, %div3A_40 : vector<1024x1xf32>
    %add3A_42 = arith.constant 9.99999974E-6 : f32
    %add3A_43 = vector.broadcast %add3A_42 : f32 to vector<1024x1xf32>
    %add3A_44 = arith.addf %div3A_41, %add3A_43 : vector<1024x1xf32>
    %rsqrt3A_45 = math.rsqrt %add3A_44 : vector<1024x1xf32>
    %mul3A_46 = vector.broadcast %rsqrt3A_45 : vector<1024x1xf32> to vector<1024x128xf32>
    %mul3A_47 = arith.mulf %sub3A_34, %mul3A_46 : vector<1024x128xf32>
    %mul3A_48 = vector.broadcast %get3A_27 : vector<1x128xf32> to vector<1024x128xf32>
    %mul3A_49 = arith.mulf %mul3A_47, %mul3A_48 : vector<1024x128xf32>
    %add3A_50 = vector.broadcast %get3A_30 : vector<1x128xf32> to vector<1024x128xf32>
    %add3A_51 = arith.addf %mul3A_49, %add3A_50 : vector<1024x128xf32>
    %max3A = arith.constant 0.000000e+00 : f32
    %max3A_52 = vector.broadcast %max3A : f32 to vector<1024x128xf32>
    %max3A_53 = arith.maximumf %add3A_51, %max3A_52 : vector<1024x128xf32>
    %get3A_54 = arith.constant 0 : index
    %get3A_55 = arith.constant 0 : index
    %get3A_56 = vector.load %arg7[%get3A_54, %get3A_55] : memref<128x128xf32, #tpu.memory_space<vmem>>, vector<128x128xf32>
    %dot_general3A = arith.constant dense<0.000000e+00> : vector<1024x128xf32>
    %dot_general3A_57 = tpu.matmul %max3A_53, %get3A_56, %dot_general3A {dimension_numbers = #tpu.dot_dimension_numbers<[1], [0], [0], [1], [0, 0, 1, 1], [], []>, transpose_lhs_hint = false} : vector<1024x128xf32>, vector<128x128xf32>, vector<1024x128xf32> -> vector<1024x128xf32>
    %mul3A_58 = vector.broadcast %rsqrt3A : vector<1024x1xf32> to vector<1024x128xf32>
    %mul3A_59 = arith.mulf %dot_general3A_57, %mul3A_58 : vector<1024x128xf32>
    %swap3A = arith.constant 0 : index
    %swap3A_60 = arith.constant 0 : index
    %swap3A_61 = vector.load %arg8[%swap3A, %swap3A_60] : memref<1024x128xf32, #tpu.memory_space<vmem>>, vector<1024x128xf32>
    tpu.vector_store %arg8[%swap3A, %swap3A_60], %mul3A_59 {strides = array<i32>} : memref<1024x128xf32, #tpu.memory_space<vmem>>, vector<1024x128xf32>,
    return
  }
  func.func @transform_0(%arg0: i32) -> (i32, i32, i32) {
    %c0_i32 = arith.constant 0 : i32
    %c0_i32_0 = arith.constant 0 : i32
    %c0_i32_1 = arith.constant 0 : i32
    return %c0_i32, %arg0, %c0_i32_0 : i32, i32, i32
  }
  func.func @transform_1(%arg0: i32) -> (i32, i32) {
    %c0_i32 = arith.constant 0 : i32
    %c0_i32_0 = arith.constant 0 : i32
    return %arg0, %c0_i32 : i32, i32
  }
  func.func @transform_2(%arg0: i32) -> (i32, i32) {
    %c0_i32 = arith.constant 0 : i32
    %c0_i32_0 = arith.constant 0 : i32
    return %arg0, %c0_i32 : i32, i32
  }
  func.func @transform_3(%arg0: i32) -> (i32, i32) {
    %c0_i32 = arith.constant 0 : i32
    %c0_i32_0 = arith.constant 0 : i32
    %c0_i32_1 = arith.constant 0 : i32
    return %c0_i32, %c0_i32_0 : i32, i32
  }
  func.func @transform_4(%arg0: i32) -> (i32, i32) {
    %c0_i32 = arith.constant 0 : i32
    %c0_i32_0 = arith.constant 0 : i32
    %c0_i32_1 = arith.constant 0 : i32
    return %c0_i32, %c0_i32_0 : i32, i32
  }
  func.func @transform_5(%arg0: i32) -> (i32, i32) {
    %c0_i32 = arith.constant 0 : i32
    %c0_i32_0 = arith.constant 0 : i32
    %c0_i32_1 = arith.constant 0 : i32
    return %c0_i32, %c0_i32_0 : i32, i32
  }
  func.func @transform_6(%arg0: i32) -> (i32, i32) {
    %c0_i32 = arith.constant 0 : i32
    %c0_i32_0 = arith.constant 0 : i32
    %c0_i32_1 = arith.constant 0 : i32
    return %c0_i32, %c0_i32_0 : i32, i32
  }
  func.func @transform_7(%arg0: i32) -> (i32, i32) {
    %c0_i32 = arith.constant 0 : i32
    %c0_i32_0 = arith.constant 0 : i32
    return %arg0, %c0_i32 : i32, i32
  }
}

module attributes {stable_mosaic.version = 14 : i64} {
  func.func @_agg_ln_body(%arg0: i32, %arg1: memref<2x1024x128xf32, #tpu.memory_space<vmem>>, %arg2: memref<1024x1xf32, #tpu.memory_space<vmem>>, %arg3: memref<1024x1xf32, #tpu.memory_space<vmem>>, %arg4: memref<1x128xf32, #tpu.memory_space<vmem>>, %arg5: memref<1x128xf32, #tpu.memory_space<vmem>>, %arg6: memref<1x128xf32, #tpu.memory_space<vmem>>, %arg7: memref<1024x128xf32, #tpu.memory_space<vmem>>) attributes {dimension_semantics = [#tpu.dimension_semantics<arbitrary>], iteration_bounds = array<i64: 10>, scalar_prefetch = 0 : i64, scratch_operands = 0 : i64, tpu.core_type = #tpu.core_type<tc>, window_params = [{transform_indices = @transform_0, window_bounds = array<i64: 2, 1024, 128>}, {transform_indices = @transform_1, window_bounds = array<i64: 1024, 1>}, {transform_indices = @transform_2, window_bounds = array<i64: 1024, 1>}, {pipeline_mode = #tpu.pipeline_mode<synchronous>, transform_indices = @transform_3, window_bounds = array<i64: 1, 128>}, {pipeline_mode = #tpu.pipeline_mode<synchronous>, transform_indices = @transform_4, window_bounds = array<i64: 1, 128>}, {pipeline_mode = #tpu.pipeline_mode<synchronous>, transform_indices = @transform_5, window_bounds = array<i64: 1, 128>}, {transform_indices = @transform_6, window_bounds = array<i64: 1024, 128>}]} {
    %get3A = arith.constant 0 : index
    %get3A_0 = arith.constant 0 : index
    %get3A_1 = vector.load %arg2[%get3A, %get3A_0] : memref<1024x1xf32, #tpu.memory_space<vmem>>, vector<1024x1xf32>
    %get3A_2 = arith.constant 0 : index
    %get3A_3 = arith.constant 0 : index
    %get3A_4 = vector.load %arg3[%get3A_2, %get3A_3] : memref<1024x1xf32, #tpu.memory_space<vmem>>, vector<1024x1xf32>
    %add3A = arith.addf %get3A_1, %get3A_4 : vector<1024x1xf32>
    %add3A_5 = arith.constant 1.000000e+00 : f32
    %add3A_6 = vector.broadcast %add3A_5 : f32 to vector<1024x1xf32>
    %add3A_7 = arith.addf %add3A, %add3A_6 : vector<1024x1xf32>
    %rsqrt3A = math.rsqrt %add3A_7 : vector<1024x1xf32>
    %get3A_8 = arith.constant 0 : index
    %get3A_9 = arith.constant 0 : index
    %get3A_10 = arith.constant 0 : index
    %get3A_11 = vector.load %arg1[%get3A_8, %get3A_9, %get3A_10] : memref<2x1024x128xf32, #tpu.memory_space<vmem>>, vector<1x1024x128xf32>
    %get3A_12 = vector.shape_cast %get3A_11 : vector<1x1024x128xf32> to vector<1024x128xf32>
    %get3A_13 = arith.constant 1 : index
    %get3A_14 = arith.constant 0 : index
    %get3A_15 = arith.constant 0 : index
    %get3A_16 = vector.load %arg1[%get3A_13, %get3A_14, %get3A_15] : memref<2x1024x128xf32, #tpu.memory_space<vmem>>, vector<1x1024x128xf32>
    %get3A_17 = vector.shape_cast %get3A_16 : vector<1x1024x128xf32> to vector<1024x128xf32>
    %add3A_18 = arith.addf %get3A_12, %get3A_17 : vector<1024x128xf32>
    %mul3A = vector.broadcast %rsqrt3A : vector<1024x1xf32> to vector<1024x128xf32>
    %mul3A_19 = arith.mulf %add3A_18, %mul3A : vector<1024x128xf32>
    %get3A_20 = arith.constant 0 : index
    %get3A_21 = arith.constant 0 : index
    %get3A_22 = vector.load %arg4[%get3A_20, %get3A_21] : memref<1x128xf32, #tpu.memory_space<vmem>>, vector<1x128xf32>
    %add3A_23 = vector.broadcast %get3A_22 : vector<1x128xf32> to vector<1024x128xf32>
    %add3A_24 = arith.addf %mul3A_19, %add3A_23 : vector<1024x128xf32>
    %get3A_25 = arith.constant 0 : index
    %get3A_26 = arith.constant 0 : index
    %get3A_27 = vector.load %arg5[%get3A_25, %get3A_26] : memref<1x128xf32, #tpu.memory_space<vmem>>, vector<1x128xf32>
    %get3A_28 = arith.constant 0 : index
    %get3A_29 = arith.constant 0 : index
    %get3A_30 = vector.load %arg6[%get3A_28, %get3A_29] : memref<1x128xf32, #tpu.memory_space<vmem>>, vector<1x128xf32>
    %reduce_sum3A = arith.constant dense<0.000000e+00> : vector<1024xf32>
    %reduce_sum3A_31 = vector.multi_reduction <add>, %add3A_24, %reduce_sum3A [1] : vector<1024x128xf32> to vector<1024xf32>
    %broadcast_in_dim3A = vector.shape_cast %reduce_sum3A_31 : vector<1024xf32> to vector<1024x1xf32>
    %div3A = arith.constant 1.280000e+02 : f32
    %div3A_32 = vector.broadcast %div3A : f32 to vector<1024x1xf32>
    %div3A_33 = arith.divf %broadcast_in_dim3A, %div3A_32 : vector<1024x1xf32>
    %sub3A = vector.broadcast %div3A_33 : vector<1024x1xf32> to vector<1024x128xf32>
    %sub3A_34 = arith.subf %add3A_24, %sub3A : vector<1024x128xf32>
    %mul3A_35 = arith.mulf %sub3A_34, %sub3A_34 : vector<1024x128xf32>
    %reduce_sum3A_36 = arith.constant dense<0.000000e+00> : vector<1024xf32>
    %reduce_sum3A_37 = vector.multi_reduction <add>, %mul3A_35, %reduce_sum3A_36 [1] : vector<1024x128xf32> to vector<1024xf32>
    %broadcast_in_dim3A_38 = vector.shape_cast %reduce_sum3A_37 : vector<1024xf32> to vector<1024x1xf32>
    %div3A_39 = arith.constant 1.280000e+02 : f32
    %div3A_40 = vector.broadcast %div3A_39 : f32 to vector<1024x1xf32>
    %div3A_41 = arith.divf %broadcast_in_dim3A_38, %div3A_40 : vector<1024x1xf32>
    %add3A_42 = arith.constant 9.99999974E-6 : f32
    %add3A_43 = vector.broadcast %add3A_42 : f32 to vector<1024x1xf32>
    %add3A_44 = arith.addf %div3A_41, %add3A_43 : vector<1024x1xf32>
    %rsqrt3A_45 = math.rsqrt %add3A_44 : vector<1024x1xf32>
    %mul3A_46 = vector.broadcast %rsqrt3A_45 : vector<1024x1xf32> to vector<1024x128xf32>
    %mul3A_47 = arith.mulf %sub3A_34, %mul3A_46 : vector<1024x128xf32>
    %mul3A_48 = vector.broadcast %get3A_27 : vector<1x128xf32> to vector<1024x128xf32>
    %mul3A_49 = arith.mulf %mul3A_47, %mul3A_48 : vector<1024x128xf32>
    %add3A_50 = vector.broadcast %get3A_30 : vector<1x128xf32> to vector<1024x128xf32>
    %add3A_51 = arith.addf %mul3A_49, %add3A_50 : vector<1024x128xf32>
    %max3A = arith.constant 0.000000e+00 : f32
    %max3A_52 = vector.broadcast %max3A : f32 to vector<1024x128xf32>
    %max3A_53 = arith.maximumf %add3A_51, %max3A_52 : vector<1024x128xf32>
    %swap3A = arith.constant 0 : index
    %swap3A_54 = arith.constant 0 : index
    %swap3A_55 = vector.load %arg7[%swap3A, %swap3A_54] : memref<1024x128xf32, #tpu.memory_space<vmem>>, vector<1024x128xf32>
    tpu.vector_store %arg7[%swap3A, %swap3A_54], %max3A_53 {strides = array<i32>} : memref<1024x128xf32, #tpu.memory_space<vmem>>, vector<1024x128xf32>,
    return
  }
  func.func @transform_0(%arg0: i32) -> (i32, i32, i32) {
    %c0_i32 = arith.constant 0 : i32
    %c0_i32_0 = arith.constant 0 : i32
    %c0_i32_1 = arith.constant 0 : i32
    return %c0_i32, %arg0, %c0_i32_0 : i32, i32, i32
  }
  func.func @transform_1(%arg0: i32) -> (i32, i32) {
    %c0_i32 = arith.constant 0 : i32
    %c0_i32_0 = arith.constant 0 : i32
    return %arg0, %c0_i32 : i32, i32
  }
  func.func @transform_2(%arg0: i32) -> (i32, i32) {
    %c0_i32 = arith.constant 0 : i32
    %c0_i32_0 = arith.constant 0 : i32
    return %arg0, %c0_i32 : i32, i32
  }
  func.func @transform_3(%arg0: i32) -> (i32, i32) {
    %c0_i32 = arith.constant 0 : i32
    %c0_i32_0 = arith.constant 0 : i32
    %c0_i32_1 = arith.constant 0 : i32
    return %c0_i32, %c0_i32_0 : i32, i32
  }
  func.func @transform_4(%arg0: i32) -> (i32, i32) {
    %c0_i32 = arith.constant 0 : i32
    %c0_i32_0 = arith.constant 0 : i32
    %c0_i32_1 = arith.constant 0 : i32
    return %c0_i32, %c0_i32_0 : i32, i32
  }
  func.func @transform_5(%arg0: i32) -> (i32, i32) {
    %c0_i32 = arith.constant 0 : i32
    %c0_i32_0 = arith.constant 0 : i32
    %c0_i32_1 = arith.constant 0 : i32
    return %c0_i32, %c0_i32_0 : i32, i32
  }
  func.func @transform_6(%arg0: i32) -> (i32, i32) {
    %c0_i32 = arith.constant 0 : i32
    %c0_i32_0 = arith.constant 0 : i32
    return %arg0, %c0_i32 : i32, i32
  }
}

module attributes {stable_mosaic.version = 14 : i64} {
  func.func @_mlp_body(%arg0: i32, %arg1: memref<2048x128xf32, #tpu.memory_space<vmem>>, %arg2: memref<128x128xf32, #tpu.memory_space<vmem>>, %arg3: memref<1x128xf32, #tpu.memory_space<vmem>>, %arg4: memref<1x128xf32, #tpu.memory_space<vmem>>, %arg5: memref<1x128xf32, #tpu.memory_space<vmem>>, %arg6: memref<128x128xf32, #tpu.memory_space<vmem>>, %arg7: memref<1x128xf32, #tpu.memory_space<vmem>>, %arg8: memref<1x128xf32, #tpu.memory_space<vmem>>, %arg9: memref<1x128xf32, #tpu.memory_space<vmem>>, %arg10: memref<128x10xf32, #tpu.memory_space<vmem>>, %arg11: memref<1x10xf32, #tpu.memory_space<vmem>>, %arg12: memref<2048x10xf32, #tpu.memory_space<vmem>>) attributes {dimension_semantics = [#tpu.dimension_semantics<arbitrary>], iteration_bounds = array<i64: 1>, scalar_prefetch = 0 : i64, scratch_operands = 0 : i64, tpu.core_type = #tpu.core_type<tc>, window_params = [{pipeline_mode = #tpu.pipeline_mode<synchronous>, transform_indices = @transform_0, window_bounds = array<i64: 2048, 128>}, {pipeline_mode = #tpu.pipeline_mode<synchronous>, transform_indices = @transform_1, window_bounds = array<i64: 128, 128>}, {pipeline_mode = #tpu.pipeline_mode<synchronous>, transform_indices = @transform_2, window_bounds = array<i64: 1, 128>}, {pipeline_mode = #tpu.pipeline_mode<synchronous>, transform_indices = @transform_3, window_bounds = array<i64: 1, 128>}, {pipeline_mode = #tpu.pipeline_mode<synchronous>, transform_indices = @transform_4, window_bounds = array<i64: 1, 128>}, {pipeline_mode = #tpu.pipeline_mode<synchronous>, transform_indices = @transform_5, window_bounds = array<i64: 128, 128>}, {pipeline_mode = #tpu.pipeline_mode<synchronous>, transform_indices = @transform_6, window_bounds = array<i64: 1, 128>}, {pipeline_mode = #tpu.pipeline_mode<synchronous>, transform_indices = @transform_7, window_bounds = array<i64: 1, 128>}, {pipeline_mode = #tpu.pipeline_mode<synchronous>, transform_indices = @transform_8, window_bounds = array<i64: 1, 128>}, {pipeline_mode = #tpu.pipeline_mode<synchronous>, transform_indices = @transform_9, window_bounds = array<i64: 128, 10>}, {pipeline_mode = #tpu.pipeline_mode<synchronous>, transform_indices = @transform_10, window_bounds = array<i64: 1, 10>}, {pipeline_mode = #tpu.pipeline_mode<synchronous>, transform_indices = @transform_11, window_bounds = array<i64: 2048, 10>}]} {
    %get3A = arith.constant 0 : index
    %get3A_0 = arith.constant 0 : index
    %get3A_1 = vector.load %arg1[%get3A, %get3A_0] : memref<2048x128xf32, #tpu.memory_space<vmem>>, vector<2048x128xf32>
    %get3A_2 = arith.constant 0 : index
    %get3A_3 = arith.constant 0 : index
    %get3A_4 = vector.load %arg2[%get3A_2, %get3A_3] : memref<128x128xf32, #tpu.memory_space<vmem>>, vector<128x128xf32>
    %dot_general3A = arith.constant dense<0.000000e+00> : vector<2048x128xf32>
    %dot_general3A_5 = tpu.matmul %get3A_1, %get3A_4, %dot_general3A {dimension_numbers = #tpu.dot_dimension_numbers<[1], [0], [0], [1], [0, 0, 1, 1], [], []>, transpose_lhs_hint = false} : vector<2048x128xf32>, vector<128x128xf32>, vector<2048x128xf32> -> vector<2048x128xf32>
    %get3A_6 = arith.constant 0 : index
    %get3A_7 = arith.constant 0 : index
    %get3A_8 = vector.load %arg3[%get3A_6, %get3A_7] : memref<1x128xf32, #tpu.memory_space<vmem>>, vector<1x128xf32>
    %add3A = vector.broadcast %get3A_8 : vector<1x128xf32> to vector<2048x128xf32>
    %add3A_9 = arith.addf %dot_general3A_5, %add3A : vector<2048x128xf32>
    %get3A_10 = arith.constant 0 : index
    %get3A_11 = arith.constant 0 : index
    %get3A_12 = vector.load %arg4[%get3A_10, %get3A_11] : memref<1x128xf32, #tpu.memory_space<vmem>>, vector<1x128xf32>
    %get3A_13 = arith.constant 0 : index
    %get3A_14 = arith.constant 0 : index
    %get3A_15 = vector.load %arg5[%get3A_13, %get3A_14] : memref<1x128xf32, #tpu.memory_space<vmem>>, vector<1x128xf32>
    %reduce_sum3A = arith.constant dense<0.000000e+00> : vector<2048xf32>
    %reduce_sum3A_16 = vector.multi_reduction <add>, %add3A_9, %reduce_sum3A [1] : vector<2048x128xf32> to vector<2048xf32>
    %broadcast_in_dim3A = vector.shape_cast %reduce_sum3A_16 : vector<2048xf32> to vector<2048x1xf32>
    %div3A = arith.constant 1.280000e+02 : f32
    %div3A_17 = vector.broadcast %div3A : f32 to vector<2048x1xf32>
    %div3A_18 = arith.divf %broadcast_in_dim3A, %div3A_17 : vector<2048x1xf32>
    %sub3A = vector.broadcast %div3A_18 : vector<2048x1xf32> to vector<2048x128xf32>
    %sub3A_19 = arith.subf %add3A_9, %sub3A : vector<2048x128xf32>
    %mul3A = arith.mulf %sub3A_19, %sub3A_19 : vector<2048x128xf32>
    %reduce_sum3A_20 = arith.constant dense<0.000000e+00> : vector<2048xf32>
    %reduce_sum3A_21 = vector.multi_reduction <add>, %mul3A, %reduce_sum3A_20 [1] : vector<2048x128xf32> to vector<2048xf32>
    %broadcast_in_dim3A_22 = vector.shape_cast %reduce_sum3A_21 : vector<2048xf32> to vector<2048x1xf32>
    %div3A_23 = arith.constant 1.280000e+02 : f32
    %div3A_24 = vector.broadcast %div3A_23 : f32 to vector<2048x1xf32>
    %div3A_25 = arith.divf %broadcast_in_dim3A_22, %div3A_24 : vector<2048x1xf32>
    %add3A_26 = arith.constant 9.99999974E-6 : f32
    %add3A_27 = vector.broadcast %add3A_26 : f32 to vector<2048x1xf32>
    %add3A_28 = arith.addf %div3A_25, %add3A_27 : vector<2048x1xf32>
    %rsqrt3A = math.rsqrt %add3A_28 : vector<2048x1xf32>
    %mul3A_29 = vector.broadcast %rsqrt3A : vector<2048x1xf32> to vector<2048x128xf32>
    %mul3A_30 = arith.mulf %sub3A_19, %mul3A_29 : vector<2048x128xf32>
    %mul3A_31 = vector.broadcast %get3A_12 : vector<1x128xf32> to vector<2048x128xf32>
    %mul3A_32 = arith.mulf %mul3A_30, %mul3A_31 : vector<2048x128xf32>
    %add3A_33 = vector.broadcast %get3A_15 : vector<1x128xf32> to vector<2048x128xf32>
    %add3A_34 = arith.addf %mul3A_32, %add3A_33 : vector<2048x128xf32>
    %max3A = arith.constant 0.000000e+00 : f32
    %max3A_35 = vector.broadcast %max3A : f32 to vector<2048x128xf32>
    %max3A_36 = arith.maximumf %add3A_34, %max3A_35 : vector<2048x128xf32>
    %get3A_37 = arith.constant 0 : index
    %get3A_38 = arith.constant 0 : index
    %get3A_39 = vector.load %arg6[%get3A_37, %get3A_38] : memref<128x128xf32, #tpu.memory_space<vmem>>, vector<128x128xf32>
    %dot_general3A_40 = arith.constant dense<0.000000e+00> : vector<2048x128xf32>
    %dot_general3A_41 = tpu.matmul %max3A_36, %get3A_39, %dot_general3A_40 {dimension_numbers = #tpu.dot_dimension_numbers<[1], [0], [0], [1], [0, 0, 1, 1], [], []>, transpose_lhs_hint = false} : vector<2048x128xf32>, vector<128x128xf32>, vector<2048x128xf32> -> vector<2048x128xf32>
    %get3A_42 = arith.constant 0 : index
    %get3A_43 = arith.constant 0 : index
    %get3A_44 = vector.load %arg7[%get3A_42, %get3A_43] : memref<1x128xf32, #tpu.memory_space<vmem>>, vector<1x128xf32>
    %add3A_45 = vector.broadcast %get3A_44 : vector<1x128xf32> to vector<2048x128xf32>
    %add3A_46 = arith.addf %dot_general3A_41, %add3A_45 : vector<2048x128xf32>
    %get3A_47 = arith.constant 0 : index
    %get3A_48 = arith.constant 0 : index
    %get3A_49 = vector.load %arg8[%get3A_47, %get3A_48] : memref<1x128xf32, #tpu.memory_space<vmem>>, vector<1x128xf32>
    %get3A_50 = arith.constant 0 : index
    %get3A_51 = arith.constant 0 : index
    %get3A_52 = vector.load %arg9[%get3A_50, %get3A_51] : memref<1x128xf32, #tpu.memory_space<vmem>>, vector<1x128xf32>
    %reduce_sum3A_53 = arith.constant dense<0.000000e+00> : vector<2048xf32>
    %reduce_sum3A_54 = vector.multi_reduction <add>, %add3A_46, %reduce_sum3A_53 [1] : vector<2048x128xf32> to vector<2048xf32>
    %broadcast_in_dim3A_55 = vector.shape_cast %reduce_sum3A_54 : vector<2048xf32> to vector<2048x1xf32>
    %div3A_56 = arith.constant 1.280000e+02 : f32
    %div3A_57 = vector.broadcast %div3A_56 : f32 to vector<2048x1xf32>
    %div3A_58 = arith.divf %broadcast_in_dim3A_55, %div3A_57 : vector<2048x1xf32>
    %sub3A_59 = vector.broadcast %div3A_58 : vector<2048x1xf32> to vector<2048x128xf32>
    %sub3A_60 = arith.subf %add3A_46, %sub3A_59 : vector<2048x128xf32>
    %mul3A_61 = arith.mulf %sub3A_60, %sub3A_60 : vector<2048x128xf32>
    %reduce_sum3A_62 = arith.constant dense<0.000000e+00> : vector<2048xf32>
    %reduce_sum3A_63 = vector.multi_reduction <add>, %mul3A_61, %reduce_sum3A_62 [1] : vector<2048x128xf32> to vector<2048xf32>
    %broadcast_in_dim3A_64 = vector.shape_cast %reduce_sum3A_63 : vector<2048xf32> to vector<2048x1xf32>
    %div3A_65 = arith.constant 1.280000e+02 : f32
    %div3A_66 = vector.broadcast %div3A_65 : f32 to vector<2048x1xf32>
    %div3A_67 = arith.divf %broadcast_in_dim3A_64, %div3A_66 : vector<2048x1xf32>
    %add3A_68 = arith.constant 9.99999974E-6 : f32
    %add3A_69 = vector.broadcast %add3A_68 : f32 to vector<2048x1xf32>
    %add3A_70 = arith.addf %div3A_67, %add3A_69 : vector<2048x1xf32>
    %rsqrt3A_71 = math.rsqrt %add3A_70 : vector<2048x1xf32>
    %mul3A_72 = vector.broadcast %rsqrt3A_71 : vector<2048x1xf32> to vector<2048x128xf32>
    %mul3A_73 = arith.mulf %sub3A_60, %mul3A_72 : vector<2048x128xf32>
    %mul3A_74 = vector.broadcast %get3A_49 : vector<1x128xf32> to vector<2048x128xf32>
    %mul3A_75 = arith.mulf %mul3A_73, %mul3A_74 : vector<2048x128xf32>
    %add3A_76 = vector.broadcast %get3A_52 : vector<1x128xf32> to vector<2048x128xf32>
    %add3A_77 = arith.addf %mul3A_75, %add3A_76 : vector<2048x128xf32>
    %max3A_78 = arith.constant 0.000000e+00 : f32
    %max3A_79 = vector.broadcast %max3A_78 : f32 to vector<2048x128xf32>
    %max3A_80 = arith.maximumf %add3A_77, %max3A_79 : vector<2048x128xf32>
    %get3A_81 = arith.constant 0 : index
    %get3A_82 = arith.constant 0 : index
    %get3A_83 = vector.load %arg10[%get3A_81, %get3A_82] : memref<128x10xf32, #tpu.memory_space<vmem>>, vector<128x10xf32>
    %dot_general3A_84 = arith.constant dense<0.000000e+00> : vector<2048x10xf32>
    %dot_general3A_85 = tpu.matmul %max3A_80, %get3A_83, %dot_general3A_84 {dimension_numbers = #tpu.dot_dimension_numbers<[1], [0], [0], [1], [0, 0, 1, 1], [], []>, transpose_lhs_hint = false} : vector<2048x128xf32>, vector<128x10xf32>, vector<2048x10xf32> -> vector<2048x10xf32>
    %get3A_86 = arith.constant 0 : index
    %get3A_87 = arith.constant 0 : index
    %get3A_88 = vector.load %arg11[%get3A_86, %get3A_87] : memref<1x10xf32, #tpu.memory_space<vmem>>, vector<1x10xf32>
    %add3A_89 = vector.broadcast %get3A_88 : vector<1x10xf32> to vector<2048x10xf32>
    %add3A_90 = arith.addf %dot_general3A_85, %add3A_89 : vector<2048x10xf32>
    %swap3A = arith.constant 0 : index
    %swap3A_91 = arith.constant 0 : index
    %swap3A_92 = vector.load %arg12[%swap3A, %swap3A_91] : memref<2048x10xf32, #tpu.memory_space<vmem>>, vector<2048x10xf32>
    tpu.vector_store %arg12[%swap3A, %swap3A_91], %add3A_90 {strides = array<i32>} : memref<2048x10xf32, #tpu.memory_space<vmem>>, vector<2048x10xf32>,
    return
  }
  func.func @transform_0(%arg0: i32) -> (i32, i32) {
    %c0_i32 = arith.constant 0 : i32
    %c0_i32_0 = arith.constant 0 : i32
    %c0_i32_1 = arith.constant 0 : i32
    return %c0_i32, %c0_i32_0 : i32, i32
  }
  func.func @transform_1(%arg0: i32) -> (i32, i32) {
    %c0_i32 = arith.constant 0 : i32
    %c0_i32_0 = arith.constant 0 : i32
    %c0_i32_1 = arith.constant 0 : i32
    return %c0_i32, %c0_i32_0 : i32, i32
  }
  func.func @transform_2(%arg0: i32) -> (i32, i32) {
    %c0_i32 = arith.constant 0 : i32
    %c0_i32_0 = arith.constant 0 : i32
    %c0_i32_1 = arith.constant 0 : i32
    return %c0_i32, %c0_i32_0 : i32, i32
  }
  func.func @transform_3(%arg0: i32) -> (i32, i32) {
    %c0_i32 = arith.constant 0 : i32
    %c0_i32_0 = arith.constant 0 : i32
    %c0_i32_1 = arith.constant 0 : i32
    return %c0_i32, %c0_i32_0 : i32, i32
  }
  func.func @transform_4(%arg0: i32) -> (i32, i32) {
    %c0_i32 = arith.constant 0 : i32
    %c0_i32_0 = arith.constant 0 : i32
    %c0_i32_1 = arith.constant 0 : i32
    return %c0_i32, %c0_i32_0 : i32, i32
  }
  func.func @transform_5(%arg0: i32) -> (i32, i32) {
    %c0_i32 = arith.constant 0 : i32
    %c0_i32_0 = arith.constant 0 : i32
    %c0_i32_1 = arith.constant 0 : i32
    return %c0_i32, %c0_i32_0 : i32, i32
  }
  func.func @transform_6(%arg0: i32) -> (i32, i32) {
    %c0_i32 = arith.constant 0 : i32
    %c0_i32_0 = arith.constant 0 : i32
    %c0_i32_1 = arith.constant 0 : i32
    return %c0_i32, %c0_i32_0 : i32, i32
  }
  func.func @transform_7(%arg0: i32) -> (i32, i32) {
    %c0_i32 = arith.constant 0 : i32
    %c0_i32_0 = arith.constant 0 : i32
    %c0_i32_1 = arith.constant 0 : i32
    return %c0_i32, %c0_i32_0 : i32, i32
  }
  func.func @transform_8(%arg0: i32) -> (i32, i32) {
    %c0_i32 = arith.constant 0 : i32
    %c0_i32_0 = arith.constant 0 : i32
    %c0_i32_1 = arith.constant 0 : i32
    return %c0_i32, %c0_i32_0 : i32, i32
  }
  func.func @transform_9(%arg0: i32) -> (i32, i32) {
    %c0_i32 = arith.constant 0 : i32
    %c0_i32_0 = arith.constant 0 : i32
    %c0_i32_1 = arith.constant 0 : i32
    return %c0_i32, %c0_i32_0 : i32, i32
  }
  func.func @transform_10(%arg0: i32) -> (i32, i32) {
    %c0_i32 = arith.constant 0 : i32
    %c0_i32_0 = arith.constant 0 : i32
    %c0_i32_1 = arith.constant 0 : i32
    return %c0_i32, %c0_i32_0 : i32, i32
  }
  func.func @transform_11(%arg0: i32) -> (i32, i32) {
    %c0_i32 = arith.constant 0 : i32
    %c0_i32_0 = arith.constant 0 : i32
    %c0_i32_1 = arith.constant 0 : i32
    return %c0_i32, %c0_i32_0 : i32, i32
  }
}

</mosaic_0001>

<sc_bundles>
// kernel: kernel.12.cloned.1.call-start
scs
__scs_entry_jumppad:
0x0: {  	(pc) =	sbr.rel $0x88, $3  }
0x1: {  	(tag) =	ssettag $0x0;
	lr =	simm.s32 $0x1  }
0x2: {  	[smem:$0x3F93] =	sst lr;
	_ =	strace $0xD0000000  }
0x3: {  	_ = 	snop  }
0x4: {  	_ = 	snop  }
0x5: {  	_ = 	snop  }
0x6: {  	_ = 	snop  }
0x7: {  	_ = 	snop  }
__scs_overlays_trampoline_lowered:
0x8: {  	[smem:$0x3FA2] =	sst s0  }
0x9: {  	[smem:$0x3FA3] =	sst s1  }
0xa: {  	[smem:$0x3FA4] =	sst s2  }
0xb: {  	[smem:$0x3FA5] =	sst s3  }
0xc: {  	[smem:$0x3FA6] =	sst s4  }
0xd: {  	[smem:$0x3FA7] =	sst s5  }
0xe: {  	[smem:$0x3FA8] =	sst s6  }
0xf: {  	[smem:$0x3FA9] =	sst s7  }
0x10: {  	[smem:$0x3FAA] =	sst s8  }
0x11: {  	[smem:$0x3FAB] =	sst s9;
	s0 =	simm.s32 @!p0 $0x0  }
0x12: {  	s1 =	sld [smem:$0x3F91];
	s0 =	simm.s32 @p0 $0x1  }
0x13: {  	[smem:$0x3FAC] =	sst s0;
	s0 =	simm.s32 @!p1 $0x0  }
0x14: {  	s2 =	sld [smem:$0x3F90];
	s0 =	simm.s32 @p1 $0x1  }
0x15: {  	[smem:$0x3FAD] =	sst s0;
	s0 =	simm.s32 @!p2 $0x0  }
0x16: {  	s3 =	sld [smem:$0x3FDB];
	s0 =	simm.s32 @p2 $0x1  }
0x17: {  	s4 =	simm.s32 $0x1BF5;
	[smem:$0x3FAF] =	sst s0  }
0x18: {  	s0 =	sld [smem:$0x3F92];
	_ =	swait.ge [sflag:s4], $0x0  }
0x19: {  	s7 =	sld [smem:$0x3F93]  }
0x1a: {  	s8 =	sadd.s32 $0xFFFFE003, lr  }
0x1b: {  	s9 =	sadd.s32 $0xFFFFFEF7, lr;
	s5 =	simm.s32 $0xFFFFFFFF;
	p2 =	slt.u32 s8, $0xFFFFF086  }
0x1c: {  	p1 =	slt.u32 s9, $0xF7A;
	s5 =	simm.s32 @!p2 $0x0  }
0x1d: {  	s5 =	simm.s32 @p1 $0x1;
	p0 =	seq.s32 s7, s2  }
0x1e: {  	s7 =	smul.u32 @!p0 $0xF7A, s2;
	p2 =	seq.s32 @!p0 s5, $0x0  }
0x1f: {  	s9 =	smul.u32 $0xF7A, s1;
	s8 =	simm.s32 @!p0 $0x1BF5;
	p2 =	por !p2, p0  }
0x20: {  	[sflag:s8] =	ssyncset.s32 @!p0 $0xFFFFF086;
	s6 =	sadd.s32 @!p0 s3, s7;
	s7 =	simm.s32 @!p0 $0x108  }
0x21: {  	s3 =	sadd.s32 s3, s9;
	s6 =	sadd.s32 @!p0 $0x88, s6;
	s7 =	simm.s32 @p2 $0x1082  }
0x22: {  	[simem:s7], [sflag:s8] =	dma.local @!p0 [hbm:s6], $0xF7A  }
0x23: {  	s9 =	sor.u32 $0xD0000000, s2;
	s6 =	simm.s32 $0x108;
	_ =	swait.ge @!p0 [sflag:s8], $0x0  }
0x24: {  	s3 =	sadd.s32 $0x88, s3;
	s6 =	simm.s32 @!p1 $0x1082;
	[sflag:s4] =	ssyncset.s32 $0xFFFFF086  }
0x25: {  	[simem:s6], [sflag:s4] =	dma.local [hbm:s3], $0xF7A  }
0x26: {  	[smem:$0x3F93] =	sst s1;
	(tag) =	ssettag s2;
	_ =	strace s9  }
0x27: {  	s1 =	sld [smem:$0x3FA3]  }
0x28: {  	s2 =	sld [smem:$0x3FA4]  }
0x29: {  	s4 =	sld [smem:$0x3FA6]  }
0x2a: {  	p0 =	seq.s32 s5, $0x0;
	s5 =	sld [smem:$0x3FA7]  }
0x2b: {  	s6 =	sld [smem:$0x3FA8]  }
0x2c: {  	s7 =	sld [smem:$0x3FA9]  }
0x2d: {  	s3 =	simm.s32 $0x108;
	s8 =	sld [smem:$0x3FAA]  }
0x2e: {  	s3 =	simm.s32 @!p0 $0x1082;
	s9 =	sld [smem:$0x3FAB]  }
0x2f: {  	lr =	sadd.s32 s0, s3;
	s0 =	sld [smem:$0x3FA2]  }
0x30: {  	s3 =	sld [smem:$0x3FA5]  }
0x31: {  	[smem:$0x3FAE] =	sst s10  }
0x32: {  	s10 =	sld [smem:$0x3FAC];
	_ =	sdelay $0x3  }
0x33: {  	p0 =	seq.s32 s10, $0x1;
	s10 =	sld [smem:$0x3FAE];
	_ =	sdelay $0x3  }
0x34: {  	[smem:$0x3FAE] =	sst s10  }
0x35: {  	s10 =	sld [smem:$0x3FAD];
	_ =	sdelay $0x3  }
0x36: {  	p1 =	seq.s32 s10, $0x1;
	s10 =	sld [smem:$0x3FAE];
	_ =	sdelay $0x3  }
0x37: {  	[smem:$0x3FAE] =	sst s10  }
0x38: {  	s10 =	sld [smem:$0x3FAF]  }
0x39: {  	_ = 	snop;
	(pc) =	sbr.ind lr, $3  }
0x3a: {  	_ = 	snop  }
0x3b: {  	_ = 	snop  }
0x3c: {  	p2 =	seq.s32 s10, $0x1;
	s10 =	sld [smem:$0x3FAE]  }
0x3d: {  	_ =	shalt  }
0x3e: {  	_ =	shalt  }
0x3f: {  	_ =	shalt  }
0x40: {  	_ =	shalt  }
0x41: {  	_ =	shalt  }
0x42: {  	_ =	shalt  }
0x43: {  	_ =	shalt  }
0x44: {  	_ =	shalt  }
0x45: {  	_ =	shalt  }
0x46: {  	_ =	shalt  }
0x47: {  	_ =	shalt  }
0x48: {  	_ =	shalt  }
0x49: {  	_ =	shalt  }
0x4a: {  	_ =	shalt  }
0x4b: {  	_ =	shalt  }
0x4c: {  	_ =	shalt  }
0x4d: {  	_ =	shalt  }
0x4e: {  	_ =	shalt  }
0x4f: {  	_ =	shalt  }
0x50: {  	_ =	shalt  }
0x51: {  	_ =	shalt  }
0x52: {  	_ =	shalt  }
0x53: {  	_ =	shalt  }
0x54: {  	_ =	shalt  }
0x55: {  	_ =	shalt  }
0x56: {  	_ =	shalt  }
0x57: {  	_ =	shalt  }
0x58: {  	_ =	shalt  }
0x59: {  	_ =	shalt  }
0x5a: {  	_ =	shalt  }
0x5b: {  	_ =	shalt  }
0x5c: {  	_ =	shalt  }
0x5d: {  	_ =	shalt  }
0x5e: {  	_ =	shalt  }
0x5f: {  	_ =	shalt  }
0x60: {  	_ =	shalt  }
0x61: {  	_ =	shalt  }
0x62: {  	_ =	shalt  }
0x63: {  	_ =	shalt  }
0x64: {  	_ =	shalt  }
0x65: {  	_ =	shalt  }
0x66: {  	_ =	shalt  }
0x67: {  	_ =	shalt  }
0x68: {  	_ =	shalt  }
0x69: {  	_ =	shalt  }
0x6a: {  	_ =	shalt  }
0x6b: {  	_ =	shalt  }
0x6c: {  	_ =	shalt  }
0x6d: {  	_ =	shalt  }
0x6e: {  	_ =	shalt  }
0x6f: {  	_ =	shalt  }
0x70: {  	_ =	shalt  }
0x71: {  	_ =	shalt  }
0x72: {  	_ =	shalt  }
0x73: {  	_ =	shalt  }
0x74: {  	_ =	shalt  }
0x75: {  	_ =	shalt  }
0x76: {  	_ =	shalt  }
0x77: {  	_ =	shalt  }
0x78: {  	_ =	shalt  }
0x79: {  	_ =	shalt  }
0x7a: {  	_ =	shalt  }
0x7b: {  	_ =	shalt  }
0x7c: {  	_ =	shalt  }
0x7d: {  	_ =	shalt  }
0x7e: {  	_ =	shalt  }
0x7f: {  	_ =	shalt  }
0x80: {  	_ =	shalt  }
0x81: {  	_ =	shalt  }
0x82: {  	_ =	shalt  }
0x83: {  	_ =	shalt  }
0x84: {  	_ =	shalt  }
0x85: {  	_ =	shalt  }
0x86: {  	_ =	shalt  }
0x87: {  	_ =	shalt  }
.Lfunc_end0:
.L_simem_size_0:
called_computation_lowered:
.L_overlay_start_0:
0x88: {  	s2 =	sld [smem:$0x3FD9]  }
0x89: {  	s3 =	sld [smem:$0x3FFE];
	_ =	sdelay $0x1  }
0x8a: {  	s1 =	srdreg.scid  }
0x8b: {  	s0 =	sand.u32 $0x1, s1  }
0x8c: {  	s17 =	sshll.u32 s0, $0xA;
	s2 =	sadd.s32 s3, s2  }
0x8d: {  	s2 =	sadd.s32 s2, s17  }
0x8e: {  	[smem:$0x3FBA] =	sst s2  }
0x8f: {  	_ = 	snop  }
0x90: {  	s2 =	sld [smem:$0x3FC6]  }
0x91: {  	s18 =	sld [smem:$0x3FD0];
	(tm) =	ssettm $0x1  }
0x92: {  	s4 =	sld [smem:$0x3FFB];
	_ =	sdelay $0x3  }
0x93: {  	_ =	strace s4  }
0x94: {  	s4 =	sld [smem:$0x3FFC];
	_ =	sdelay $0x3  }
0x95: {  	_ =	strace s4  }
0x96: {  	s4 =	sld [smem:$0x3FFD];
	_ =	sdelay $0x3  }
0x97: {  	_ =	strace s4  }
0x98: {  	_ =	strace $0x8FFFFFFF  }
0x99: {  	s19 =	sld [smem:$0x3FDB];
	_ =	sdelay $0x1  }
0x9a: {  	s5 =	simm.s32 $_scs_section_size  }
0x9b: {  	s6 =	simm.s32 $_size__tile_overlayer_lowered;
	s7 =	simm.s32 $_tile_overlayer_lowered  }
0x9c: {  	s22 =	simm.s32 $0x1BFF;
	s21 =	sshll.u32 s7, $0x1;
	s4 =	sadd.s32 s5, s19  }
0x9d: {  	s8 =	simm.s32 $0x0;
	s20 =	sshll.u32 s6, $0x1;
	s6 =	sadd.s32 s21, s4  }
0x9e: {  	[timem:s8], [sflag:s22] =	dma.local [hbm:s6], s20  }
0x9f: {  	_ =	swait.ge [sflag:s22], s20  }
0xa0: {  	s5 =	ssub.s32 $0x0, s20;
	[sflag:s22] =	ssyncset.done $0x0  }
0xa1: {  	[sflag:s22] =	ssyncadd.s32 s5;
	_ =	sdelay $0x1  }
0xa2: {  	s23 =	simm.s32 $0x1B8B  }
0xa3: {  	_ =	swait.ge [sflag:s23], $0x1  }
0xa4: {  	[sflag:s23] =	ssyncset.done $0x0  }
0xa5: {  	s25 =	simm.s32 $0x1B8E;
	s24 =	sld [smem:$0x3FFE];
	[sflag:s23] =	ssyncadd.s32 $0xFFFFFFFF  }
0xa6: {  	s26 =	simm.s32 $execute0_lowered;
	[smem:$0x3FD2] =	sst s25  }
0xa7: {  	s6 =	sshll.u32 s26, $0x1;
	_ =	strace $0x80000046;
	[dreg:$0x1] =	wrdreg $0xFFFFFFFF  }
0xa8: {  	s28 =	simm.s32 $_size_execute0_lowered;
	s4 =	sadd.s32 s4, s6;
	[dreg:$0x0] =	wrdreg $0x0  }
0xa9: {  	s6 =	sshll.u32 s28, $0x1;
	[dreg:$0x2] =	wrdreg s4  }
0xaa: {  	[dreg:$0x3] =	wrdreg s6  }
0xab: {  	[dreg:$0x4] =	wrdreg $0xC0  }
0xac: {  	_ =	task [dreg:s8], $0x5FFFF  }
0xad: {  	[dreg:$0x1] =	wrdreg $0xFFFFFFFF  }
0xae: {  	[dreg:$0x0] =	wrdreg $0x60  }
0xaf: {  	[dreg:$0x2] =	wrdreg s2  }
0xb0: {  	[dreg:$0x3] =	wrdreg s18  }
0xb1: {  	[dreg:$0x4] =	wrdreg s24  }
0xb2: {  	[dreg:$0x5] =	wrdreg $0x51000  }
0xb3: {  	[dreg:$0x6] =	wrdreg $0x9  }
0xb4: {  	_ =	task.clear_ibuf [dreg:s8], $0x7FFFF;
	_ =	strace $0x90000046  }
0xb5: {  	s29 =	simm.s32 $0x9;
	_ =	strace $0x80000048  }
0xb6: {  	_ =	swait.ge [sflag:s29], $0x1  }
0xb7: {  	[sflag:s29] =	ssyncadd.s32 $0xFFFFFFFF  }
0xb8: {  	_ =	strace $0x90000048  }
0xb9: {  	_ =	sfence  }
0xba: {  	s30 =	sld [smem:$0x0];
	_ =	sdelay $0x2  }
0xbb: {  	s31 =	sshll.u32 s1, $0xD;
	s1 =	sshrl.u32 s1, $0x2  }
0xbc: {  	s3 =	sand.u32 $0x4000, s31;
	s1 =	sadd.s32 s1, s30  }
0xbd: {  	s0 =	sor.u32 s3, s0;
	s1 =	sshll.u32 s1, $0x11  }
0xbe: {  	s0 =	sor.u32 s1, s0  }
0xbf: {  	s0 =	sadd.s32 $0x8F2B, s0  }
0xc0: {  	[sflag:s0] =	ssyncadd.remote.s32 $0x1  }
0xc1: {  	_ =	sfence.sel $0xFFFF  }
0xc2: {  	[dreg:$0x0] =	wrdreg $0xFFFFFFFF;
	(pc) =	sbr.abs _section_cstart, $3  }
0xc3: {  	[dreg:$0x1] =	wrdreg $0xFFFFFFFF  }
0xc4: {  	_ =	task.clear_ibuf [dreg:s8], $0x2FFFF;
	_ =	strace $0x9FFFFFFF  }
0xc5: {  	(tm) =	ssettm $0x7FFFFFFF  }
tec
execute0_lowered:
.L_overlay_start_1:
0x0: {  	(tag) =	ssettag $0x1  }
0x1: {  	s1 =	rddreg [dreg:$0x0]  }
0x2: {  	s11 =	rddreg [dreg:$0x1]  }
0x3: {  	s2 =	srdreg.scid;
	s5 =	rddreg [dreg:$0x2]  }
0x4: {  	s0 =	stileid.u32;
	s3 =	rddreg [dreg:$0x3]  }
0x5: {  	s4 =	simm.s32 $0x0;
	s21 =	simm.s32 $0x1;
	s22 =	simm.s32 $0x2880  }
0x6: {  	s23 =	simm.s32 $0x5080;
	s14 =	sand.u32 $0x1, s2;
	s2 =	rddreg [dreg:$0x4]  }
0x7: {  	s24 =	simm.s32 $0x0;
	s25 =	sshll.u32 s0, $0x1;
	[smem:$0x7FF] =	sst s4  }
0x8: {  	s13 =	smul.u32 $0x280, s0;
	s12 =	sadd.s32 $0xEC00, s5;
	s6 =	sor.u32 s14, s25  }
0x9: {  	_ =	strace $0x80000047;
	s28 =	ssub.s32 $0x2, s14;
	s7 =	smul.u32 $0x500, s6  }
0xa: {  	p0 =	seq.s32 s14, $0x0;
	s26 =	sshrl.u32 s13, $0x3;
	s10 =	smul.u32 $0x140, s6  }
0xb: {  	s29 =	sshrl.u32 s28, $0x1;
	s6 =	smul.u32 $0x1400, s6;
	s13 =	sadd.s32 s13, s3  }
0xc: {  	s17 =	sadd.s32 s26, s5;
	s16 =	ssub.s32 s28, s29;
	s15 =	sadd.s32 s7, s5  }
0xd: {  	s8 =	sshrl.u32 s10, $0x3;
	s30 =	sadd.s32 $0x50, s10;
	s6 =	sadd.s32 s12, s6  }
0xe: {  	s18 =	sadd.s32 $0xA0, s10;
	s10 =	sadd.s32 $0xF0, s10;
	s14 =	sadd.s32 $0xDA00, s17  }
0xf: {  	s16 =	smax.u32 s16, $0x1;
	s5 =	sadd.s32 s11, s8;
	s31 =	sshrl.u32 s30, $0x3  }
0x10: {  	s8 =	sshll.u32 s30, $0x4;
	s9 =	sshrl.u32 s18, $0x3;
	s18 =	sshll.u32 s18, $0x4  }
0x11: {  	s19 =	sshrl.u32 s10, $0x3;
	s20 =	sshll.u32 s10, $0x4;
	s15 =	sadd.s32 $0x3A00, s15  }
0x12: {  	s7 =	sadd.s32 s11, s31;
	s8 =	sadd.s32 s12, s8;
	s9 =	sadd.s32 s11, s9  }
0x13: {  	s10 =	sadd.s32 s12, s18;
	s11 =	sadd.s32 s11, s19;
	s18 =	simm.s32 $0xE000  }
0x14: {  	s12 =	sadd.s32 s12, s20;
	s19 =	simm.s32 $0x50;
	s18 =	simm.s32 @!p0 $0xE600  }
0x15: {  	v0 =	vimm.f32 $1.000000000e+00;
	s20 =	simm.s32 $0x80;
	s17 =	sadd.s32 s18, s17;
	s18 =	simm.s32 $0x2  }
.LBB2_1:
0x16: {  	[tilespmem:s4], [sflag:$0x2] =	stream.linear.gather [hbm4b:s5+s4], $0x50, $0x38;
	[tilespmem:$0x5380] =	vst v63  }
0x17: {  	_ =	swait.ge [sflag:s18], $0x50  }
0x18: {  	[sflag:s18] =	ssyncset.done $0x0  }
0x19: {  	[sflag:s18] =	ssyncadd.s32 $0xFFFFFFB0  }
0x1a: {  	[tilespmem:s20], [sflag:$0x1] =	stream.indirect.gather [hbm4b:s1+s19], $0x80, s4, s19, $0xb8;
	[tilespmem:$0x5380] =	vst v63  }
0x1b: {  	_ =	swait.ge [sflag:s21], $0x2800  }
0x1c: {  	[sflag:s21] =	ssyncset.done $0x0  }
0x1d: {  	[sflag:s21] =	ssyncadd.s32 $0xFFFFD800  }
0x1e: {  	[hbm4b:s6+s4] =	stream.linear.scatter [tilespmem:s20], [sflag:$0x2], $0x2800, $0x38;
	[tilespmem:$0x5380] =	vst v63  }
0x1f: {  	_ =	swait.ge [sflag:s18], $0x2800  }
0x20: {  	[sflag:s18] =	ssyncset.done $0x0  }
0x21: {  	[sflag:s18] =	ssyncadd.s32 $0xFFFFD800  }
0x22: {  	[tilespmem:s4], [sflag:$0x2] =	stream.linear.gather [hbm4b:s7+s4], $0x50, $0x38;
	[tilespmem:$0x5380] =	vst v63  }
0x23: {  	_ =	swait.ge [sflag:s18], $0x50  }
0x24: {  	[sflag:s18] =	ssyncset.done $0x0  }
0x25: {  	[sflag:s18] =	ssyncadd.s32 $0xFFFFFFB0  }
0x26: {  	[tilespmem:s20], [sflag:$0x1] =	stream.indirect.gather [hbm4b:s1+s19], $0x80, s4, s19, $0xb8;
	[tilespmem:$0x5380] =	vst v63  }
0x27: {  	_ =	swait.ge [sflag:s21], $0x2800  }
0x28: {  	[sflag:s21] =	ssyncset.done $0x0  }
0x29: {  	[sflag:s21] =	ssyncadd.s32 $0xFFFFD800  }
0x2a: {  	[hbm4b:s8+s4] =	stream.linear.scatter [tilespmem:s20], [sflag:$0x2], $0x2800, $0x38;
	[tilespmem:$0x5380] =	vst v63  }
0x2b: {  	_ =	swait.ge [sflag:s18], $0x2800  }
0x2c: {  	[sflag:s18] =	ssyncset.done $0x0  }
0x2d: {  	[sflag:s18] =	ssyncadd.s32 $0xFFFFD800  }
0x2e: {  	[tilespmem:s4], [sflag:$0x2] =	stream.linear.gather [hbm4b:s9+s4], $0x50, $0x38;
	[tilespmem:$0x5380] =	vst v63  }
0x2f: {  	_ =	swait.ge [sflag:s18], $0x50  }
0x30: {  	[sflag:s18] =	ssyncset.done $0x0  }
0x31: {  	[sflag:s18] =	ssyncadd.s32 $0xFFFFFFB0  }
0x32: {  	[tilespmem:s20], [sflag:$0x1] =	stream.indirect.gather [hbm4b:s1+s19], $0x80, s4, s19, $0xb8;
	[tilespmem:$0x5380] =	vst v63  }
0x33: {  	_ =	swait.ge [sflag:s21], $0x2800  }
0x34: {  	[sflag:s21] =	ssyncset.done $0x0  }
0x35: {  	[sflag:s21] =	ssyncadd.s32 $0xFFFFD800  }
0x36: {  	[hbm4b:s10+s4] =	stream.linear.scatter [tilespmem:s20], [sflag:$0x2], $0x2800, $0x38;
	[tilespmem:$0x5380] =	vst v63  }
0x37: {  	_ =	swait.ge [sflag:s18], $0x2800  }
0x38: {  	[sflag:s18] =	ssyncset.done $0x0  }
0x39: {  	[sflag:s18] =	ssyncadd.s32 $0xFFFFD800  }
0x3a: {  	[tilespmem:s4], [sflag:$0x2] =	stream.linear.gather [hbm4b:s11+s4], $0x50, $0x38;
	[tilespmem:$0x5380] =	vst v63  }
0x3b: {  	_ =	swait.ge [sflag:s18], $0x50  }
0x3c: {  	[sflag:s18] =	ssyncset.done $0x0  }
0x3d: {  	[sflag:s18] =	ssyncadd.s32 $0xFFFFFFB0  }
0x3e: {  	[tilespmem:s20], [sflag:$0x1] =	stream.indirect.gather [hbm4b:s1+s19], $0x80, s4, s19, $0xb8;
	[tilespmem:$0x5380] =	vst v63  }
0x3f: {  	_ =	swait.ge [sflag:s21], $0x2800  }
0x40: {  	[sflag:s21] =	ssyncset.done $0x0  }
0x41: {  	[sflag:s21] =	ssyncadd.s32 $0xFFFFD800  }
0x42: {  	[hbm4b:s12+s4] =	stream.linear.scatter [tilespmem:s20], [sflag:$0x2], $0x2800, $0x38;
	[tilespmem:$0x5380] =	vst v63  }
0x43: {  	_ =	swait.ge [sflag:s18], $0x2800  }
0x44: {  	s25 =	sshll.u32 s0, $0x6;
	[sflag:s18] =	ssyncset.done $0x0  }
0x45: {  	s26 =	sshrl.u32 s13, $0x3;
	s25 =	sor.u32 $0x1C02, s25;
	[sflag:s18] =	ssyncadd.s32 $0xFFFFD800  }
0x46: {  	[spmem:s26], [sflag:s25] =	dma.local [hbm:s14], $0x50  }
0x47: {  	_ =	swait.ge [sflag:s18], $0x50  }
0x48: {  	[sflag:s18] =	ssyncset.done $0x0  }
0x49: {  	[sflag:s18] =	ssyncadd.s32 $0xFFFFFFB0  }
0x4a: {  	[tilespmem:$0x5080] =	vst v0  }
0x4b: {  	[tilespmem:$0x5090] =	vst v0  }
0x4c: {  	[tilespmem:$0x50A0] =	vst v0  }
0x4d: {  	[tilespmem:$0x50B0] =	vst v0  }
0x4e: {  	[tilespmem:$0x50C0] =	vst v0  }
0x4f: {  	[tilespmem:$0x50D0] =	vst v0  }
0x50: {  	[tilespmem:$0x50E0] =	vst v0  }
0x51: {  	[tilespmem:$0x50F0] =	vst v0  }
0x52: {  	[tilespmem:s22], [sflag:$0x2] =	stream.linear.gather [hbm4b:s15+s4], $0x2780, $0x38;
	[tilespmem:$0x5380] =	vst v63  }
0x53: {  	_ =	swait.ge [sflag:s18], $0x2780  }
0x54: {  	[sflag:s18] =	ssyncset.done $0x0  }
0x55: {  	[sflag:s18] =	ssyncadd.s32 $0xFFFFD880  }
0x56: {  	s28 =	simm.s32 $0x2880;
	[bflag:$0x0] =	sbarrier.arrive $0xFFFF  }
0x57: {  	[spmem:s3] =	stream.indirect.scatter.add.f32 [tilespmem:s23], [sflag:$0x2], $0x1, s28, s20, $0xb8;
	[tilespmem:$0x5380] =	vst v63  }
0x58: {  	s28 =	simm.s32 $0x200;
	_ =	swait.ge [sflag:s18], $0x80  }
.LBB2_2:
0x59: {  	s29 =	sshra.s32 s28, $0x2;
	[sflag:s18] =	ssyncset.done $0x0;
	p0 =	sne.s32 s28, $0x9C00  }
.Ltmp0:
0x5a: {  	s29 =	sadd.s32 $0x2880, s29;
	[sflag:s18] =	ssyncadd.s32 $0xFFFFFF80;
	(pc) =	sbr.rel @p0 .LBB2_2-.Ltmp0, $3  }
0x5b: {  	[spmem:s3] =	stream.indirect.scatter.add.f32 [tilespmem:s23], [sflag:$0x2], $0x1, s29, s20, $0xb8;
	[tilespmem:$0x5380] =	vst v63  }
0x5c: {  	s28 =	sadd.s32 $0x200, s28;
	_ =	sdelay $0x1  }
0x5d: {  	_ =	swait.ge [sflag:s18], $0x80  }
0x5e: {  	[sflag:s18] =	ssyncset.done $0x0;
	s24 =	sadd.s32 $0x1, s24  }
0x5f: {  	[sflag:s18] =	ssyncadd.s32 $0xFFFFFF80;
	p0 =	sne.s32 s24, s16  }
.Ltmp1:
0x60: {  	[bflag:$0x0] =	sbarrier.arrive $0xFFFF;
	(pc) =	sbr.rel @p0 .LBB2_1-.Ltmp1, $4  }
0x61: {  	[hbm:s17], [sflag:s25] =	dma.local [spmem:s26], $0x50  }
0x62: {  	_ =	swait.ge [sflag:s18], $0x50  }
0x63: {  	[sflag:s18] =	ssyncset.done $0x0  }
0x64: {  	[sflag:s18] =	ssyncadd.s32 $0xFFFFFFB0  }
0x65: {  	_ =	sfence.sel $0x180000  }
0x66: {  	[bflag:$0x0] =	sbarrier.arrive $0xFFFF  }
0x67: {  	p0 =	sne.s32 s0, $0x0;
	_ =	strace $0x90000047  }
0x68: {  	s0 =	sadd.s32 @!p0 $0x100000, s2;
	[bflag:$0x2] =	sbarrier.arrive $0xFFFF  }
0x69: {  	[sflag:s0] =	ssyncadd.tile.s32 @!p0 $0x1;
	_ =	shalt  }
.Lfunc_end2:
_tile_overlayer_lowered:
.L_overlay_start_2:
0x6a: {  	(tag) =	ssettag $0x2  }
0x6b: {  	s0 =	rddreg [dreg:$0x0];
	s2 =	stileid.u32  }
0x6c: {  	s1 =	rddreg [dreg:$0x1];
	p0 =	sne.s32 s2, $0x0  }
0x6d: {  	s3 =	rddreg [dreg:$0x2];
	[bflag:$0x3] =	sbarrier.arrive $0xFFFF;
	s2 =	simm.s32 @!p0 $0x1C02  }
0x6e: {  	[timem:s3], [sflag:s2] =	dma.local @!p0 [hbm:s0], s1  }
0x6f: {  	s0 =	simm.s32 @!p0 $0x2  }
0x70: {  	_ =	swait.ge @!p0 [sflag:s0], s1  }
0x71: {  	s1 =	ssub.s32 @!p0 $0x0, s1;
	[sflag:s0] =	ssyncset.done @!p0 $0x0  }
0x72: {  	[sflag:s0] =	ssyncadd.s32 @!p0 s1  }
0x73: {  	[bflag:$0x3] =	sbarrier.arrive $0xFFFF  }
0x74: {  	_ =	shalt  }

// kernel: kernel.15.cloned.1.call-start
scs
__scs_entry_jumppad:
0x0: {  	(pc) =	sbr.rel $0x88, $3  }
0x1: {  	(tag) =	ssettag $0x0;
	lr =	simm.s32 $0x1  }
0x2: {  	[smem:$0x3F93] =	sst lr;
	_ =	strace $0xD0000000  }
0x3: {  	_ = 	snop  }
0x4: {  	_ = 	snop  }
0x5: {  	_ = 	snop  }
0x6: {  	_ = 	snop  }
0x7: {  	_ = 	snop  }
__scs_overlays_trampoline_lowered:
0x8: {  	[smem:$0x3FA2] =	sst s0  }
0x9: {  	[smem:$0x3FA3] =	sst s1  }
0xa: {  	[smem:$0x3FA4] =	sst s2  }
0xb: {  	[smem:$0x3FA5] =	sst s3  }
0xc: {  	[smem:$0x3FA6] =	sst s4  }
0xd: {  	[smem:$0x3FA7] =	sst s5  }
0xe: {  	[smem:$0x3FA8] =	sst s6  }
0xf: {  	[smem:$0x3FA9] =	sst s7  }
0x10: {  	[smem:$0x3FAA] =	sst s8  }
0x11: {  	[smem:$0x3FAB] =	sst s9;
	s0 =	simm.s32 @!p0 $0x0  }
0x12: {  	s1 =	sld [smem:$0x3F91];
	s0 =	simm.s32 @p0 $0x1  }
0x13: {  	[smem:$0x3FAC] =	sst s0;
	s0 =	simm.s32 @!p1 $0x0  }
0x14: {  	s2 =	sld [smem:$0x3F90];
	s0 =	simm.s32 @p1 $0x1  }
0x15: {  	[smem:$0x3FAD] =	sst s0;
	s0 =	simm.s32 @!p2 $0x0  }
0x16: {  	s3 =	sld [smem:$0x3FDB];
	s0 =	simm.s32 @p2 $0x1  }
0x17: {  	s4 =	simm.s32 $0x1BF5;
	[smem:$0x3FAF] =	sst s0  }
0x18: {  	s0 =	sld [smem:$0x3F92];
	_ =	swait.ge [sflag:s4], $0x0  }
0x19: {  	s7 =	sld [smem:$0x3F93]  }
0x1a: {  	s8 =	sadd.s32 $0xFFFFE003, lr  }
0x1b: {  	s9 =	sadd.s32 $0xFFFFFEF7, lr;
	s5 =	simm.s32 $0xFFFFFFFF;
	p2 =	slt.u32 s8, $0xFFFFF086  }
0x1c: {  	p1 =	slt.u32 s9, $0xF7A;
	s5 =	simm.s32 @!p2 $0x0  }
0x1d: {  	s5 =	simm.s32 @p1 $0x1;
	p0 =	seq.s32 s7, s2  }
0x1e: {  	s7 =	smul.u32 @!p0 $0xF7A, s2;
	p2 =	seq.s32 @!p0 s5, $0x0  }
0x1f: {  	s9 =	smul.u32 $0xF7A, s1;
	s8 =	simm.s32 @!p0 $0x1BF5;
	p2 =	por !p2, p0  }
0x20: {  	[sflag:s8] =	ssyncset.s32 @!p0 $0xFFFFF086;
	s6 =	sadd.s32 @!p0 s3, s7;
	s7 =	simm.s32 @!p0 $0x108  }
0x21: {  	s3 =	sadd.s32 s3, s9;
	s6 =	sadd.s32 @!p0 $0x88, s6;
	s7 =	simm.s32 @p2 $0x1082  }
0x22: {  	[simem:s7], [sflag:s8] =	dma.local @!p0 [hbm:s6], $0xF7A  }
0x23: {  	s9 =	sor.u32 $0xD0000000, s2;
	s6 =	simm.s32 $0x108;
	_ =	swait.ge @!p0 [sflag:s8], $0x0  }
0x24: {  	s3 =	sadd.s32 $0x88, s3;
	s6 =	simm.s32 @!p1 $0x1082;
	[sflag:s4] =	ssyncset.s32 $0xFFFFF086  }
0x25: {  	[simem:s6], [sflag:s4] =	dma.local [hbm:s3], $0xF7A  }
0x26: {  	[smem:$0x3F93] =	sst s1;
	(tag) =	ssettag s2;
	_ =	strace s9  }
0x27: {  	s1 =	sld [smem:$0x3FA3]  }
0x28: {  	s2 =	sld [smem:$0x3FA4]  }
0x29: {  	s4 =	sld [smem:$0x3FA6]  }
0x2a: {  	p0 =	seq.s32 s5, $0x0;
	s5 =	sld [smem:$0x3FA7]  }
0x2b: {  	s6 =	sld [smem:$0x3FA8]  }
0x2c: {  	s7 =	sld [smem:$0x3FA9]  }
0x2d: {  	s3 =	simm.s32 $0x108;
	s8 =	sld [smem:$0x3FAA]  }
0x2e: {  	s3 =	simm.s32 @!p0 $0x1082;
	s9 =	sld [smem:$0x3FAB]  }
0x2f: {  	lr =	sadd.s32 s0, s3;
	s0 =	sld [smem:$0x3FA2]  }
0x30: {  	s3 =	sld [smem:$0x3FA5]  }
0x31: {  	[smem:$0x3FAE] =	sst s10  }
0x32: {  	s10 =	sld [smem:$0x3FAC];
	_ =	sdelay $0x3  }
0x33: {  	p0 =	seq.s32 s10, $0x1;
	s10 =	sld [smem:$0x3FAE];
	_ =	sdelay $0x3  }
0x34: {  	[smem:$0x3FAE] =	sst s10  }
0x35: {  	s10 =	sld [smem:$0x3FAD];
	_ =	sdelay $0x3  }
0x36: {  	p1 =	seq.s32 s10, $0x1;
	s10 =	sld [smem:$0x3FAE];
	_ =	sdelay $0x3  }
0x37: {  	[smem:$0x3FAE] =	sst s10  }
0x38: {  	s10 =	sld [smem:$0x3FAF]  }
0x39: {  	_ = 	snop;
	(pc) =	sbr.ind lr, $3  }
0x3a: {  	_ = 	snop  }
0x3b: {  	_ = 	snop  }
0x3c: {  	p2 =	seq.s32 s10, $0x1;
	s10 =	sld [smem:$0x3FAE]  }
0x3d: {  	_ =	shalt  }
0x3e: {  	_ =	shalt  }
0x3f: {  	_ =	shalt  }
0x40: {  	_ =	shalt  }
0x41: {  	_ =	shalt  }
0x42: {  	_ =	shalt  }
0x43: {  	_ =	shalt  }
0x44: {  	_ =	shalt  }
0x45: {  	_ =	shalt  }
0x46: {  	_ =	shalt  }
0x47: {  	_ =	shalt  }
0x48: {  	_ =	shalt  }
0x49: {  	_ =	shalt  }
0x4a: {  	_ =	shalt  }
0x4b: {  	_ =	shalt  }
0x4c: {  	_ =	shalt  }
0x4d: {  	_ =	shalt  }
0x4e: {  	_ =	shalt  }
0x4f: {  	_ =	shalt  }
0x50: {  	_ =	shalt  }
0x51: {  	_ =	shalt  }
0x52: {  	_ =	shalt  }
0x53: {  	_ =	shalt  }
0x54: {  	_ =	shalt  }
0x55: {  	_ =	shalt  }
0x56: {  	_ =	shalt  }
0x57: {  	_ =	shalt  }
0x58: {  	_ =	shalt  }
0x59: {  	_ =	shalt  }
0x5a: {  	_ =	shalt  }
0x5b: {  	_ =	shalt  }
0x5c: {  	_ =	shalt  }
0x5d: {  	_ =	shalt  }
0x5e: {  	_ =	shalt  }
0x5f: {  	_ =	shalt  }
0x60: {  	_ =	shalt  }
0x61: {  	_ =	shalt  }
0x62: {  	_ =	shalt  }
0x63: {  	_ =	shalt  }
0x64: {  	_ =	shalt  }
0x65: {  	_ =	shalt  }
0x66: {  	_ =	shalt  }
0x67: {  	_ =	shalt  }
0x68: {  	_ =	shalt  }
0x69: {  	_ =	shalt  }
0x6a: {  	_ =	shalt  }
0x6b: {  	_ =	shalt  }
0x6c: {  	_ =	shalt  }
0x6d: {  	_ =	shalt  }
0x6e: {  	_ =	shalt  }
0x6f: {  	_ =	shalt  }
0x70: {  	_ =	shalt  }
0x71: {  	_ =	shalt  }
0x72: {  	_ =	shalt  }
0x73: {  	_ =	shalt  }
0x74: {  	_ =	shalt  }
0x75: {  	_ =	shalt  }
0x76: {  	_ =	shalt  }
0x77: {  	_ =	shalt  }
0x78: {  	_ =	shalt  }
0x79: {  	_ =	shalt  }
0x7a: {  	_ =	shalt  }
0x7b: {  	_ =	shalt  }
0x7c: {  	_ =	shalt  }
0x7d: {  	_ =	shalt  }
0x7e: {  	_ =	shalt  }
0x7f: {  	_ =	shalt  }
0x80: {  	_ =	shalt  }
0x81: {  	_ =	shalt  }
0x82: {  	_ =	shalt  }
0x83: {  	_ =	shalt  }
0x84: {  	_ =	shalt  }
0x85: {  	_ =	shalt  }
0x86: {  	_ =	shalt  }
0x87: {  	_ =	shalt  }
.Lfunc_end0:
.L_simem_size_0:
called_computation.1_lowered:
.L_overlay_start_0:
0x88: {  	s2 =	sld [smem:$0x3FD9]  }
0x89: {  	s3 =	sld [smem:$0x3FFE];
	_ =	sdelay $0x1  }
0x8a: {  	s1 =	srdreg.scid  }
0x8b: {  	s0 =	sand.u32 $0x1, s1  }
0x8c: {  	s16 =	sshll.u32 s0, $0xA;
	s2 =	sadd.s32 s3, s2  }
0x8d: {  	s2 =	sadd.s32 s2, s16  }
0x8e: {  	[smem:$0x3FBA] =	sst s2  }
0x8f: {  	_ = 	snop  }
0x90: {  	(tm) =	ssettm $0x1  }
0x91: {  	s17 =	sld [smem:$0x3FFB];
	_ =	sdelay $0x3  }
0x92: {  	_ =	strace s17  }
0x93: {  	s2 =	sld [smem:$0x3FFC];
	_ =	sdelay $0x3  }
0x94: {  	_ =	strace s2  }
0x95: {  	s2 =	sld [smem:$0x3FFD];
	_ =	sdelay $0x3  }
0x96: {  	_ =	strace s2  }
0x97: {  	_ =	strace $0x8FFFFFFF  }
0x98: {  	s18 =	sld [smem:$0x3FDB];
	_ =	sdelay $0x1  }
0x99: {  	s19 =	simm.s32 $_scs_section_size  }
0x9a: {  	s4 =	simm.s32 $_size__tile_overlayer_lowered;
	s5 =	simm.s32 $_tile_overlayer_lowered  }
0x9b: {  	s22 =	simm.s32 $0x1BFF;
	s21 =	sshll.u32 s5, $0x1;
	s2 =	sadd.s32 s19, s18  }
0x9c: {  	s6 =	simm.s32 $0x0;
	s20 =	sshll.u32 s4, $0x1;
	s4 =	sadd.s32 s21, s2  }
0x9d: {  	[timem:s6], [sflag:s22] =	dma.local [hbm:s4], s20  }
0x9e: {  	_ =	swait.ge [sflag:s22], s20  }
0x9f: {  	s3 =	ssub.s32 $0x0, s20;
	[sflag:s22] =	ssyncset.done $0x0  }
0xa0: {  	[sflag:s22] =	ssyncadd.s32 s3;
	_ =	sdelay $0x1  }
0xa1: {  	s23 =	simm.s32 $0x1B8B  }
0xa2: {  	_ =	swait.ge [sflag:s23], $0x1  }
0xa3: {  	[sflag:s23] =	ssyncset.done $0x0  }
0xa4: {  	s25 =	simm.s32 $0x1B8E;
	s24 =	sld [smem:$0x3FFE];
	[sflag:s23] =	ssyncadd.s32 $0xFFFFFFFF  }
0xa5: {  	s26 =	simm.s32 $execute0_lowered;
	[smem:$0x3FD2] =	sst s25  }
0xa6: {  	s4 =	sshll.u32 s26, $0x1;
	_ =	strace $0x80000049;
	[dreg:$0x1] =	wrdreg $0xFFFFFFFF  }
0xa7: {  	s28 =	simm.s32 $_size_execute0_lowered;
	s2 =	sadd.s32 s2, s4;
	[dreg:$0x0] =	wrdreg $0x0  }
0xa8: {  	s4 =	sshll.u32 s28, $0x1;
	[dreg:$0x2] =	wrdreg s2  }
0xa9: {  	[dreg:$0x3] =	wrdreg s4  }
0xaa: {  	[dreg:$0x4] =	wrdreg $0xC0  }
0xab: {  	_ =	task [dreg:s6], $0x5FFFF  }
0xac: {  	[dreg:$0x1] =	wrdreg $0xFFFFFFFF  }
0xad: {  	[dreg:$0x0] =	wrdreg $0x60  }
0xae: {  	[dreg:$0x2] =	wrdreg s24  }
0xaf: {  	[dreg:$0x3] =	wrdreg $0x90000  }
0xb0: {  	[dreg:$0x4] =	wrdreg $0x9  }
0xb1: {  	_ =	task.clear_ibuf [dreg:s6], $0x5FFFF;
	_ =	strace $0x90000049  }
0xb2: {  	s29 =	simm.s32 $0x9;
	_ =	strace $0x8000004B  }
0xb3: {  	_ =	swait.ge [sflag:s29], $0x1  }
0xb4: {  	[sflag:s29] =	ssyncadd.s32 $0xFFFFFFFF  }
0xb5: {  	_ =	strace $0x9000004B  }
0xb6: {  	_ =	sfence  }
0xb7: {  	s30 =	sld [smem:$0x0];
	_ =	sdelay $0x2  }
0xb8: {  	s31 =	sshll.u32 s1, $0xD;
	s1 =	sshrl.u32 s1, $0x2  }
0xb9: {  	s3 =	sand.u32 $0x4000, s31;
	s1 =	sadd.s32 s1, s30  }
0xba: {  	s0 =	sor.u32 s3, s0;
	s1 =	sshll.u32 s1, $0x11  }
0xbb: {  	s0 =	sor.u32 s1, s0  }
0xbc: {  	s0 =	sadd.s32 $0x8F2B, s0  }
0xbd: {  	[sflag:s0] =	ssyncadd.remote.s32 $0x1  }
0xbe: {  	_ =	sfence.sel $0xFFFF  }
0xbf: {  	[dreg:$0x0] =	wrdreg $0xFFFFFFFF;
	(pc) =	sbr.abs _section_cstart, $3  }
0xc0: {  	[dreg:$0x1] =	wrdreg $0xFFFFFFFF  }
0xc1: {  	_ =	task.clear_ibuf [dreg:s6], $0x2FFFF;
	_ =	strace $0x9FFFFFFF  }
0xc2: {  	(tm) =	ssettm $0x7FFFFFFF  }
0xc3: {  	_ =	shalt  }
tec
execute0_lowered:
.L_overlay_start_1:
0x0: {  	(tag) =	ssettag $0x1  }
0x1: {  	s1 =	srdreg.scid;
	s6 =	rddreg [dreg:$0x0]  }
0x2: {  	s0 =	stileid.u32;
	s2 =	rddreg [dreg:$0x1]  }
0x3: {  	s3 =	simm.s32 $0x0;
	s14 =	simm.s32 $0x80;
	s15 =	simm.s32 $0x5000  }
0x4: {  	s16 =	simm.s32 $0x1;
	s17 =	simm.s32 $0x0;
	s5 =	sand.u32 $0x1, s1  }
0x5: {  	s26 =	sshll.u32 s0, $0x1;
	[smem:$0x7FF] =	sst s3;
	s9 =	smul.u32 $0x14000, s0  }
0x6: {  	s4 =	sadd.s32 $0xDA00, s6;
	s10 =	smul.u32 $0x50000, s0;
	s11 =	sadd.s32 $0x40C00, s6  }
0x7: {  	s31 =	smul.u32 $0x2800, s0;
	s13 =	sshll.u32 s0, $0x6;
	s1 =	sor.u32 s5, s26  }
0x8: {  	s8 =	smul.u32 $0x140000, s5;
	s28 =	ssub.s32 $0x2, s5;
	p0 =	seq.s32 s5, $0x0  }
0x9: {  	s7 =	smul.u32 $0x500, s1;
	s1 =	rddreg [dreg:$0x2];
	_ =	strace $0x8000004A  }
0xa: {  	s12 =	sshrl.u32 s28, $0x1;
	s29 =	sshrl.u32 s10, $0x2;
	s11 =	smov.u32 @p0 s4  }
0xb: {  	s10 =	sor.u32 $0x1C02, s13;
	s13 =	simm.s32 $0x2800;
	s8 =	sadd.s32 s9, s8  }
0xc: {  	s9 =	ssub.s32 s28, s12;
	s30 =	sadd.s32 s29, s2;
	s8 =	sshrl.u32 s8, $0x3  }
0xd: {  	s12 =	simm.s32 $0x2;
	s7 =	sadd.s32 s7, s6;
	s8 =	sadd.s32 s8, s6  }
0xe: {  	s5 =	sadd.s32 $0x36C00, s7;
	s6 =	sadd.s32 $0x3A00, s7;
	s7 =	sadd.s32 $0x68C00, s8  }
0xf: {  	s8 =	smax.u32 s9, $0x1;
	s9 =	sadd.s32 s11, s31;
	s11 =	sshrl.u32 s30, $0x3  }
.LBB2_1:
0x10: {  	[spmem:s11], [sflag:s10] =	dma.local [hbm:s9], $0x2800  }
0x11: {  	_ =	swait.ge [sflag:s12], $0x2800  }
0x12: {  	[sflag:s12] =	ssyncset.done $0x0  }
0x13: {  	[sflag:s12] =	ssyncadd.s32 $0xFFFFD800  }
0x14: {  	[tilespmem:s3], [sflag:$0x2] =	stream.linear.gather [hbm4b:s5+s3], $0x2780, $0x38;
	[tilespmem:$0x1D000] =	vst v63  }
0x15: {  	_ =	swait.ge [sflag:s12], $0x2780  }
0x16: {  	[sflag:s12] =	ssyncset.done $0x0  }
0x17: {  	[sflag:s12] =	ssyncadd.s32 $0xFFFFD880  }
0x18: {  	[tilespmem:s13], [sflag:$0x2] =	stream.linear.gather [hbm4b:s6+s3], $0x2780, $0x38;
	[tilespmem:$0x1D000] =	vst v63  }
0x19: {  	_ =	swait.ge [sflag:s12], $0x2780  }
0x1a: {  	[sflag:s12] =	ssyncset.done $0x0  }
0x1b: {  	[sflag:s12] =	ssyncadd.s32 $0xFFFFD880  }
0x1c: {  	s18 =	simm.s32 $0x0;
	[bflag:$0x0] =	sbarrier.arrive $0xFFFF  }
0x1d: {  	[tilespmem:s15], [sflag:$0x1] =	stream.indirect.gather [hbm4b:s4+s14], $0x80, s18, s14, $0xb8;
	[tilespmem:$0x1D000] =	vst v63  }
0x1e: {  	_ =	swait.ge [sflag:s16], $0x4000  }
0x1f: {  	[sflag:s16] =	ssyncset.done $0x0  }
0x20: {  	s31 =	simm.s32 $0x2800;
	[sflag:s16] =	ssyncadd.s32 $0xFFFFC000  }
0x21: {  	[spmem:s2] =	stream.indirect.scatter.add.f32 [tilespmem:s15], [sflag:$0x2], $0x80, s31, s14, $0xb8;
	[tilespmem:$0x1D000] =	vst v63  }
0x22: {  	_ =	swait.ge [sflag:s12], $0x4000  }
0x23: {  	s19 =	simm.s32 $0x400;
	s18 =	simm.s32 $0x200;
	[sflag:s12] =	ssyncset.done $0x0  }
.LBB2_2:
0x24: {  	s20 =	sshra.s32 s18, $0x2  }
0x25: {  	[sflag:s12] =	ssyncadd.s32 $0xFFFFC000;
	s18 =	smov.u32 s19;
	s21 =	sadd.s32 $0x200, s19  }
0x26: {  	[tilespmem:s15], [sflag:$0x1] =	stream.indirect.gather [hbm4b:s4+s14], $0x80, s20, s14, $0xb8;
	[tilespmem:$0x1D000] =	vst v63  }
0x27: {  	p0 =	sne.s32 s19, $0x9C00;
	_ =	swait.ge [sflag:s16], $0x4000  }
.Ltmp0:
0x28: {  	[sflag:s16] =	ssyncset.done $0x0;
	(pc) =	sbr.rel @p0 .LBB2_2-.Ltmp0, $4  }
0x29: {  	s19 =	sadd.s32 $0x2800, s20;
	[sflag:s16] =	ssyncadd.s32 $0xFFFFC000  }
0x2a: {  	[spmem:s2] =	stream.indirect.scatter.add.f32 [tilespmem:s15], [sflag:$0x2], $0x80, s19, s14, $0xb8;
	[tilespmem:$0x1D000] =	vst v63  }
0x2b: {  	_ =	swait.ge [sflag:s12], $0x4000  }
0x2c: {  	s19 =	smov.u32 s21;
	[sflag:s12] =	ssyncset.done $0x0  }
0x2d: {  	s18 =	sshra.s32 s18, $0x2;
	[sflag:s12] =	ssyncadd.s32 $0xFFFFC000  }
0x2e: {  	[tilespmem:s15], [sflag:$0x1] =	stream.indirect.gather [hbm4b:s4+s14], $0x80, s18, s14, $0xb8;
	[tilespmem:$0x1D000] =	vst v63  }
0x2f: {  	_ =	swait.ge [sflag:s16], $0x4000  }
0x30: {  	[sflag:s16] =	ssyncset.done $0x0  }
0x31: {  	s18 =	sadd.s32 $0x2800, s18;
	[sflag:s16] =	ssyncadd.s32 $0xFFFFC000  }
0x32: {  	[spmem:s2] =	stream.indirect.scatter.add.f32 [tilespmem:s15], [sflag:$0x2], $0x80, s18, s14, $0xb8;
	[tilespmem:$0x1D000] =	vst v63  }
0x33: {  	_ =	swait.ge [sflag:s12], $0x4000  }
0x34: {  	s17 =	sadd.s32 $0x1, s17;
	[sflag:s12] =	ssyncset.done $0x0  }
0x35: {  	p0 =	sne.s32 s17, s8;
	[sflag:s12] =	ssyncadd.s32 $0xFFFFC000  }
.Ltmp1:
0x36: {  	[bflag:$0x0] =	sbarrier.arrive $0xFFFF;
	(pc) =	sbr.rel @p0 .LBB2_1-.Ltmp1, $4  }
0x37: {  	[hbm:s7], [sflag:s10] =	dma.local [spmem:s11], $0x2800  }
0x38: {  	_ =	swait.ge [sflag:s12], $0x2800  }
0x39: {  	[sflag:s12] =	ssyncset.done $0x0  }
0x3a: {  	[sflag:s12] =	ssyncadd.s32 $0xFFFFD800  }
0x3b: {  	_ =	sfence.sel $0x180000  }
0x3c: {  	[bflag:$0x0] =	sbarrier.arrive $0xFFFF  }
0x3d: {  	p0 =	sne.s32 s0, $0x0;
	_ =	strace $0x9000004A  }
0x3e: {  	s0 =	sadd.s32 @!p0 $0x100000, s1;
	[bflag:$0x2] =	sbarrier.arrive $0xFFFF  }
0x3f: {  	[sflag:s0] =	ssyncadd.tile.s32 @!p0 $0x1;
	_ =	shalt  }
.Lfunc_end2:
_tile_overlayer_lowered:
.L_overlay_start_2:
0x40: {  	(tag) =	ssettag $0x2  }
0x41: {  	s0 =	rddreg [dreg:$0x0];
	s2 =	stileid.u32  }
0x42: {  	s1 =	rddreg [dreg:$0x1];
	p0 =	sne.s32 s2, $0x0  }
0x43: {  	s3 =	rddreg [dreg:$0x2];
	[bflag:$0x3] =	sbarrier.arrive $0xFFFF;
	s2 =	simm.s32 @!p0 $0x1C02  }
0x44: {  	[timem:s3], [sflag:s2] =	dma.local @!p0 [hbm:s0], s1  }
0x45: {  	s0 =	simm.s32 @!p0 $0x2  }
0x46: {  	_ =	swait.ge @!p0 [sflag:s0], s1  }
0x47: {  	s1 =	ssub.s32 @!p0 $0x0, s1;
	[sflag:s0] =	ssyncset.done @!p0 $0x0  }
0x48: {  	[sflag:s0] =	ssyncadd.s32 @!p0 s1  }
0x49: {  	[bflag:$0x3] =	sbarrier.arrive $0xFFFF  }
0x4a: {  	_ =	shalt  }

// kernel: kernel.18.cloned.1.call-start
scs
__scs_entry_jumppad:
0x0: {  	(pc) =	sbr.rel $0x88, $3  }
0x1: {  	(tag) =	ssettag $0x0;
	lr =	simm.s32 $0x1  }
0x2: {  	[smem:$0x3F93] =	sst lr;
	_ =	strace $0xD0000000  }
0x3: {  	_ = 	snop  }
0x4: {  	_ = 	snop  }
0x5: {  	_ = 	snop  }
0x6: {  	_ = 	snop  }
0x7: {  	_ = 	snop  }
__scs_overlays_trampoline_lowered:
0x8: {  	[smem:$0x3FA2] =	sst s0  }
0x9: {  	[smem:$0x3FA3] =	sst s1  }
0xa: {  	[smem:$0x3FA4] =	sst s2  }
0xb: {  	[smem:$0x3FA5] =	sst s3  }
0xc: {  	[smem:$0x3FA6] =	sst s4  }
0xd: {  	[smem:$0x3FA7] =	sst s5  }
0xe: {  	[smem:$0x3FA8] =	sst s6  }
0xf: {  	[smem:$0x3FA9] =	sst s7  }
0x10: {  	[smem:$0x3FAA] =	sst s8  }
0x11: {  	[smem:$0x3FAB] =	sst s9;
	s0 =	simm.s32 @!p0 $0x0  }
0x12: {  	s1 =	sld [smem:$0x3F91];
	s0 =	simm.s32 @p0 $0x1  }
0x13: {  	[smem:$0x3FAC] =	sst s0;
	s0 =	simm.s32 @!p1 $0x0  }
0x14: {  	s2 =	sld [smem:$0x3F90];
	s0 =	simm.s32 @p1 $0x1  }
0x15: {  	[smem:$0x3FAD] =	sst s0;
	s0 =	simm.s32 @!p2 $0x0  }
0x16: {  	s3 =	sld [smem:$0x3FDB];
	s0 =	simm.s32 @p2 $0x1  }
0x17: {  	s4 =	simm.s32 $0x1BF5;
	[smem:$0x3FAF] =	sst s0  }
0x18: {  	s0 =	sld [smem:$0x3F92];
	_ =	swait.ge [sflag:s4], $0x0  }
0x19: {  	s7 =	sld [smem:$0x3F93]  }
0x1a: {  	s8 =	sadd.s32 $0xFFFFE003, lr  }
0x1b: {  	s9 =	sadd.s32 $0xFFFFFEF7, lr;
	s5 =	simm.s32 $0xFFFFFFFF;
	p2 =	slt.u32 s8, $0xFFFFF086  }
0x1c: {  	p1 =	slt.u32 s9, $0xF7A;
	s5 =	simm.s32 @!p2 $0x0  }
0x1d: {  	s5 =	simm.s32 @p1 $0x1;
	p0 =	seq.s32 s7, s2  }
0x1e: {  	s7 =	smul.u32 @!p0 $0xF7A, s2;
	p2 =	seq.s32 @!p0 s5, $0x0  }
0x1f: {  	s9 =	smul.u32 $0xF7A, s1;
	s8 =	simm.s32 @!p0 $0x1BF5;
	p2 =	por !p2, p0  }
0x20: {  	[sflag:s8] =	ssyncset.s32 @!p0 $0xFFFFF086;
	s6 =	sadd.s32 @!p0 s3, s7;
	s7 =	simm.s32 @!p0 $0x108  }
0x21: {  	s3 =	sadd.s32 s3, s9;
	s6 =	sadd.s32 @!p0 $0x88, s6;
	s7 =	simm.s32 @p2 $0x1082  }
0x22: {  	[simem:s7], [sflag:s8] =	dma.local @!p0 [hbm:s6], $0xF7A  }
0x23: {  	s9 =	sor.u32 $0xD0000000, s2;
	s6 =	simm.s32 $0x108;
	_ =	swait.ge @!p0 [sflag:s8], $0x0  }
0x24: {  	s3 =	sadd.s32 $0x88, s3;
	s6 =	simm.s32 @!p1 $0x1082;
	[sflag:s4] =	ssyncset.s32 $0xFFFFF086  }
0x25: {  	[simem:s6], [sflag:s4] =	dma.local [hbm:s3], $0xF7A  }
0x26: {  	[smem:$0x3F93] =	sst s1;
	(tag) =	ssettag s2;
	_ =	strace s9  }
0x27: {  	s1 =	sld [smem:$0x3FA3]  }
0x28: {  	s2 =	sld [smem:$0x3FA4]  }
0x29: {  	s4 =	sld [smem:$0x3FA6]  }
0x2a: {  	p0 =	seq.s32 s5, $0x0;
	s5 =	sld [smem:$0x3FA7]  }
0x2b: {  	s6 =	sld [smem:$0x3FA8]  }
0x2c: {  	s7 =	sld [smem:$0x3FA9]  }
0x2d: {  	s3 =	simm.s32 $0x108;
	s8 =	sld [smem:$0x3FAA]  }
0x2e: {  	s3 =	simm.s32 @!p0 $0x1082;
	s9 =	sld [smem:$0x3FAB]  }
0x2f: {  	lr =	sadd.s32 s0, s3;
	s0 =	sld [smem:$0x3FA2]  }
0x30: {  	s3 =	sld [smem:$0x3FA5]  }
0x31: {  	[smem:$0x3FAE] =	sst s10  }
0x32: {  	s10 =	sld [smem:$0x3FAC];
	_ =	sdelay $0x3  }
0x33: {  	p0 =	seq.s32 s10, $0x1;
	s10 =	sld [smem:$0x3FAE];
	_ =	sdelay $0x3  }
0x34: {  	[smem:$0x3FAE] =	sst s10  }
0x35: {  	s10 =	sld [smem:$0x3FAD];
	_ =	sdelay $0x3  }
0x36: {  	p1 =	seq.s32 s10, $0x1;
	s10 =	sld [smem:$0x3FAE];
	_ =	sdelay $0x3  }
0x37: {  	[smem:$0x3FAE] =	sst s10  }
0x38: {  	s10 =	sld [smem:$0x3FAF]  }
0x39: {  	_ = 	snop;
	(pc) =	sbr.ind lr, $3  }
0x3a: {  	_ = 	snop  }
0x3b: {  	_ = 	snop  }
0x3c: {  	p2 =	seq.s32 s10, $0x1;
	s10 =	sld [smem:$0x3FAE]  }
0x3d: {  	_ =	shalt  }
0x3e: {  	_ =	shalt  }
0x3f: {  	_ =	shalt  }
0x40: {  	_ =	shalt  }
0x41: {  	_ =	shalt  }
0x42: {  	_ =	shalt  }
0x43: {  	_ =	shalt  }
0x44: {  	_ =	shalt  }
0x45: {  	_ =	shalt  }
0x46: {  	_ =	shalt  }
0x47: {  	_ =	shalt  }
0x48: {  	_ =	shalt  }
0x49: {  	_ =	shalt  }
0x4a: {  	_ =	shalt  }
0x4b: {  	_ =	shalt  }
0x4c: {  	_ =	shalt  }
0x4d: {  	_ =	shalt  }
0x4e: {  	_ =	shalt  }
0x4f: {  	_ =	shalt  }
0x50: {  	_ =	shalt  }
0x51: {  	_ =	shalt  }
0x52: {  	_ =	shalt  }
0x53: {  	_ =	shalt  }
0x54: {  	_ =	shalt  }
0x55: {  	_ =	shalt  }
0x56: {  	_ =	shalt  }
0x57: {  	_ =	shalt  }
0x58: {  	_ =	shalt  }
0x59: {  	_ =	shalt  }
0x5a: {  	_ =	shalt  }
0x5b: {  	_ =	shalt  }
0x5c: {  	_ =	shalt  }
0x5d: {  	_ =	shalt  }
0x5e: {  	_ =	shalt  }
0x5f: {  	_ =	shalt  }
0x60: {  	_ =	shalt  }
0x61: {  	_ =	shalt  }
0x62: {  	_ =	shalt  }
0x63: {  	_ =	shalt  }
0x64: {  	_ =	shalt  }
0x65: {  	_ =	shalt  }
0x66: {  	_ =	shalt  }
0x67: {  	_ =	shalt  }
0x68: {  	_ =	shalt  }
0x69: {  	_ =	shalt  }
0x6a: {  	_ =	shalt  }
0x6b: {  	_ =	shalt  }
0x6c: {  	_ =	shalt  }
0x6d: {  	_ =	shalt  }
0x6e: {  	_ =	shalt  }
0x6f: {  	_ =	shalt  }
0x70: {  	_ =	shalt  }
0x71: {  	_ =	shalt  }
0x72: {  	_ =	shalt  }
0x73: {  	_ =	shalt  }
0x74: {  	_ =	shalt  }
0x75: {  	_ =	shalt  }
0x76: {  	_ =	shalt  }
0x77: {  	_ =	shalt  }
0x78: {  	_ =	shalt  }
0x79: {  	_ =	shalt  }
0x7a: {  	_ =	shalt  }
0x7b: {  	_ =	shalt  }
0x7c: {  	_ =	shalt  }
0x7d: {  	_ =	shalt  }
0x7e: {  	_ =	shalt  }
0x7f: {  	_ =	shalt  }
0x80: {  	_ =	shalt  }
0x81: {  	_ =	shalt  }
0x82: {  	_ =	shalt  }
0x83: {  	_ =	shalt  }
0x84: {  	_ =	shalt  }
0x85: {  	_ =	shalt  }
0x86: {  	_ =	shalt  }
0x87: {  	_ =	shalt  }
.Lfunc_end0:
.L_simem_size_0:
called_computation.2_lowered:
.L_overlay_start_0:
0x88: {  	s2 =	sld [smem:$0x3FD9]  }
0x89: {  	s3 =	sld [smem:$0x3FFE];
	_ =	sdelay $0x1  }
0x8a: {  	s1 =	srdreg.scid  }
0x8b: {  	s0 =	sand.u32 $0x1, s1  }
0x8c: {  	s16 =	sshll.u32 s0, $0xA;
	s2 =	sadd.s32 s3, s2  }
0x8d: {  	s2 =	sadd.s32 s2, s16  }
0x8e: {  	[smem:$0x3FBA] =	sst s2  }
0x8f: {  	_ = 	snop  }
0x90: {  	(tm) =	ssettm $0x1  }
0x91: {  	s17 =	sld [smem:$0x3FFB];
	_ =	sdelay $0x3  }
0x92: {  	_ =	strace s17  }
0x93: {  	s2 =	sld [smem:$0x3FFC];
	_ =	sdelay $0x3  }
0x94: {  	_ =	strace s2  }
0x95: {  	s2 =	sld [smem:$0x3FFD];
	_ =	sdelay $0x3  }
0x96: {  	_ =	strace s2  }
0x97: {  	_ =	strace $0x8FFFFFFF  }
0x98: {  	s18 =	sld [smem:$0x3FDB];
	_ =	sdelay $0x1  }
0x99: {  	s19 =	simm.s32 $_scs_section_size  }
0x9a: {  	s4 =	simm.s32 $_size__tile_overlayer_lowered;
	s5 =	simm.s32 $_tile_overlayer_lowered  }
0x9b: {  	s22 =	simm.s32 $0x1BFF;
	s21 =	sshll.u32 s5, $0x1;
	s2 =	sadd.s32 s19, s18  }
0x9c: {  	s6 =	simm.s32 $0x0;
	s20 =	sshll.u32 s4, $0x1;
	s4 =	sadd.s32 s21, s2  }
0x9d: {  	[timem:s6], [sflag:s22] =	dma.local [hbm:s4], s20  }
0x9e: {  	_ =	swait.ge [sflag:s22], s20  }
0x9f: {  	s3 =	ssub.s32 $0x0, s20;
	[sflag:s22] =	ssyncset.done $0x0  }
0xa0: {  	[sflag:s22] =	ssyncadd.s32 s3;
	_ =	sdelay $0x1  }
0xa1: {  	s23 =	simm.s32 $0x1B8B  }
0xa2: {  	_ =	swait.ge [sflag:s23], $0x1  }
0xa3: {  	[sflag:s23] =	ssyncset.done $0x0  }
0xa4: {  	s25 =	simm.s32 $0x1B8E;
	s24 =	sld [smem:$0x3FFE];
	[sflag:s23] =	ssyncadd.s32 $0xFFFFFFFF  }
0xa5: {  	s26 =	simm.s32 $execute0_lowered;
	[smem:$0x3FD2] =	sst s25  }
0xa6: {  	s4 =	sshll.u32 s26, $0x1;
	_ =	strace $0x8000004C;
	[dreg:$0x1] =	wrdreg $0xFFFFFFFF  }
0xa7: {  	s28 =	simm.s32 $_size_execute0_lowered;
	s2 =	sadd.s32 s2, s4;
	[dreg:$0x0] =	wrdreg $0x0  }
0xa8: {  	s4 =	sshll.u32 s28, $0x1;
	[dreg:$0x2] =	wrdreg s2  }
0xa9: {  	[dreg:$0x3] =	wrdreg s4  }
0xaa: {  	[dreg:$0x4] =	wrdreg $0xC0  }
0xab: {  	_ =	task [dreg:s6], $0x5FFFF  }
0xac: {  	[dreg:$0x1] =	wrdreg $0xFFFFFFFF  }
0xad: {  	[dreg:$0x0] =	wrdreg $0x60  }
0xae: {  	[dreg:$0x2] =	wrdreg s24  }
0xaf: {  	[dreg:$0x3] =	wrdreg $0x90000  }
0xb0: {  	[dreg:$0x4] =	wrdreg $0x9  }
0xb1: {  	_ =	task.clear_ibuf [dreg:s6], $0x5FFFF;
	_ =	strace $0x9000004C  }
0xb2: {  	s29 =	simm.s32 $0x9;
	_ =	strace $0x8000004E  }
0xb3: {  	_ =	swait.ge [sflag:s29], $0x1  }
0xb4: {  	[sflag:s29] =	ssyncadd.s32 $0xFFFFFFFF  }
0xb5: {  	_ =	strace $0x9000004E  }
0xb6: {  	_ =	sfence  }
0xb7: {  	s30 =	sld [smem:$0x0];
	_ =	sdelay $0x2  }
0xb8: {  	s31 =	sshll.u32 s1, $0xD;
	s1 =	sshrl.u32 s1, $0x2  }
0xb9: {  	s3 =	sand.u32 $0x4000, s31;
	s1 =	sadd.s32 s1, s30  }
0xba: {  	s0 =	sor.u32 s3, s0;
	s1 =	sshll.u32 s1, $0x11  }
0xbb: {  	s0 =	sor.u32 s1, s0  }
0xbc: {  	s0 =	sadd.s32 $0x8F2B, s0  }
0xbd: {  	[sflag:s0] =	ssyncadd.remote.s32 $0x1  }
0xbe: {  	_ =	sfence.sel $0xFFFF  }
0xbf: {  	[dreg:$0x0] =	wrdreg $0xFFFFFFFF;
	(pc) =	sbr.abs _section_cstart, $3  }
0xc0: {  	[dreg:$0x1] =	wrdreg $0xFFFFFFFF  }
0xc1: {  	_ =	task.clear_ibuf [dreg:s6], $0x2FFFF;
	_ =	strace $0x9FFFFFFF  }
0xc2: {  	(tm) =	ssettm $0x7FFFFFFF  }
0xc3: {  	_ =	shalt  }
tec
execute0_lowered:
.L_overlay_start_1:
0x0: {  	(tag) =	ssettag $0x1  }
0x1: {  	s1 =	srdreg.scid;
	s6 =	rddreg [dreg:$0x0]  }
0x2: {  	s0 =	stileid.u32;
	s2 =	rddreg [dreg:$0x1]  }
0x3: {  	s3 =	simm.s32 $0x0;
	s14 =	simm.s32 $0x80;
	s15 =	simm.s32 $0x5000  }
0x4: {  	s16 =	simm.s32 $0x1;
	s17 =	simm.s32 $0x0;
	s5 =	sand.u32 $0x1, s1  }
0x5: {  	s26 =	sshll.u32 s0, $0x1;
	[smem:$0x7FF] =	sst s3;
	s9 =	smul.u32 $0x14000, s0  }
0x6: {  	s4 =	sadd.s32 $0xDA00, s6;
	s10 =	smul.u32 $0x50000, s0;
	s11 =	sadd.s32 $0x40C00, s6  }
0x7: {  	s31 =	smul.u32 $0x2800, s0;
	s13 =	sshll.u32 s0, $0x6;
	s1 =	sor.u32 s5, s26  }
0x8: {  	s8 =	smul.u32 $0x140000, s5;
	s28 =	ssub.s32 $0x2, s5;
	p0 =	seq.s32 s5, $0x0  }
0x9: {  	s7 =	smul.u32 $0x500, s1;
	s1 =	rddreg [dreg:$0x2];
	_ =	strace $0x8000004D  }
0xa: {  	s12 =	sshrl.u32 s28, $0x1;
	s29 =	sshrl.u32 s10, $0x2;
	s11 =	smov.u32 @p0 s4  }
0xb: {  	s10 =	sor.u32 $0x1C02, s13;
	s13 =	simm.s32 $0x2800;
	s8 =	sadd.s32 s9, s8  }
0xc: {  	s9 =	ssub.s32 s28, s12;
	s30 =	sadd.s32 s29, s2;
	s8 =	sshrl.u32 s8, $0x3  }
0xd: {  	s12 =	simm.s32 $0x2;
	s7 =	sadd.s32 s7, s6;
	s8 =	sadd.s32 s8, s6  }
0xe: {  	s5 =	sadd.s32 $0x36C00, s7;
	s6 =	sadd.s32 $0x3A00, s7;
	s7 =	sadd.s32 $0x68C00, s8  }
0xf: {  	s8 =	smax.u32 s9, $0x1;
	s9 =	sadd.s32 s11, s31;
	s11 =	sshrl.u32 s30, $0x3  }
.LBB2_1:
0x10: {  	[spmem:s11], [sflag:s10] =	dma.local [hbm:s9], $0x2800  }
0x11: {  	_ =	swait.ge [sflag:s12], $0x2800  }
0x12: {  	[sflag:s12] =	ssyncset.done $0x0  }
0x13: {  	[sflag:s12] =	ssyncadd.s32 $0xFFFFD800  }
0x14: {  	[tilespmem:s3], [sflag:$0x2] =	stream.linear.gather [hbm4b:s5+s3], $0x2780, $0x38;
	[tilespmem:$0x1D000] =	vst v63  }
0x15: {  	_ =	swait.ge [sflag:s12], $0x2780  }
0x16: {  	[sflag:s12] =	ssyncset.done $0x0  }
0x17: {  	[sflag:s12] =	ssyncadd.s32 $0xFFFFD880  }
0x18: {  	[tilespmem:s13], [sflag:$0x2] =	stream.linear.gather [hbm4b:s6+s3], $0x2780, $0x38;
	[tilespmem:$0x1D000] =	vst v63  }
0x19: {  	_ =	swait.ge [sflag:s12], $0x2780  }
0x1a: {  	[sflag:s12] =	ssyncset.done $0x0  }
0x1b: {  	[sflag:s12] =	ssyncadd.s32 $0xFFFFD880  }
0x1c: {  	s18 =	simm.s32 $0x0;
	[bflag:$0x0] =	sbarrier.arrive $0xFFFF  }
0x1d: {  	[tilespmem:s15], [sflag:$0x1] =	stream.indirect.gather [hbm4b:s4+s14], $0x80, s18, s14, $0xb8;
	[tilespmem:$0x1D000] =	vst v63  }
0x1e: {  	_ =	swait.ge [sflag:s16], $0x4000  }
0x1f: {  	[sflag:s16] =	ssyncset.done $0x0  }
0x20: {  	s31 =	simm.s32 $0x2800;
	[sflag:s16] =	ssyncadd.s32 $0xFFFFC000  }
0x21: {  	[spmem:s2] =	stream.indirect.scatter.add.f32 [tilespmem:s15], [sflag:$0x2], $0x80, s31, s14, $0xb8;
	[tilespmem:$0x1D000] =	vst v63  }
0x22: {  	_ =	swait.ge [sflag:s12], $0x4000  }
0x23: {  	s19 =	simm.s32 $0x400;
	s18 =	simm.s32 $0x200;
	[sflag:s12] =	ssyncset.done $0x0  }
.LBB2_2:
0x24: {  	s20 =	sshra.s32 s18, $0x2  }
0x25: {  	[sflag:s12] =	ssyncadd.s32 $0xFFFFC000;
	s18 =	smov.u32 s19;
	s21 =	sadd.s32 $0x200, s19  }
0x26: {  	[tilespmem:s15], [sflag:$0x1] =	stream.indirect.gather [hbm4b:s4+s14], $0x80, s20, s14, $0xb8;
	[tilespmem:$0x1D000] =	vst v63  }
0x27: {  	p0 =	sne.s32 s19, $0x9C00;
	_ =	swait.ge [sflag:s16], $0x4000  }
.Ltmp0:
0x28: {  	[sflag:s16] =	ssyncset.done $0x0;
	(pc) =	sbr.rel @p0 .LBB2_2-.Ltmp0, $4  }
0x29: {  	s19 =	sadd.s32 $0x2800, s20;
	[sflag:s16] =	ssyncadd.s32 $0xFFFFC000  }
0x2a: {  	[spmem:s2] =	stream.indirect.scatter.add.f32 [tilespmem:s15], [sflag:$0x2], $0x80, s19, s14, $0xb8;
	[tilespmem:$0x1D000] =	vst v63  }
0x2b: {  	_ =	swait.ge [sflag:s12], $0x4000  }
0x2c: {  	s19 =	smov.u32 s21;
	[sflag:s12] =	ssyncset.done $0x0  }
0x2d: {  	s18 =	sshra.s32 s18, $0x2;
	[sflag:s12] =	ssyncadd.s32 $0xFFFFC000  }
0x2e: {  	[tilespmem:s15], [sflag:$0x1] =	stream.indirect.gather [hbm4b:s4+s14], $0x80, s18, s14, $0xb8;
	[tilespmem:$0x1D000] =	vst v63  }
0x2f: {  	_ =	swait.ge [sflag:s16], $0x4000  }
0x30: {  	[sflag:s16] =	ssyncset.done $0x0  }
0x31: {  	s18 =	sadd.s32 $0x2800, s18;
	[sflag:s16] =	ssyncadd.s32 $0xFFFFC000  }
0x32: {  	[spmem:s2] =	stream.indirect.scatter.add.f32 [tilespmem:s15], [sflag:$0x2], $0x80, s18, s14, $0xb8;
	[tilespmem:$0x1D000] =	vst v63  }
0x33: {  	_ =	swait.ge [sflag:s12], $0x4000  }
0x34: {  	s17 =	sadd.s32 $0x1, s17;
	[sflag:s12] =	ssyncset.done $0x0  }
0x35: {  	p0 =	sne.s32 s17, s8;
	[sflag:s12] =	ssyncadd.s32 $0xFFFFC000  }
.Ltmp1:
0x36: {  	[bflag:$0x0] =	sbarrier.arrive $0xFFFF;
	(pc) =	sbr.rel @p0 .LBB2_1-.Ltmp1, $4  }
0x37: {  	[hbm:s7], [sflag:s10] =	dma.local [spmem:s11], $0x2800  }
0x38: {  	_ =	swait.ge [sflag:s12], $0x2800  }
0x39: {  	[sflag:s12] =	ssyncset.done $0x0  }
0x3a: {  	[sflag:s12] =	ssyncadd.s32 $0xFFFFD800  }
0x3b: {  	_ =	sfence.sel $0x180000  }
0x3c: {  	[bflag:$0x0] =	sbarrier.arrive $0xFFFF  }
0x3d: {  	p0 =	sne.s32 s0, $0x0;
	_ =	strace $0x9000004D  }
0x3e: {  	s0 =	sadd.s32 @!p0 $0x100000, s1;
	[bflag:$0x2] =	sbarrier.arrive $0xFFFF  }
0x3f: {  	[sflag:s0] =	ssyncadd.tile.s32 @!p0 $0x1;
	_ =	shalt  }
.Lfunc_end2:
_tile_overlayer_lowered:
.L_overlay_start_2:
0x40: {  	(tag) =	ssettag $0x2  }
0x41: {  	s0 =	rddreg [dreg:$0x0];
	s2 =	stileid.u32  }
0x42: {  	s1 =	rddreg [dreg:$0x1];
	p0 =	sne.s32 s2, $0x0  }
0x43: {  	s3 =	rddreg [dreg:$0x2];
	[bflag:$0x3] =	sbarrier.arrive $0xFFFF;
	s2 =	simm.s32 @!p0 $0x1C02  }
0x44: {  	[timem:s3], [sflag:s2] =	dma.local @!p0 [hbm:s0], s1  }
0x45: {  	s0 =	simm.s32 @!p0 $0x2  }
0x46: {  	_ =	swait.ge @!p0 [sflag:s0], s1  }
0x47: {  	s1 =	ssub.s32 @!p0 $0x0, s1;
	[sflag:s0] =	ssyncset.done @!p0 $0x0  }
0x48: {  	[sflag:s0] =	ssyncadd.s32 @!p0 s1  }
0x49: {  	[bflag:$0x3] =	sbarrier.arrive $0xFFFF  }
0x4a: {  	_ =	shalt  }

// kernel: kernel.21.cloned.1.call-start
scs
__scs_entry_jumppad:
0x0: {  	(pc) =	sbr.rel $0x88, $3  }
0x1: {  	(tag) =	ssettag $0x0;
	lr =	simm.s32 $0x1  }
0x2: {  	[smem:$0x3F93] =	sst lr;
	_ =	strace $0xD0000000  }
0x3: {  	_ = 	snop  }
0x4: {  	_ = 	snop  }
0x5: {  	_ = 	snop  }
0x6: {  	_ = 	snop  }
0x7: {  	_ = 	snop  }
__scs_overlays_trampoline_lowered:
0x8: {  	[smem:$0x3FA2] =	sst s0  }
0x9: {  	[smem:$0x3FA3] =	sst s1  }
0xa: {  	[smem:$0x3FA4] =	sst s2  }
0xb: {  	[smem:$0x3FA5] =	sst s3  }
0xc: {  	[smem:$0x3FA6] =	sst s4  }
0xd: {  	[smem:$0x3FA7] =	sst s5  }
0xe: {  	[smem:$0x3FA8] =	sst s6  }
0xf: {  	[smem:$0x3FA9] =	sst s7  }
0x10: {  	[smem:$0x3FAA] =	sst s8  }
0x11: {  	[smem:$0x3FAB] =	sst s9;
	s0 =	simm.s32 @!p0 $0x0  }
0x12: {  	s1 =	sld [smem:$0x3F91];
	s0 =	simm.s32 @p0 $0x1  }
0x13: {  	[smem:$0x3FAC] =	sst s0;
	s0 =	simm.s32 @!p1 $0x0  }
0x14: {  	s2 =	sld [smem:$0x3F90];
	s0 =	simm.s32 @p1 $0x1  }
0x15: {  	[smem:$0x3FAD] =	sst s0;
	s0 =	simm.s32 @!p2 $0x0  }
0x16: {  	s3 =	sld [smem:$0x3FDB];
	s0 =	simm.s32 @p2 $0x1  }
0x17: {  	s4 =	simm.s32 $0x1BF5;
	[smem:$0x3FAF] =	sst s0  }
0x18: {  	s0 =	sld [smem:$0x3F92];
	_ =	swait.ge [sflag:s4], $0x0  }
0x19: {  	s7 =	sld [smem:$0x3F93]  }
0x1a: {  	s8 =	sadd.s32 $0xFFFFE003, lr  }
0x1b: {  	s9 =	sadd.s32 $0xFFFFFEF7, lr;
	s5 =	simm.s32 $0xFFFFFFFF;
	p2 =	slt.u32 s8, $0xFFFFF086  }
0x1c: {  	p1 =	slt.u32 s9, $0xF7A;
	s5 =	simm.s32 @!p2 $0x0  }
0x1d: {  	s5 =	simm.s32 @p1 $0x1;
	p0 =	seq.s32 s7, s2  }
0x1e: {  	s7 =	smul.u32 @!p0 $0xF7A, s2;
	p2 =	seq.s32 @!p0 s5, $0x0  }
0x1f: {  	s9 =	smul.u32 $0xF7A, s1;
	s8 =	simm.s32 @!p0 $0x1BF5;
	p2 =	por !p2, p0  }
0x20: {  	[sflag:s8] =	ssyncset.s32 @!p0 $0xFFFFF086;
	s6 =	sadd.s32 @!p0 s3, s7;
	s7 =	simm.s32 @!p0 $0x108  }
0x21: {  	s3 =	sadd.s32 s3, s9;
	s6 =	sadd.s32 @!p0 $0x88, s6;
	s7 =	simm.s32 @p2 $0x1082  }
0x22: {  	[simem:s7], [sflag:s8] =	dma.local @!p0 [hbm:s6], $0xF7A  }
0x23: {  	s9 =	sor.u32 $0xD0000000, s2;
	s6 =	simm.s32 $0x108;
	_ =	swait.ge @!p0 [sflag:s8], $0x0  }
0x24: {  	s3 =	sadd.s32 $0x88, s3;
	s6 =	simm.s32 @!p1 $0x1082;
	[sflag:s4] =	ssyncset.s32 $0xFFFFF086  }
0x25: {  	[simem:s6], [sflag:s4] =	dma.local [hbm:s3], $0xF7A  }
0x26: {  	[smem:$0x3F93] =	sst s1;
	(tag) =	ssettag s2;
	_ =	strace s9  }
0x27: {  	s1 =	sld [smem:$0x3FA3]  }
0x28: {  	s2 =	sld [smem:$0x3FA4]  }
0x29: {  	s4 =	sld [smem:$0x3FA6]  }
0x2a: {  	p0 =	seq.s32 s5, $0x0;
	s5 =	sld [smem:$0x3FA7]  }
0x2b: {  	s6 =	sld [smem:$0x3FA8]  }
0x2c: {  	s7 =	sld [smem:$0x3FA9]  }
0x2d: {  	s3 =	simm.s32 $0x108;
	s8 =	sld [smem:$0x3FAA]  }
0x2e: {  	s3 =	simm.s32 @!p0 $0x1082;
	s9 =	sld [smem:$0x3FAB]  }
0x2f: {  	lr =	sadd.s32 s0, s3;
	s0 =	sld [smem:$0x3FA2]  }
0x30: {  	s3 =	sld [smem:$0x3FA5]  }
0x31: {  	[smem:$0x3FAE] =	sst s10  }
0x32: {  	s10 =	sld [smem:$0x3FAC];
	_ =	sdelay $0x3  }
0x33: {  	p0 =	seq.s32 s10, $0x1;
	s10 =	sld [smem:$0x3FAE];
	_ =	sdelay $0x3  }
0x34: {  	[smem:$0x3FAE] =	sst s10  }
0x35: {  	s10 =	sld [smem:$0x3FAD];
	_ =	sdelay $0x3  }
0x36: {  	p1 =	seq.s32 s10, $0x1;
	s10 =	sld [smem:$0x3FAE];
	_ =	sdelay $0x3  }
0x37: {  	[smem:$0x3FAE] =	sst s10  }
0x38: {  	s10 =	sld [smem:$0x3FAF]  }
0x39: {  	_ = 	snop;
	(pc) =	sbr.ind lr, $3  }
0x3a: {  	_ = 	snop  }
0x3b: {  	_ = 	snop  }
0x3c: {  	p2 =	seq.s32 s10, $0x1;
	s10 =	sld [smem:$0x3FAE]  }
0x3d: {  	_ =	shalt  }
0x3e: {  	_ =	shalt  }
0x3f: {  	_ =	shalt  }
0x40: {  	_ =	shalt  }
0x41: {  	_ =	shalt  }
0x42: {  	_ =	shalt  }
0x43: {  	_ =	shalt  }
0x44: {  	_ =	shalt  }
0x45: {  	_ =	shalt  }
0x46: {  	_ =	shalt  }
0x47: {  	_ =	shalt  }
0x48: {  	_ =	shalt  }
0x49: {  	_ =	shalt  }
0x4a: {  	_ =	shalt  }
0x4b: {  	_ =	shalt  }
0x4c: {  	_ =	shalt  }
0x4d: {  	_ =	shalt  }
0x4e: {  	_ =	shalt  }
0x4f: {  	_ =	shalt  }
0x50: {  	_ =	shalt  }
0x51: {  	_ =	shalt  }
0x52: {  	_ =	shalt  }
0x53: {  	_ =	shalt  }
0x54: {  	_ =	shalt  }
0x55: {  	_ =	shalt  }
0x56: {  	_ =	shalt  }
0x57: {  	_ =	shalt  }
0x58: {  	_ =	shalt  }
0x59: {  	_ =	shalt  }
0x5a: {  	_ =	shalt  }
0x5b: {  	_ =	shalt  }
0x5c: {  	_ =	shalt  }
0x5d: {  	_ =	shalt  }
0x5e: {  	_ =	shalt  }
0x5f: {  	_ =	shalt  }
0x60: {  	_ =	shalt  }
0x61: {  	_ =	shalt  }
0x62: {  	_ =	shalt  }
0x63: {  	_ =	shalt  }
0x64: {  	_ =	shalt  }
0x65: {  	_ =	shalt  }
0x66: {  	_ =	shalt  }
0x67: {  	_ =	shalt  }
0x68: {  	_ =	shalt  }
0x69: {  	_ =	shalt  }
0x6a: {  	_ =	shalt  }
0x6b: {  	_ =	shalt  }
0x6c: {  	_ =	shalt  }
0x6d: {  	_ =	shalt  }
0x6e: {  	_ =	shalt  }
0x6f: {  	_ =	shalt  }
0x70: {  	_ =	shalt  }
0x71: {  	_ =	shalt  }
0x72: {  	_ =	shalt  }
0x73: {  	_ =	shalt  }
0x74: {  	_ =	shalt  }
0x75: {  	_ =	shalt  }
0x76: {  	_ =	shalt  }
0x77: {  	_ =	shalt  }
0x78: {  	_ =	shalt  }
0x79: {  	_ =	shalt  }
0x7a: {  	_ =	shalt  }
0x7b: {  	_ =	shalt  }
0x7c: {  	_ =	shalt  }
0x7d: {  	_ =	shalt  }
0x7e: {  	_ =	shalt  }
0x7f: {  	_ =	shalt  }
0x80: {  	_ =	shalt  }
0x81: {  	_ =	shalt  }
0x82: {  	_ =	shalt  }
0x83: {  	_ =	shalt  }
0x84: {  	_ =	shalt  }
0x85: {  	_ =	shalt  }
0x86: {  	_ =	shalt  }
0x87: {  	_ =	shalt  }
.Lfunc_end0:
.L_simem_size_0:
called_computation.3_lowered:
.L_overlay_start_0:
0x88: {  	s2 =	sld [smem:$0x3FD9]  }
0x89: {  	s3 =	sld [smem:$0x3FFE];
	_ =	sdelay $0x1  }
0x8a: {  	s1 =	srdreg.scid  }
0x8b: {  	s0 =	sand.u32 $0x1, s1  }
0x8c: {  	s16 =	sshll.u32 s0, $0xA;
	s2 =	sadd.s32 s3, s2  }
0x8d: {  	s2 =	sadd.s32 s2, s16  }
0x8e: {  	[smem:$0x3FBA] =	sst s2  }
0x8f: {  	_ = 	snop  }
0x90: {  	(tm) =	ssettm $0x1  }
0x91: {  	s17 =	sld [smem:$0x3FFB];
	_ =	sdelay $0x3  }
0x92: {  	_ =	strace s17  }
0x93: {  	s2 =	sld [smem:$0x3FFC];
	_ =	sdelay $0x3  }
0x94: {  	_ =	strace s2  }
0x95: {  	s2 =	sld [smem:$0x3FFD];
	_ =	sdelay $0x3  }
0x96: {  	_ =	strace s2  }
0x97: {  	_ =	strace $0x8FFFFFFF  }
0x98: {  	s18 =	sld [smem:$0x3FDB];
	_ =	sdelay $0x1  }
0x99: {  	s19 =	simm.s32 $_scs_section_size  }
0x9a: {  	s4 =	simm.s32 $_size__tile_overlayer_lowered;
	s5 =	simm.s32 $_tile_overlayer_lowered  }
0x9b: {  	s22 =	simm.s32 $0x1BFF;
	s21 =	sshll.u32 s5, $0x1;
	s2 =	sadd.s32 s19, s18  }
0x9c: {  	s6 =	simm.s32 $0x0;
	s20 =	sshll.u32 s4, $0x1;
	s4 =	sadd.s32 s21, s2  }
0x9d: {  	[timem:s6], [sflag:s22] =	dma.local [hbm:s4], s20  }
0x9e: {  	_ =	swait.ge [sflag:s22], s20  }
0x9f: {  	s3 =	ssub.s32 $0x0, s20;
	[sflag:s22] =	ssyncset.done $0x0  }
0xa0: {  	[sflag:s22] =	ssyncadd.s32 s3;
	_ =	sdelay $0x1  }
0xa1: {  	s23 =	simm.s32 $0x1B8B  }
0xa2: {  	_ =	swait.ge [sflag:s23], $0x1  }
0xa3: {  	[sflag:s23] =	ssyncset.done $0x0  }
0xa4: {  	s25 =	simm.s32 $0x1B8E;
	s24 =	sld [smem:$0x3FFE];
	[sflag:s23] =	ssyncadd.s32 $0xFFFFFFFF  }
0xa5: {  	s26 =	simm.s32 $execute0_lowered;
	[smem:$0x3FD2] =	sst s25  }
0xa6: {  	s4 =	sshll.u32 s26, $0x1;
	_ =	strace $0x8000004F;
	[dreg:$0x1] =	wrdreg $0xFFFFFFFF  }
0xa7: {  	s28 =	simm.s32 $_size_execute0_lowered;
	s2 =	sadd.s32 s2, s4;
	[dreg:$0x0] =	wrdreg $0x0  }
0xa8: {  	s4 =	sshll.u32 s28, $0x1;
	[dreg:$0x2] =	wrdreg s2  }
0xa9: {  	[dreg:$0x3] =	wrdreg s4  }
0xaa: {  	[dreg:$0x4] =	wrdreg $0xC0  }
0xab: {  	_ =	task [dreg:s6], $0x5FFFF  }
0xac: {  	[dreg:$0x1] =	wrdreg $0xFFFFFFFF  }
0xad: {  	[dreg:$0x0] =	wrdreg $0x60  }
0xae: {  	[dreg:$0x2] =	wrdreg s24  }
0xaf: {  	[dreg:$0x3] =	wrdreg $0x90000  }
0xb0: {  	[dreg:$0x4] =	wrdreg $0x9  }
0xb1: {  	_ =	task.clear_ibuf [dreg:s6], $0x5FFFF;
	_ =	strace $0x9000004F  }
0xb2: {  	s29 =	simm.s32 $0x9;
	_ =	strace $0x80000051  }
0xb3: {  	_ =	swait.ge [sflag:s29], $0x1  }
0xb4: {  	[sflag:s29] =	ssyncadd.s32 $0xFFFFFFFF  }
0xb5: {  	_ =	strace $0x90000051  }
0xb6: {  	_ =	sfence  }
0xb7: {  	s30 =	sld [smem:$0x0];
	_ =	sdelay $0x2  }
0xb8: {  	s31 =	sshll.u32 s1, $0xD;
	s1 =	sshrl.u32 s1, $0x2  }
0xb9: {  	s3 =	sand.u32 $0x4000, s31;
	s1 =	sadd.s32 s1, s30  }
0xba: {  	s0 =	sor.u32 s3, s0;
	s1 =	sshll.u32 s1, $0x11  }
0xbb: {  	s0 =	sor.u32 s1, s0  }
0xbc: {  	s0 =	sadd.s32 $0x8F2B, s0  }
0xbd: {  	[sflag:s0] =	ssyncadd.remote.s32 $0x1  }
0xbe: {  	_ =	sfence.sel $0xFFFF  }
0xbf: {  	[dreg:$0x0] =	wrdreg $0xFFFFFFFF;
	(pc) =	sbr.abs _section_cstart, $3  }
0xc0: {  	[dreg:$0x1] =	wrdreg $0xFFFFFFFF  }
0xc1: {  	_ =	task.clear_ibuf [dreg:s6], $0x2FFFF;
	_ =	strace $0x9FFFFFFF  }
0xc2: {  	(tm) =	ssettm $0x7FFFFFFF  }
0xc3: {  	_ =	shalt  }
tec
execute0_lowered:
.L_overlay_start_1:
0x0: {  	(tag) =	ssettag $0x1  }
0x1: {  	s1 =	srdreg.scid;
	s6 =	rddreg [dreg:$0x0]  }
0x2: {  	s0 =	stileid.u32;
	s2 =	rddreg [dreg:$0x1]  }
0x3: {  	s3 =	simm.s32 $0x0;
	s14 =	simm.s32 $0x80;
	s15 =	simm.s32 $0x5000  }
0x4: {  	s16 =	simm.s32 $0x1;
	s17 =	simm.s32 $0x0;
	s5 =	sand.u32 $0x1, s1  }
0x5: {  	s26 =	sshll.u32 s0, $0x1;
	[smem:$0x7FF] =	sst s3;
	s9 =	smul.u32 $0x14000, s0  }
0x6: {  	s4 =	sadd.s32 $0xDA00, s6;
	s10 =	smul.u32 $0x50000, s0;
	s11 =	sadd.s32 $0x40C00, s6  }
0x7: {  	s31 =	smul.u32 $0x2800, s0;
	s13 =	sshll.u32 s0, $0x6;
	s1 =	sor.u32 s5, s26  }
0x8: {  	s8 =	smul.u32 $0x140000, s5;
	s28 =	ssub.s32 $0x2, s5;
	p0 =	seq.s32 s5, $0x0  }
0x9: {  	s7 =	smul.u32 $0x500, s1;
	s1 =	rddreg [dreg:$0x2];
	_ =	strace $0x80000050  }
0xa: {  	s12 =	sshrl.u32 s28, $0x1;
	s29 =	sshrl.u32 s10, $0x2;
	s11 =	smov.u32 @p0 s4  }
0xb: {  	s10 =	sor.u32 $0x1C02, s13;
	s13 =	simm.s32 $0x2800;
	s8 =	sadd.s32 s9, s8  }
0xc: {  	s9 =	ssub.s32 s28, s12;
	s30 =	sadd.s32 s29, s2;
	s8 =	sshrl.u32 s8, $0x3  }
0xd: {  	s12 =	simm.s32 $0x2;
	s7 =	sadd.s32 s7, s6;
	s8 =	sadd.s32 s8, s6  }
0xe: {  	s5 =	sadd.s32 $0x36C00, s7;
	s6 =	sadd.s32 $0x3A00, s7;
	s7 =	sadd.s32 $0x68C00, s8  }
0xf: {  	s8 =	smax.u32 s9, $0x1;
	s9 =	sadd.s32 s11, s31;
	s11 =	sshrl.u32 s30, $0x3  }
.LBB2_1:
0x10: {  	[spmem:s11], [sflag:s10] =	dma.local [hbm:s9], $0x2800  }
0x11: {  	_ =	swait.ge [sflag:s12], $0x2800  }
0x12: {  	[sflag:s12] =	ssyncset.done $0x0  }
0x13: {  	[sflag:s12] =	ssyncadd.s32 $0xFFFFD800  }
0x14: {  	[tilespmem:s3], [sflag:$0x2] =	stream.linear.gather [hbm4b:s5+s3], $0x2780, $0x38;
	[tilespmem:$0x1D000] =	vst v63  }
0x15: {  	_ =	swait.ge [sflag:s12], $0x2780  }
0x16: {  	[sflag:s12] =	ssyncset.done $0x0  }
0x17: {  	[sflag:s12] =	ssyncadd.s32 $0xFFFFD880  }
0x18: {  	[tilespmem:s13], [sflag:$0x2] =	stream.linear.gather [hbm4b:s6+s3], $0x2780, $0x38;
	[tilespmem:$0x1D000] =	vst v63  }
0x19: {  	_ =	swait.ge [sflag:s12], $0x2780  }
0x1a: {  	[sflag:s12] =	ssyncset.done $0x0  }
0x1b: {  	[sflag:s12] =	ssyncadd.s32 $0xFFFFD880  }
0x1c: {  	s18 =	simm.s32 $0x0;
	[bflag:$0x0] =	sbarrier.arrive $0xFFFF  }
0x1d: {  	[tilespmem:s15], [sflag:$0x1] =	stream.indirect.gather [hbm4b:s4+s14], $0x80, s18, s14, $0xb8;
	[tilespmem:$0x1D000] =	vst v63  }
0x1e: {  	_ =	swait.ge [sflag:s16], $0x4000  }
0x1f: {  	[sflag:s16] =	ssyncset.done $0x0  }
0x20: {  	s31 =	simm.s32 $0x2800;
	[sflag:s16] =	ssyncadd.s32 $0xFFFFC000  }
0x21: {  	[spmem:s2] =	stream.indirect.scatter.add.f32 [tilespmem:s15], [sflag:$0x2], $0x80, s31, s14, $0xb8;
	[tilespmem:$0x1D000] =	vst v63  }
0x22: {  	_ =	swait.ge [sflag:s12], $0x4000  }
0x23: {  	s19 =	simm.s32 $0x400;
	s18 =	simm.s32 $0x200;
	[sflag:s12] =	ssyncset.done $0x0  }
.LBB2_2:
0x24: {  	s20 =	sshra.s32 s18, $0x2  }
0x25: {  	[sflag:s12] =	ssyncadd.s32 $0xFFFFC000;
	s18 =	smov.u32 s19;
	s21 =	sadd.s32 $0x200, s19  }
0x26: {  	[tilespmem:s15], [sflag:$0x1] =	stream.indirect.gather [hbm4b:s4+s14], $0x80, s20, s14, $0xb8;
	[tilespmem:$0x1D000] =	vst v63  }
0x27: {  	p0 =	sne.s32 s19, $0x9C00;
	_ =	swait.ge [sflag:s16], $0x4000  }
.Ltmp0:
0x28: {  	[sflag:s16] =	ssyncset.done $0x0;
	(pc) =	sbr.rel @p0 .LBB2_2-.Ltmp0, $4  }
0x29: {  	s19 =	sadd.s32 $0x2800, s20;
	[sflag:s16] =	ssyncadd.s32 $0xFFFFC000  }
0x2a: {  	[spmem:s2] =	stream.indirect.scatter.add.f32 [tilespmem:s15], [sflag:$0x2], $0x80, s19, s14, $0xb8;
	[tilespmem:$0x1D000] =	vst v63  }
0x2b: {  	_ =	swait.ge [sflag:s12], $0x4000  }
0x2c: {  	s19 =	smov.u32 s21;
	[sflag:s12] =	ssyncset.done $0x0  }
0x2d: {  	s18 =	sshra.s32 s18, $0x2;
	[sflag:s12] =	ssyncadd.s32 $0xFFFFC000  }
0x2e: {  	[tilespmem:s15], [sflag:$0x1] =	stream.indirect.gather [hbm4b:s4+s14], $0x80, s18, s14, $0xb8;
	[tilespmem:$0x1D000] =	vst v63  }
0x2f: {  	_ =	swait.ge [sflag:s16], $0x4000  }
0x30: {  	[sflag:s16] =	ssyncset.done $0x0  }
0x31: {  	s18 =	sadd.s32 $0x2800, s18;
	[sflag:s16] =	ssyncadd.s32 $0xFFFFC000  }
0x32: {  	[spmem:s2] =	stream.indirect.scatter.add.f32 [tilespmem:s15], [sflag:$0x2], $0x80, s18, s14, $0xb8;
	[tilespmem:$0x1D000] =	vst v63  }
0x33: {  	_ =	swait.ge [sflag:s12], $0x4000  }
0x34: {  	s17 =	sadd.s32 $0x1, s17;
	[sflag:s12] =	ssyncset.done $0x0  }
0x35: {  	p0 =	sne.s32 s17, s8;
	[sflag:s12] =	ssyncadd.s32 $0xFFFFC000  }
.Ltmp1:
0x36: {  	[bflag:$0x0] =	sbarrier.arrive $0xFFFF;
	(pc) =	sbr.rel @p0 .LBB2_1-.Ltmp1, $4  }
0x37: {  	[hbm:s7], [sflag:s10] =	dma.local [spmem:s11], $0x2800  }
0x38: {  	_ =	swait.ge [sflag:s12], $0x2800  }
0x39: {  	[sflag:s12] =	ssyncset.done $0x0  }
0x3a: {  	[sflag:s12] =	ssyncadd.s32 $0xFFFFD800  }
0x3b: {  	_ =	sfence.sel $0x180000  }
0x3c: {  	[bflag:$0x0] =	sbarrier.arrive $0xFFFF  }
0x3d: {  	p0 =	sne.s32 s0, $0x0;
	_ =	strace $0x90000050  }
0x3e: {  	s0 =	sadd.s32 @!p0 $0x100000, s1;
	[bflag:$0x2] =	sbarrier.arrive $0xFFFF  }
0x3f: {  	[sflag:s0] =	ssyncadd.tile.s32 @!p0 $0x1;
	_ =	shalt  }
.Lfunc_end2:
_tile_overlayer_lowered:
.L_overlay_start_2:
0x40: {  	(tag) =	ssettag $0x2  }
0x41: {  	s0 =	rddreg [dreg:$0x0];
	s2 =	stileid.u32  }
0x42: {  	s1 =	rddreg [dreg:$0x1];
	p0 =	sne.s32 s2, $0x0  }
0x43: {  	s3 =	rddreg [dreg:$0x2];
	[bflag:$0x3] =	sbarrier.arrive $0xFFFF;
	s2 =	simm.s32 @!p0 $0x1C02  }
0x44: {  	[timem:s3], [sflag:s2] =	dma.local @!p0 [hbm:s0], s1  }
0x45: {  	s0 =	simm.s32 @!p0 $0x2  }
0x46: {  	_ =	swait.ge @!p0 [sflag:s0], s1  }
0x47: {  	s1 =	ssub.s32 @!p0 $0x0, s1;
	[sflag:s0] =	ssyncset.done @!p0 $0x0  }
0x48: {  	[sflag:s0] =	ssyncadd.s32 @!p0 s1  }
0x49: {  	[bflag:$0x3] =	sbarrier.arrive $0xFFFF  }
0x4a: {  	_ =	shalt  }

// kernel: kernel.24.cloned.1.call-start
scs
__scs_entry_jumppad:
0x0: {  	(pc) =	sbr.rel $0x88, $3  }
0x1: {  	(tag) =	ssettag $0x0;
	lr =	simm.s32 $0x1  }
0x2: {  	[smem:$0x3F93] =	sst lr;
	_ =	strace $0xD0000000  }
0x3: {  	_ = 	snop  }
0x4: {  	_ = 	snop  }
0x5: {  	_ = 	snop  }
0x6: {  	_ = 	snop  }
0x7: {  	_ = 	snop  }
__scs_overlays_trampoline_lowered:
0x8: {  	[smem:$0x3FA2] =	sst s0  }
0x9: {  	[smem:$0x3FA3] =	sst s1  }
0xa: {  	[smem:$0x3FA4] =	sst s2  }
0xb: {  	[smem:$0x3FA5] =	sst s3  }
0xc: {  	[smem:$0x3FA6] =	sst s4  }
0xd: {  	[smem:$0x3FA7] =	sst s5  }
0xe: {  	[smem:$0x3FA8] =	sst s6  }
0xf: {  	[smem:$0x3FA9] =	sst s7  }
0x10: {  	[smem:$0x3FAA] =	sst s8  }
0x11: {  	[smem:$0x3FAB] =	sst s9;
	s0 =	simm.s32 @!p0 $0x0  }
0x12: {  	s1 =	sld [smem:$0x3F91];
	s0 =	simm.s32 @p0 $0x1  }
0x13: {  	[smem:$0x3FAC] =	sst s0;
	s0 =	simm.s32 @!p1 $0x0  }
0x14: {  	s2 =	sld [smem:$0x3F90];
	s0 =	simm.s32 @p1 $0x1  }
0x15: {  	[smem:$0x3FAD] =	sst s0;
	s0 =	simm.s32 @!p2 $0x0  }
0x16: {  	s3 =	sld [smem:$0x3FDB];
	s0 =	simm.s32 @p2 $0x1  }
0x17: {  	s4 =	simm.s32 $0x1BF5;
	[smem:$0x3FAF] =	sst s0  }
0x18: {  	s0 =	sld [smem:$0x3F92];
	_ =	swait.ge [sflag:s4], $0x0  }
0x19: {  	s7 =	sld [smem:$0x3F93]  }
0x1a: {  	s8 =	sadd.s32 $0xFFFFE003, lr  }
0x1b: {  	s9 =	sadd.s32 $0xFFFFFEF7, lr;
	s5 =	simm.s32 $0xFFFFFFFF;
	p2 =	slt.u32 s8, $0xFFFFF086  }
0x1c: {  	p1 =	slt.u32 s9, $0xF7A;
	s5 =	simm.s32 @!p2 $0x0  }
0x1d: {  	s5 =	simm.s32 @p1 $0x1;
	p0 =	seq.s32 s7, s2  }
0x1e: {  	s7 =	smul.u32 @!p0 $0xF7A, s2;
	p2 =	seq.s32 @!p0 s5, $0x0  }
0x1f: {  	s9 =	smul.u32 $0xF7A, s1;
	s8 =	simm.s32 @!p0 $0x1BF5;
	p2 =	por !p2, p0  }
0x20: {  	[sflag:s8] =	ssyncset.s32 @!p0 $0xFFFFF086;
	s6 =	sadd.s32 @!p0 s3, s7;
	s7 =	simm.s32 @!p0 $0x108  }
0x21: {  	s3 =	sadd.s32 s3, s9;
	s6 =	sadd.s32 @!p0 $0x88, s6;
	s7 =	simm.s32 @p2 $0x1082  }
0x22: {  	[simem:s7], [sflag:s8] =	dma.local @!p0 [hbm:s6], $0xF7A  }
0x23: {  	s9 =	sor.u32 $0xD0000000, s2;
	s6 =	simm.s32 $0x108;
	_ =	swait.ge @!p0 [sflag:s8], $0x0  }
0x24: {  	s3 =	sadd.s32 $0x88, s3;
	s6 =	simm.s32 @!p1 $0x1082;
	[sflag:s4] =	ssyncset.s32 $0xFFFFF086  }
0x25: {  	[simem:s6], [sflag:s4] =	dma.local [hbm:s3], $0xF7A  }
0x26: {  	[smem:$0x3F93] =	sst s1;
	(tag) =	ssettag s2;
	_ =	strace s9  }
0x27: {  	s1 =	sld [smem:$0x3FA3]  }
0x28: {  	s2 =	sld [smem:$0x3FA4]  }
0x29: {  	s4 =	sld [smem:$0x3FA6]  }
0x2a: {  	p0 =	seq.s32 s5, $0x0;
	s5 =	sld [smem:$0x3FA7]  }
0x2b: {  	s6 =	sld [smem:$0x3FA8]  }
0x2c: {  	s7 =	sld [smem:$0x3FA9]  }
0x2d: {  	s3 =	simm.s32 $0x108;
	s8 =	sld [smem:$0x3FAA]  }
0x2e: {  	s3 =	simm.s32 @!p0 $0x1082;
	s9 =	sld [smem:$0x3FAB]  }
0x2f: {  	lr =	sadd.s32 s0, s3;
	s0 =	sld [smem:$0x3FA2]  }
0x30: {  	s3 =	sld [smem:$0x3FA5]  }
0x31: {  	[smem:$0x3FAE] =	sst s10  }
0x32: {  	s10 =	sld [smem:$0x3FAC];
	_ =	sdelay $0x3  }
0x33: {  	p0 =	seq.s32 s10, $0x1;
	s10 =	sld [smem:$0x3FAE];
	_ =	sdelay $0x3  }
0x34: {  	[smem:$0x3FAE] =	sst s10  }
0x35: {  	s10 =	sld [smem:$0x3FAD];
	_ =	sdelay $0x3  }
0x36: {  	p1 =	seq.s32 s10, $0x1;
	s10 =	sld [smem:$0x3FAE];
	_ =	sdelay $0x3  }
0x37: {  	[smem:$0x3FAE] =	sst s10  }
0x38: {  	s10 =	sld [smem:$0x3FAF]  }
0x39: {  	_ = 	snop;
	(pc) =	sbr.ind lr, $3  }
0x3a: {  	_ = 	snop  }
0x3b: {  	_ = 	snop  }
0x3c: {  	p2 =	seq.s32 s10, $0x1;
	s10 =	sld [smem:$0x3FAE]  }
0x3d: {  	_ =	shalt  }
0x3e: {  	_ =	shalt  }
0x3f: {  	_ =	shalt  }
0x40: {  	_ =	shalt  }
0x41: {  	_ =	shalt  }
0x42: {  	_ =	shalt  }
0x43: {  	_ =	shalt  }
0x44: {  	_ =	shalt  }
0x45: {  	_ =	shalt  }
0x46: {  	_ =	shalt  }
0x47: {  	_ =	shalt  }
0x48: {  	_ =	shalt  }
0x49: {  	_ =	shalt  }
0x4a: {  	_ =	shalt  }
0x4b: {  	_ =	shalt  }
0x4c: {  	_ =	shalt  }
0x4d: {  	_ =	shalt  }
0x4e: {  	_ =	shalt  }
0x4f: {  	_ =	shalt  }
0x50: {  	_ =	shalt  }
0x51: {  	_ =	shalt  }
0x52: {  	_ =	shalt  }
0x53: {  	_ =	shalt  }
0x54: {  	_ =	shalt  }
0x55: {  	_ =	shalt  }
0x56: {  	_ =	shalt  }
0x57: {  	_ =	shalt  }
0x58: {  	_ =	shalt  }
0x59: {  	_ =	shalt  }
0x5a: {  	_ =	shalt  }
0x5b: {  	_ =	shalt  }
0x5c: {  	_ =	shalt  }
0x5d: {  	_ =	shalt  }
0x5e: {  	_ =	shalt  }
0x5f: {  	_ =	shalt  }
0x60: {  	_ =	shalt  }
0x61: {  	_ =	shalt  }
0x62: {  	_ =	shalt  }
0x63: {  	_ =	shalt  }
0x64: {  	_ =	shalt  }
0x65: {  	_ =	shalt  }
0x66: {  	_ =	shalt  }
0x67: {  	_ =	shalt  }
0x68: {  	_ =	shalt  }
0x69: {  	_ =	shalt  }
0x6a: {  	_ =	shalt  }
0x6b: {  	_ =	shalt  }
0x6c: {  	_ =	shalt  }
0x6d: {  	_ =	shalt  }
0x6e: {  	_ =	shalt  }
0x6f: {  	_ =	shalt  }
0x70: {  	_ =	shalt  }
0x71: {  	_ =	shalt  }
0x72: {  	_ =	shalt  }
0x73: {  	_ =	shalt  }
0x74: {  	_ =	shalt  }
0x75: {  	_ =	shalt  }
0x76: {  	_ =	shalt  }
0x77: {  	_ =	shalt  }
0x78: {  	_ =	shalt  }
0x79: {  	_ =	shalt  }
0x7a: {  	_ =	shalt  }
0x7b: {  	_ =	shalt  }
0x7c: {  	_ =	shalt  }
0x7d: {  	_ =	shalt  }
0x7e: {  	_ =	shalt  }
0x7f: {  	_ =	shalt  }
0x80: {  	_ =	shalt  }
0x81: {  	_ =	shalt  }
0x82: {  	_ =	shalt  }
0x83: {  	_ =	shalt  }
0x84: {  	_ =	shalt  }
0x85: {  	_ =	shalt  }
0x86: {  	_ =	shalt  }
0x87: {  	_ =	shalt  }
.Lfunc_end0:
.L_simem_size_0:
called_computation.4_lowered:
.L_overlay_start_0:
0x88: {  	s2 =	sld [smem:$0x3FD9]  }
0x89: {  	s3 =	sld [smem:$0x3FFE];
	_ =	sdelay $0x1  }
0x8a: {  	s1 =	srdreg.scid  }
0x8b: {  	s0 =	sand.u32 $0x1, s1  }
0x8c: {  	s17 =	sshll.u32 s0, $0xA;
	s2 =	sadd.s32 s3, s2  }
0x8d: {  	s2 =	sadd.s32 s2, s17  }
0x8e: {  	[smem:$0x3FBA] =	sst s2  }
0x8f: {  	_ = 	snop  }
0x90: {  	s2 =	sld [smem:$0x3FC7];
	(tm) =	ssettm $0x1  }
0x91: {  	s18 =	sld [smem:$0x3FFB];
	_ =	sdelay $0x3  }
0x92: {  	_ =	strace s18  }
0x93: {  	s3 =	sld [smem:$0x3FFC];
	_ =	sdelay $0x3  }
0x94: {  	_ =	strace s3  }
0x95: {  	s3 =	sld [smem:$0x3FFD];
	_ =	sdelay $0x3  }
0x96: {  	_ =	strace s3  }
0x97: {  	_ =	strace $0x8FFFFFFF  }
0x98: {  	s19 =	sld [smem:$0x3FDB];
	_ =	sdelay $0x1  }
0x99: {  	s4 =	simm.s32 $_scs_section_size  }
0x9a: {  	s5 =	simm.s32 $_size__tile_overlayer_lowered;
	s6 =	simm.s32 $_tile_overlayer_lowered  }
0x9b: {  	s22 =	simm.s32 $0x1BFF;
	s21 =	sshll.u32 s6, $0x1;
	s3 =	sadd.s32 s4, s19  }
0x9c: {  	s7 =	simm.s32 $0x0;
	s20 =	sshll.u32 s5, $0x1;
	s5 =	sadd.s32 s21, s3  }
0x9d: {  	[timem:s7], [sflag:s22] =	dma.local [hbm:s5], s20  }
0x9e: {  	_ =	swait.ge [sflag:s22], s20  }
0x9f: {  	s4 =	ssub.s32 $0x0, s20;
	[sflag:s22] =	ssyncset.done $0x0  }
0xa0: {  	[sflag:s22] =	ssyncadd.s32 s4;
	_ =	sdelay $0x1  }
0xa1: {  	s23 =	simm.s32 $0x1B8B  }
0xa2: {  	_ =	swait.ge [sflag:s23], $0x1  }
0xa3: {  	[sflag:s23] =	ssyncset.done $0x0  }
0xa4: {  	s25 =	simm.s32 $0x1B8E;
	s24 =	sld [smem:$0x3FFE];
	[sflag:s23] =	ssyncadd.s32 $0xFFFFFFFF  }
0xa5: {  	s26 =	simm.s32 $execute0_lowered;
	[smem:$0x3FD2] =	sst s25  }
0xa6: {  	s5 =	sshll.u32 s26, $0x1;
	_ =	strace $0x80000052;
	[dreg:$0x1] =	wrdreg $0xFFFFFFFF  }
0xa7: {  	s28 =	simm.s32 $_size_execute0_lowered;
	s3 =	sadd.s32 s3, s5;
	[dreg:$0x0] =	wrdreg $0x0  }
0xa8: {  	s5 =	sshll.u32 s28, $0x1;
	[dreg:$0x2] =	wrdreg s3  }
0xa9: {  	[dreg:$0x3] =	wrdreg s5  }
0xaa: {  	[dreg:$0x4] =	wrdreg $0xC0  }
0xab: {  	_ =	task [dreg:s7], $0x5FFFF  }
0xac: {  	[dreg:$0x1] =	wrdreg $0xFFFFFFFF  }
0xad: {  	[dreg:$0x0] =	wrdreg $0x60  }
0xae: {  	[dreg:$0x2] =	wrdreg s24  }
0xaf: {  	[dreg:$0x3] =	wrdreg s2  }
0xb0: {  	[dreg:$0x4] =	wrdreg $0x9  }
0xb1: {  	_ =	task.clear_ibuf [dreg:s7], $0x5FFFF;
	_ =	strace $0x90000052  }
0xb2: {  	s29 =	simm.s32 $0x9;
	_ =	strace $0x80000054  }
0xb3: {  	_ =	swait.ge [sflag:s29], $0x1  }
0xb4: {  	[sflag:s29] =	ssyncadd.s32 $0xFFFFFFFF  }
0xb5: {  	_ =	strace $0x90000054  }
0xb6: {  	_ =	sfence  }
0xb7: {  	s30 =	sld [smem:$0x0];
	_ =	sdelay $0x2  }
0xb8: {  	s31 =	sshll.u32 s1, $0xD;
	s1 =	sshrl.u32 s1, $0x2  }
0xb9: {  	s3 =	sand.u32 $0x4000, s31;
	s1 =	sadd.s32 s1, s30  }
0xba: {  	s0 =	sor.u32 s3, s0;
	s1 =	sshll.u32 s1, $0x11  }
0xbb: {  	s0 =	sor.u32 s1, s0  }
0xbc: {  	s0 =	sadd.s32 $0x8F2B, s0  }
0xbd: {  	[sflag:s0] =	ssyncadd.remote.s32 $0x1  }
0xbe: {  	_ =	sfence.sel $0xFFFF  }
0xbf: {  	[dreg:$0x0] =	wrdreg $0xFFFFFFFF;
	(pc) =	sbr.abs _section_cstart, $3  }
0xc0: {  	[dreg:$0x1] =	wrdreg $0xFFFFFFFF  }
0xc1: {  	_ =	task.clear_ibuf [dreg:s7], $0x2FFFF;
	_ =	strace $0x9FFFFFFF  }
0xc2: {  	(tm) =	ssettm $0x7FFFFFFF  }
0xc3: {  	_ =	shalt  }
tec
execute0_lowered:
.L_overlay_start_1:
0x0: {  	(tag) =	ssettag $0x1  }
0x1: {  	s1 =	srdreg.scid;
	s9 =	rddreg [dreg:$0x0]  }
0x2: {  	s0 =	stileid.u32;
	s3 =	rddreg [dreg:$0x1]  }
0x3: {  	s2 =	simm.s32 $0x0;
	s7 =	simm.s32 $0x80;
	s6 =	sand.u32 $0x1, s1  }
0x4: {  	s4 =	sshll.u32 s0, $0x7;
	s1 =	rddreg [dreg:$0x2];
	s5 =	sshll.u32 s6, $0x6  }
0x5: {  	s8 =	simm.s32 $0x1;
	[smem:$0x7FF] =	sst s2;
	s10 =	sor.u32 s5, s4  }
0x6: {  	_ =	strace $0x80000053;
	s11 =	ssub.s32 $0x2, s6;
	s4 =	sshrl.u32 s10, $0x3  }
0x7: {  	s6 =	simm.s32 $0x40;
	s4 =	sadd.s32 s3, s4;
	s3 =	simm.s32 $0x2  }
0x8: {  	[tilespmem:s2], [sflag:$0x2] =	stream.linear.gather [hbm4b:s4+s2], $0x40, $0x38;
	[tilespmem:$0x2080] =	vst v63  }
0x9: {  	s5 =	sadd.s32 $0x3A00, s9;
	s12 =	sshrl.u32 s11, $0x1;
	_ =	swait.ge [sflag:s3], $0x40  }
0xa: {  	s10 =	sshll.u32 s10, $0x4;
	s31 =	ssub.s32 s11, s12;
	[sflag:s3] =	ssyncset.done $0x0  }
0xb: {  	s9 =	sadd.s32 s10, s9;
	s10 =	smax.u32 s31, $0x1;
	[sflag:s3] =	ssyncadd.s32 $0xFFFFFFC0  }
0xc: {  	[tilespmem:s7], [sflag:$0x1] =	stream.indirect.gather [hbm4b:s5+s6], $0x80, s2, s6, $0xb8;
	[tilespmem:$0x2080] =	vst v63  }
0xd: {  	p0 =	sne.s32 s10, $0x1;
	_ =	swait.ge [sflag:s8], $0x2000  }
.Ltmp0:
0xe: {  	[sflag:s8] =	ssyncset.done $0x0;
	(pc) =	sbr.rel @!p0 .LBB2_2-.Ltmp0, $4  }
0xf: {  	s9 =	sadd.s32 $0x2BA00, s9;
	[sflag:s8] =	ssyncadd.s32 $0xFFFFE000  }
0x10: {  	[hbm4b:s9+s2] =	stream.linear.scatter [tilespmem:s7], [sflag:$0x2], $0x2000, $0x38;
	[tilespmem:$0x2080] =	vst v63  }
0x11: {  	_ =	swait.ge [sflag:s3], $0x2000  }
0x12: {  	s10 =	sadd.s32 $0xFFFFFFFF, s10;
	[sflag:s3] =	ssyncset.done $0x0  }
.LBB2_1:
0x13: {  	p0 =	sne.s32 s10, $0x1;
	s10 =	sadd.s32 $0xFFFFFFFF, s10;
	[sflag:s3] =	ssyncadd.s32 $0xFFFFE000  }
0x14: {  	[tilespmem:s2], [sflag:$0x2] =	stream.linear.gather [hbm4b:s4+s2], $0x40, $0x38;
	[tilespmem:$0x2080] =	vst v63  }
0x15: {  	_ =	swait.ge [sflag:s3], $0x40  }
0x16: {  	[sflag:s3] =	ssyncset.done $0x0  }
0x17: {  	[sflag:s3] =	ssyncadd.s32 $0xFFFFFFC0  }
0x18: {  	[tilespmem:s7], [sflag:$0x1] =	stream.indirect.gather [hbm4b:s5+s6], $0x80, s2, s6, $0xb8;
	[tilespmem:$0x2080] =	vst v63  }
0x19: {  	_ =	swait.ge [sflag:s8], $0x2000  }
.Ltmp1:
0x1a: {  	[sflag:s8] =	ssyncset.done $0x0;
	(pc) =	sbr.rel @p0 .LBB2_1-.Ltmp1, $4  }
0x1b: {  	[sflag:s8] =	ssyncadd.s32 $0xFFFFE000  }
0x1c: {  	[hbm4b:s9+s2] =	stream.linear.scatter [tilespmem:s7], [sflag:$0x2], $0x2000, $0x38;
	[tilespmem:$0x2080] =	vst v63  }
0x1d: {  	_ =	swait.ge [sflag:s3], $0x2000  }
0x1e: {  	[sflag:s3] =	ssyncset.done $0x0  }
.LBB2_2:
0x1f: {  	[sflag:s3] =	ssyncadd.s32 $0xFFFFE000  }
0x20: {  	_ =	sfence.sel $0x180000  }
0x21: {  	[bflag:$0x0] =	sbarrier.arrive $0xFFFF  }
0x22: {  	p0 =	sne.s32 s0, $0x0;
	_ =	strace $0x90000053  }
0x23: {  	s0 =	sadd.s32 @!p0 $0x100000, s1;
	[bflag:$0x2] =	sbarrier.arrive $0xFFFF  }
0x24: {  	[sflag:s0] =	ssyncadd.tile.s32 @!p0 $0x1;
	_ =	shalt  }
.Lfunc_end2:
_tile_overlayer_lowered:
.L_overlay_start_2:
0x25: {  	(tag) =	ssettag $0x2  }
0x26: {  	s0 =	rddreg [dreg:$0x0];
	s2 =	stileid.u32  }
0x27: {  	s1 =	rddreg [dreg:$0x1];
	p0 =	sne.s32 s2, $0x0  }
0x28: {  	s3 =	rddreg [dreg:$0x2];
	[bflag:$0x3] =	sbarrier.arrive $0xFFFF;
	s2 =	simm.s32 @!p0 $0x1C02  }
0x29: {  	[timem:s3], [sflag:s2] =	dma.local @!p0 [hbm:s0], s1  }
0x2a: {  	s0 =	simm.s32 @!p0 $0x2  }
0x2b: {  	_ =	swait.ge @!p0 [sflag:s0], s1  }
0x2c: {  	s1 =	ssub.s32 @!p0 $0x0, s1;
	[sflag:s0] =	ssyncset.done @!p0 $0x0  }
0x2d: {  	[sflag:s0] =	ssyncadd.s32 @!p0 s1  }
0x2e: {  	[bflag:$0x3] =	sbarrier.arrive $0xFFFF  }
0x2f: {  	_ =	shalt  }

</sc_bundles>
